<compile_context>
chip_gen: v7x
topology: tpu7x:2x2x1
jax: 0.10.2.dev20260603
libtpu: 0.0.44.dev20260713+nightly
codegen_flags: <defaults>
</compile_context>

<pallas_src>
import functools

import jax
import jax.numpy as jnp
from jax import lax
from jax.experimental import pallas as pl
from jax.experimental.pallas import tpu as pltpu
from jax.experimental.pallas import tpu_sc as plsc

N = 10000
NP = 10240
D = 256
DH = 128
E = 160000
EP = 163840
PAD = EP - E
NSUB = 16
NCORE = 2
NPT = NP // NSUB
CH = 128
EPT = EP // NSUB
NCHUNK = EPT // CH
NPAIR = NCHUNK // 2
DEG_CW = 128
DEG_ROWS_W = EP // DEG_CW // (NCORE * NSUB)

_mesh = plsc.VectorSubcoreMesh(
    core_axis_name="c", subcore_axis_name="s",
    num_cores=NCORE, num_subcores=NSUB)

_f32 = jnp.float32


def _deg_body(dst2_hbm, deg0_hbm, deg1_hbm, dacc, idx_v, ones_v, zbuf):
    c = lax.axis_index("c")
    s = lax.axis_index("s")
    w = c * NSUB + s
    rsl = pl.ds(s * NPT, NPT)

    @pl.loop(0, NPT // 16)
    def _(i):
        zbuf[pl.ds(i * 16, 16)] = jnp.zeros((16,), _f32)

    @pl.loop(0, DEG_CW // 16)
    def _(i):
        ones_v[pl.ds(i * 16, 16)] = jnp.full((16,), 1.0, _f32)

    pltpu.sync_copy(zbuf, dacc.at[rsl])
    pltpu.sync_copy(dst2_hbm.at[pl.ds(w * DEG_ROWS_W, DEG_ROWS_W)], idx_v)
    plsc.subcore_barrier()

    @pl.loop(0, DEG_ROWS_W)
    def _(j):
        pltpu.sync_copy(ones_v, dacc.at[idx_v.at[j]], add=True)

    plsc.subcore_barrier()

    @pl.when(c == 0)
    def _():
        pltpu.sync_copy(dacc.at[rsl], deg0_hbm.at[rsl])

    @pl.when(c == 1)
    def _():
        pltpu.sync_copy(dacc.at[rsl], deg1_hbm.at[rsl])


def _deg_call(dst2):
    return pl.kernel(
        _deg_body,
        out_type=[jax.ShapeDtypeStruct((NP,), _f32),
                  jax.ShapeDtypeStruct((NP,), _f32)],
        mesh=_mesh,
        scratch_types=[
            pltpu.VMEM_SHARED((NP,), _f32),
            pltpu.VMEM((DEG_ROWS_W, DEG_CW), jnp.int32),
            pltpu.VMEM((DEG_CW,), _f32),
            pltpu.VMEM((NPT,), _f32),
        ],
    )(dst2)


def _agg_body(tlo_hbm, thi_hbm, src2_hbm, dst2_hbm, olo_hbm, ohi_hbm,
              acc, sA, dA, sB, dB, rows0, rows1,
              semiA, semiB, semg0, semg1):
    c = lax.axis_index("c")
    s = lax.axis_index("s")
    rsl = pl.ds(s * NPT, NPT)
    rbase = s * NCHUNK

    @pl.when(c == 0)
    def _():
        pltpu.sync_copy(tlo_hbm.at[rsl], acc.at[rsl])

    @pl.when(c == 1)
    def _():
        pltpu.sync_copy(thi_hbm.at[rsl], acc.at[rsl])

    def load_idx(p, sbuf, dbuf, sem):
        rows = pl.ds(rbase + 2 * p, 2)
        pltpu.async_copy(src2_hbm.at[rows], sbuf, sem)
        pltpu.async_copy(dst2_hbm.at[rows], dbuf, sem)

    def wait_idx(p, sbuf, dbuf, sem):
        rows = pl.ds(rbase + 2 * p, 2)
        pltpu.make_async_copy(src2_hbm.at[rows], sbuf, sem).wait()
        pltpu.make_async_copy(dst2_hbm.at[rows], dbuf, sem).wait()

    load_idx(0, sA, dA, semiA)
    load_idx(1, sB, dB, semiB)
    plsc.subcore_barrier()

    def run(tbl):
        def gather(sbuf, half, rows, sem):
            pltpu.async_copy(tbl.at[sbuf.at[half]], rows, sem)

        def gwait(rows, sem):
            pltpu.make_async_copy(tbl.at[sA.at[0]], rows, sem).wait()

        wait_idx(0, sA, dA, semiA)
        gather(sA, 0, rows0, semg0)
        gather(sA, 1, rows1, semg1)

        def pair_body(p, sS, dS, semiS, sT, dT, semiT):
            gwait(rows0, semg0)
            pltpu.sync_copy(rows0, acc.at[dS.at[0]], add=True)

            @pl.when(p + 1 < NPAIR)
            def _():
                wait_idx(p + 1, sT, dT, semiT)
                gather(sT, 0, rows0, semg0)

            gwait(rows1, semg1)
            pltpu.sync_copy(rows1, acc.at[dS.at[1]], add=True)

            @pl.when(p + 2 < NPAIR)
            def _():
                load_idx(p + 2, sS, dS, semiS)

            @pl.when(p + 1 < NPAIR)
            def _():
                gather(sT, 1, rows1, semg1)

        @pl.loop(0, NPAIR // 2)
        def _(q):
            pair_body(2 * q, sA, dA, semiA, sB, dB, semiB)
            pair_body(2 * q + 1, sB, dB, semiB, sA, dA, semiA)

    @pl.when(c == 0)
    def _():
        run(tlo_hbm)

    @pl.when(c == 1)
    def _():
        run(thi_hbm)

    plsc.subcore_barrier()

    @pl.when(c == 0)
    def _():
        pltpu.sync_copy(acc.at[rsl], olo_hbm.at[rsl])

    @pl.when(c == 1)
    def _():
        pltpu.sync_copy(acc.at[rsl], ohi_hbm.at[rsl])


def _agg_call(glo, ghi, src2, dst2):
    return pl.kernel(
        _agg_body,
        out_type=[jax.ShapeDtypeStruct((NP, DH), _f32),
                  jax.ShapeDtypeStruct((NP, DH), _f32)],
        mesh=_mesh,
        scratch_types=[
            pltpu.VMEM_SHARED((NP, DH), _f32),
            pltpu.VMEM((2, CH), jnp.int32),
            pltpu.VMEM((2, CH), jnp.int32),
            pltpu.VMEM((2, CH), jnp.int32),
            pltpu.VMEM((2, CH), jnp.int32),
            pltpu.VMEM((CH, DH), _f32),
            pltpu.VMEM((CH, DH), _f32),
            pltpu.SemaphoreType.DMA,
            pltpu.SemaphoreType.DMA,
            pltpu.SemaphoreType.DMA,
            pltpu.SemaphoreType.DMA,
        ],
    )(glo, ghi, src2, dst2)


BM = 2000
_GRID = N // BM
_bf16 = jnp.bfloat16


def _DOT(a, b):
    ah = a.astype(_bf16)
    ar = (a - ah.astype(_f32)).astype(_bf16)
    bh = b.astype(_bf16)
    br = (b - bh.astype(_f32)).astype(_bf16)
    d = functools.partial(jnp.dot, preferred_element_type=_f32)
    return d(ah, bh) + d(ah, br) + d(ar, bh)


def _mmprep_body(x_ref, w_ref, d0_ref, d1_ref, glo_ref, ghi_ref, dv_ref):
    dv = lax.rsqrt(d0_ref[...] + d1_ref[...] + 1.0)
    g = _DOT(x_ref[...], w_ref[...]) * dv
    glo_ref[...] = g[:, :DH]
    ghi_ref[...] = g[:, DH:]
    dv_ref[...] = dv


def _mid_body(alo_ref, ahi_ref, dv_ref, b1_ref, w2_ref, glo_ref, ghi_ref):
    a = jnp.concatenate([alo_ref[...], ahi_ref[...]], axis=1)
    z = jnp.maximum(a * dv_ref[...] + b1_ref[...], 0.0)
    h2 = _DOT(z, w2_ref[...])
    g2 = h2 * dv_ref[...]
    glo_ref[...] = g2[:, :DH]
    ghi_ref[...] = g2[:, DH:]


def _fin_body(alo_ref, ahi_ref, dv_ref, b2_ref, o_ref):
    a = jnp.concatenate([alo_ref[...], ahi_ref[...]], axis=1)
    o_ref[...] = a * dv_ref[...] + b2_ref[...]


def _row_spec(cols):
    return pl.BlockSpec((BM, cols), lambda i: (i, 0))


_FULL_W = pl.BlockSpec((D, D), lambda i: (0, 0))
_FULL_B = pl.BlockSpec((1, D), lambda i: (0, 0))
_DV = pl.BlockSpec((BM, 1), lambda i: (i, 0))


def _mmprep_call(x, W1, deg0c, deg1c):
    return pl.pallas_call(
        _mmprep_body,
        grid=(_GRID,),
        in_specs=[_row_spec(D), _FULL_W, _DV, _DV],
        out_specs=[_row_spec(DH), _row_spec(DH), _DV],
        out_shape=[jax.ShapeDtypeStruct((NP, DH), _f32),
                   jax.ShapeDtypeStruct((NP, DH), _f32),
                   jax.ShapeDtypeStruct((NP, 1), _f32)],
    )(x, W1, deg0c, deg1c)


def _mid_call(alo, ahi, dv, b1, W2):
    return pl.pallas_call(
        _mid_body,
        grid=(_GRID,),
        in_specs=[_row_spec(DH), _row_spec(DH), _DV, _FULL_B, _FULL_W],
        out_specs=[_row_spec(DH), _row_spec(DH)],
        out_shape=[jax.ShapeDtypeStruct((NP, DH), _f32),
                   jax.ShapeDtypeStruct((NP, DH), _f32)],
    )(alo, ahi, dv, b1, W2)


def _fin_call(alo, ahi, dv, b2):
    return pl.pallas_call(
        _fin_body,
        grid=(_GRID,),
        in_specs=[_row_spec(DH), _row_spec(DH), _DV, _FULL_B],
        out_specs=_row_spec(D),
        out_shape=jax.ShapeDtypeStruct((N, D), _f32),
    )(alo, ahi, dv, b2)


def kernel(src, dst, distances, x, edge_index, W1, b1, W2, b2):
    s_idx = src.astype(jnp.int32)
    d_idx = dst.astype(jnp.int32)

    pad_cyc = jnp.arange(PAD, dtype=jnp.int32) % (NP - N)
    src2 = jnp.concatenate([s_idx, pad_cyc]).reshape(EP // CH, CH)
    dst2 = jnp.concatenate([d_idx, N + pad_cyc]).reshape(EP // CH, CH)

    b1r = b1.reshape(1, D)
    b2r = b2.reshape(1, D)

    deg0, deg1 = _deg_call(dst2)
    glo1, ghi1, dv = _mmprep_call(x, W1, deg0.reshape(NP, 1),
                                  deg1.reshape(NP, 1))
    alo1, ahi1 = _agg_call(glo1, ghi1, src2, dst2)
    glo2, ghi2 = _mid_call(alo1, ahi1, dv, b1r, W2)
    alo2, ahi2 = _agg_call(glo2, ghi2, src2, dst2)
    return _fin_call(alo2, ahi2, dv, b2r)

# --- scband reference (transcript-rebuilt; emitter-appended) ---
"""Pipeline reference for scband-gcn-39427799777587 (READ-ONLY COPY).

The authoritative reference and input builder live on the scoring server;
editing this copy changes nothing except your own understanding.
"""

import jax, jax.numpy as jnp
import numpy as np

N = 10000
E = 160000
D = 256
H = 256


def gcn_conv(x, edge_index, W, b):
    n = x.shape[0]
    s = jnp.concatenate([edge_index[0], jnp.arange(n, dtype=edge_index.dtype)])
    d = jnp.concatenate([edge_index[1], jnp.arange(n, dtype=edge_index.dtype)])
    deg = jax.ops.segment_sum(jnp.ones_like(s, dtype=x.dtype), d, num_segments=n)
    dinv = jnp.where(deg > 0, 1.0 / jnp.sqrt(deg), 0.0)
    norm = dinv[s] * dinv[d]
    h = x @ W
    msg = h[s] * norm[:, None]
    out = jax.ops.segment_sum(msg, d, num_segments=n) + b
    return out


def setup_inputs(seed: int = 0) -> dict:
    key = jax.random.key(seed)
    ks = jax.random.split(key, 8)
    src = jax.random.randint(ks[0], (E,), 0, N)
    dst = jax.random.randint(ks[1], (E,), 0, N)
    distances = jax.random.normal(ks[2], (E,), dtype=jnp.float32)
    x = jax.random.normal(ks[3], (N, D), dtype=jnp.float32)
    edge_index = jnp.stack([src, dst], axis=0)
    W1 = jax.random.normal(ks[4], (D, H), dtype=jnp.float32) / np.sqrt(D)
    b1 = jnp.zeros((H,), dtype=jnp.float32)
    W2 = jax.random.normal(ks[5], (H, H), dtype=jnp.float32) / np.sqrt(H)
    b2 = jnp.zeros((H,), dtype=jnp.float32)
    return {"src": src, "dst": dst, "distances": distances, "x": x,
            "edge_index": edge_index, "W1": W1, "b1": b1, "W2": W2, "b2": b2}


def reference(src, dst, distances, x, edge_index, W1, b1, W2, b2):
    # GCN.forward: x, edge_index taken from `data`; src/dst/distances unused by the module.
    h = gcn_conv(x, edge_index, W1, b1)
    h = jax.nn.relu(h)
    # dropout is identity at inference (training=False)
    h = gcn_conv(h, edge_index, W2, b2)
    return h

if __name__ == "__main__":
    import jax
    _d = setup_inputs()
    print(jax.jit(kernel)(*tuple(_d.values())))

</pallas_src>

<mosaic_0001>
#map = affine_map<(d0, d1) -> (0, 0)>
#map1 = affine_map<(d0, d1) -> (0)>
module attributes {stable_mosaic.version = 14 : i64} {
  func.func @_deg_body(%arg0: i32, %arg1: i32, %arg2: memref<1280x128xi32, #tpu.memory_space<hbm>>, %arg3: memref<10240xf32, #tpu.memory_space<hbm>>, %arg4: memref<10240xf32, #tpu.memory_space<hbm>>, %arg5: memref<10240xf32, #tpu.memory_space<vmem_shared>>, %arg6: memref<40x128xi32, #tpu.memory_space<vmem>>, %arg7: memref<128xf32, #tpu.memory_space<vmem>>, %arg8: memref<640xf32, #tpu.memory_space<vmem>>) attributes {dimension_semantics = [#tpu.dimension_semantics<core_parallel>, #tpu.dimension_semantics<subcore_parallel>], iteration_bounds = array<i64: 2, 16>, scalar_prefetch = 0 : i64, scratch_operands = 4 : i64, tpu.core_type = #tpu.core_type<sc_vector_subcore>, window_params = [{transform_indices = #map}, {transform_indices = #map1}, {transform_indices = #map1}]} {
    %mul3A = arith.constant 16 : i32
    %mul3A_0 = arith.muli %arg0, %mul3A : i32
    %add3A = arith.addi %mul3A_0, %arg1 : i32
    %mul3A_1 = arith.constant 640 : i32
    %mul3A_2 = arith.muli %arg1, %mul3A_1 : i32
    %scan3A = arith.constant 0 : i32
    %scan3A_3 = arith.constant 40 : i32
    %scan3A_4 = arith.addi %scan3A, %scan3A_3 : i32
    %scan3A_5 = arith.constant 1 : i32
    scf.for %scan3A_27 = %scan3A to %scan3A_4 step %scan3A_5  : i32 {
      %mul3A_28 = arith.constant 1 : i32
      %mul3A_29 = arith.muli %scan3A_27, %mul3A_28 : i32
      %add3A_30 = arith.constant 0 : i32
      %add3A_31 = arith.addi %add3A_30, %mul3A_29 : i32
      %broadcast_in_dim3A = arith.constant 0.000000e+00 : f32
      %broadcast_in_dim3A_32 = vector.broadcast %broadcast_in_dim3A : f32 to vector<16xf32>
      %mul3A_33 = arith.constant 16 : i32
      %mul3A_34 = arith.muli %add3A_31, %mul3A_33 : i32
      %swap3A = arith.index_cast %mul3A_34 : i32 to index
      %swap3A_35 = tpu.vector_load %arg8[%swap3A] {strides = array<i32>} : memref<640xf32, #tpu.memory_space<vmem>>, vector<16xf32>,
      %swap3A_36 = vector.shape_cast %swap3A_35 : vector<16xf32> to vector<16xf32>
      %swap3A_37 = vector.shape_cast %broadcast_in_dim3A_32 : vector<16xf32> to vector<16xf32>
      tpu.vector_store %arg8[%swap3A], %swap3A_37 {strides = array<i32>} : memref<640xf32, #tpu.memory_space<vmem>>, vector<16xf32>,
    }
    %scan3A_6 = arith.constant 40 : i32
    %scan3A_7 = arith.constant 0 : i32
    %scan3A_8 = arith.constant 8 : i32
    %scan3A_9 = arith.addi %scan3A_7, %scan3A_8 : i32
    %scan3A_10 = arith.constant 1 : i32
    scf.for %scan3A_27 = %scan3A_7 to %scan3A_9 step %scan3A_10  : i32 {
      %mul3A_28 = arith.constant 1 : i32
      %mul3A_29 = arith.muli %scan3A_27, %mul3A_28 : i32
      %add3A_30 = arith.constant 0 : i32
      %add3A_31 = arith.addi %add3A_30, %mul3A_29 : i32
      %broadcast_in_dim3A = arith.constant 1.000000e+00 : f32
      %broadcast_in_dim3A_32 = vector.broadcast %broadcast_in_dim3A : f32 to vector<16xf32>
      %mul3A_33 = arith.constant 16 : i32
      %mul3A_34 = arith.muli %add3A_31, %mul3A_33 : i32
      %swap3A = arith.index_cast %mul3A_34 : i32 to index
      %swap3A_35 = tpu.vector_load %arg7[%swap3A] {strides = array<i32>} : memref<128xf32, #tpu.memory_space<vmem>>, vector<16xf32>,
      %swap3A_36 = vector.shape_cast %swap3A_35 : vector<16xf32> to vector<16xf32>
      %swap3A_37 = vector.shape_cast %broadcast_in_dim3A_32 : vector<16xf32> to vector<16xf32>
      tpu.vector_store %arg7[%swap3A], %swap3A_37 {strides = array<i32>} : memref<128xf32, #tpu.memory_space<vmem>>, vector<16xf32>,
    }
    %scan3A_11 = arith.constant 8 : i32
    "tpu.region"() ({
      %run_scoped3A = tpu.sem_alloc : memref<!tpu.dma_semaphore, #tpu.memory_space<semaphore_mem>>
      %dma_start3A = tpu.memref_slice %arg5[%mul3A_2] : memref<10240xf32, #tpu.memory_space<vmem_shared>> -> memref<640xf32, #tpu.memory_space<vmem_shared>>
      %dma_start3A_27 = tpu.memref_slice %arg5[%mul3A_2] : memref<10240xf32, #tpu.memory_space<vmem_shared>> -> memref<640xf32, #tpu.memory_space<vmem_shared>>
      tpu.enqueue_dma source(%arg8 : memref<640xf32, #tpu.memory_space<vmem>>) target(%dma_start3A_27 : memref<640xf32, #tpu.memory_space<vmem_shared>>) target_semaphore(%run_scoped3A : memref<!tpu.dma_semaphore, #tpu.memory_space<semaphore_mem>>)
      %dma_wait3A = tpu.memref_slice %arg5[%mul3A_2] : memref<10240xf32, #tpu.memory_space<vmem_shared>> -> memref<640xf32, #tpu.memory_space<vmem_shared>>
      %dma_wait3A_28 = tpu.memref_slice %arg5[%mul3A_2] : memref<10240xf32, #tpu.memory_space<vmem_shared>> -> memref<640xf32, #tpu.memory_space<vmem_shared>>
      tpu.wait_dma2 semaphore(%run_scoped3A : memref<!tpu.dma_semaphore, #tpu.memory_space<semaphore_mem>>) src(%arg8 : memref<640xf32, #tpu.memory_space<vmem>>) dst(%dma_wait3A_28 : memref<640xf32, #tpu.memory_space<vmem_shared>>)
      tpu.yield
    }) : () -> ()
    %mul3A_12 = arith.constant 40 : i32
    %mul3A_13 = arith.muli %add3A, %mul3A_12 : i32
    "tpu.region"() ({
      %run_scoped3A = tpu.sem_alloc : memref<!tpu.dma_semaphore, #tpu.memory_space<semaphore_mem>>
      %dma_start3A = arith.constant 0 : i32
      %dma_start3A_27 = tpu.memref_slice %arg2[%mul3A_13, %dma_start3A] : memref<1280x128xi32, #tpu.memory_space<hbm>> -> memref<40x128xi32, #tpu.memory_space<hbm>>
      %dma_start3A_28 = arith.constant 0 : i32
      %dma_start3A_29 = tpu.memref_slice %arg2[%mul3A_13, %dma_start3A_28] : memref<1280x128xi32, #tpu.memory_space<hbm>> -> memref<40x128xi32, #tpu.memory_space<hbm>>
      tpu.enqueue_dma source(%dma_start3A_29 : memref<40x128xi32, #tpu.memory_space<hbm>>) target(%arg6 : memref<40x128xi32, #tpu.memory_space<vmem>>) target_semaphore(%run_scoped3A : memref<!tpu.dma_semaphore, #tpu.memory_space<semaphore_mem>>)
      %dma_wait3A = arith.constant 0 : i32
      %dma_wait3A_30 = tpu.memref_slice %arg2[%mul3A_13, %dma_wait3A] : memref<1280x128xi32, #tpu.memory_space<hbm>> -> memref<40x128xi32, #tpu.memory_space<hbm>>
      %dma_wait3A_31 = arith.constant 0 : i32
      %dma_wait3A_32 = tpu.memref_slice %arg2[%mul3A_13, %dma_wait3A_31] : memref<1280x128xi32, #tpu.memory_space<hbm>> -> memref<40x128xi32, #tpu.memory_space<hbm>>
      tpu.wait_dma2 semaphore(%run_scoped3A : memref<!tpu.dma_semaphore, #tpu.memory_space<semaphore_mem>>) src(%dma_wait3A_32 : memref<40x128xi32, #tpu.memory_space<hbm>>) dst(%arg6 : memref<40x128xi32, #tpu.memory_space<vmem>>)
      tpu.yield
    }) : () -> ()
    %barrier3A = arith.constant 0 : index
    tpu.barrier barrier_id(%barrier3A)
    %scan3A_14 = arith.constant 0 : i32
    %scan3A_15 = arith.constant 40 : i32
    %scan3A_16 = arith.addi %scan3A_14, %scan3A_15 : i32
    %scan3A_17 = arith.constant 1 : i32
    scf.for %scan3A_27 = %scan3A_14 to %scan3A_16 step %scan3A_17  : i32 {
      %mul3A_28 = arith.constant 1 : i32
      %mul3A_29 = arith.muli %scan3A_27, %mul3A_28 : i32
      %add3A_30 = arith.constant 0 : i32
      %add3A_31 = arith.addi %add3A_30, %mul3A_29 : i32
      "tpu.region"() ({
        %run_scoped3A = tpu.sem_alloc : memref<!tpu.dma_semaphore, #tpu.memory_space<semaphore_mem>>
        %dma_start3A = arith.constant 0 : i32
        %dma_start3A_32 = tpu.memref_slice %arg6[%add3A_31, %dma_start3A] : memref<40x128xi32, #tpu.memory_space<vmem>> -> memref<1x128xi32, #tpu.memory_space<vmem>>
        %dma_start3A_33 = tpu.memref_squeeze %dma_start3A_32 : memref<1x128xi32, #tpu.memory_space<vmem>> -> memref<128xi32, #tpu.memory_space<vmem>>
        %dma_start3A_34 = arith.constant 0 : i32
        %dma_start3A_35 = tpu.memref_slice %arg5[%dma_start3A_34] : memref<10240xf32, #tpu.memory_space<vmem_shared>> -> memref<10240xf32, #tpu.memory_space<vmem_shared>>
        tpu.enqueue_indirect_dma source(%arg7 : memref<128xf32, #tpu.memory_space<vmem>>) target(%dma_start3A_35 : memref<10240xf32, #tpu.memory_space<vmem_shared>>) offsets(%dma_start3A_33 : memref<128xi32, #tpu.memory_space<vmem>>) semaphore(%run_scoped3A : memref<!tpu.dma_semaphore, #tpu.memory_space<semaphore_mem>>) {add = true}
        %dma_wait3A = arith.constant 0 : i32
        %dma_wait3A_36 = tpu.memref_slice %arg6[%add3A_31, %dma_wait3A] : memref<40x128xi32, #tpu.memory_space<vmem>> -> memref<1x128xi32, #tpu.memory_space<vmem>>
        %dma_wait3A_37 = tpu.memref_squeeze %dma_wait3A_36 : memref<1x128xi32, #tpu.memory_space<vmem>> -> memref<128xi32, #tpu.memory_space<vmem>>
        %dma_wait3A_38 = arith.constant 0 : i32
        %dma_wait3A_39 = tpu.memref_slice %arg5[%dma_wait3A_38] : memref<10240xf32, #tpu.memory_space<vmem_shared>> -> memref<10240xf32, #tpu.memory_space<vmem_shared>>
        tpu.wait_indirect_dma semaphore(%run_scoped3A : memref<!tpu.dma_semaphore, #tpu.memory_space<semaphore_mem>>) src(%arg7 : memref<128xf32, #tpu.memory_space<vmem>>) dst(%dma_wait3A_39 : memref<10240xf32, #tpu.memory_space<vmem_shared>>)
        tpu.yield
      }) : () -> ()
    }
    %scan3A_18 = arith.constant 40 : i32
    %barrier3A_19 = arith.constant 0 : index
    tpu.barrier barrier_id(%barrier3A_19)
    %eq3A = arith.constant 0 : i32
    %eq3A_20 = arith.cmpi eq, %arg0, %eq3A : i32
    %convert_element_type3A = arith.extui %eq3A_20 : i1 to i32
    %cond3A = arith.constant 0 : i32
    %cond3A_21 = arith.cmpi ne, %convert_element_type3A, %cond3A : i32
    scf.if %cond3A_21 {
      "tpu.region"() ({
        %run_scoped3A = tpu.sem_alloc : memref<!tpu.dma_semaphore, #tpu.memory_space<semaphore_mem>>
        %dma_start3A = tpu.memref_slice %arg3[%mul3A_2] : memref<10240xf32, #tpu.memory_space<hbm>> -> memref<640xf32, #tpu.memory_space<hbm>>
        %dma_start3A_27 = tpu.memref_slice %arg5[%mul3A_2] : memref<10240xf32, #tpu.memory_space<vmem_shared>> -> memref<640xf32, #tpu.memory_space<vmem_shared>>
        tpu.enqueue_dma source(%dma_start3A_27 : memref<640xf32, #tpu.memory_space<vmem_shared>>) target(%dma_start3A : memref<640xf32, #tpu.memory_space<hbm>>) target_semaphore(%run_scoped3A : memref<!tpu.dma_semaphore, #tpu.memory_space<semaphore_mem>>)
        %dma_wait3A = tpu.memref_slice %arg3[%mul3A_2] : memref<10240xf32, #tpu.memory_space<hbm>> -> memref<640xf32, #tpu.memory_space<hbm>>
        %dma_wait3A_28 = tpu.memref_slice %arg5[%mul3A_2] : memref<10240xf32, #tpu.memory_space<vmem_shared>> -> memref<640xf32, #tpu.memory_space<vmem_shared>>
        tpu.wait_dma2 semaphore(%run_scoped3A : memref<!tpu.dma_semaphore, #tpu.memory_space<semaphore_mem>>) src(%dma_wait3A_28 : memref<640xf32, #tpu.memory_space<vmem_shared>>) dst(%dma_wait3A : memref<640xf32, #tpu.memory_space<hbm>>)
        tpu.yield
      }) : () -> ()
    } else {
    }
    %eq3A_22 = arith.constant 1 : i32
    %eq3A_23 = arith.cmpi eq, %arg0, %eq3A_22 : i32
    %convert_element_type3A_24 = arith.extui %eq3A_23 : i1 to i32
    %cond3A_25 = arith.constant 0 : i32
    %cond3A_26 = arith.cmpi ne, %convert_element_type3A_24, %cond3A_25 : i32
    scf.if %cond3A_26 {
      "tpu.region"() ({
        %run_scoped3A = tpu.sem_alloc : memref<!tpu.dma_semaphore, #tpu.memory_space<semaphore_mem>>
        %dma_start3A = tpu.memref_slice %arg4[%mul3A_2] : memref<10240xf32, #tpu.memory_space<hbm>> -> memref<640xf32, #tpu.memory_space<hbm>>
        %dma_start3A_27 = tpu.memref_slice %arg5[%mul3A_2] : memref<10240xf32, #tpu.memory_space<vmem_shared>> -> memref<640xf32, #tpu.memory_space<vmem_shared>>
        tpu.enqueue_dma source(%dma_start3A_27 : memref<640xf32, #tpu.memory_space<vmem_shared>>) target(%dma_start3A : memref<640xf32, #tpu.memory_space<hbm>>) target_semaphore(%run_scoped3A : memref<!tpu.dma_semaphore, #tpu.memory_space<semaphore_mem>>)
        %dma_wait3A = tpu.memref_slice %arg4[%mul3A_2] : memref<10240xf32, #tpu.memory_space<hbm>> -> memref<640xf32, #tpu.memory_space<hbm>>
        %dma_wait3A_28 = tpu.memref_slice %arg5[%mul3A_2] : memref<10240xf32, #tpu.memory_space<vmem_shared>> -> memref<640xf32, #tpu.memory_space<vmem_shared>>
        tpu.wait_dma2 semaphore(%run_scoped3A : memref<!tpu.dma_semaphore, #tpu.memory_space<semaphore_mem>>) src(%dma_wait3A_28 : memref<640xf32, #tpu.memory_space<vmem_shared>>) dst(%dma_wait3A : memref<640xf32, #tpu.memory_space<hbm>>)
        tpu.yield
      }) : () -> ()
    } else {
    }
    return
  }
}

#map = affine_map<(d0, d1) -> (0, 0)>
module attributes {stable_mosaic.version = 14 : i64} {
  func.func @_agg_body(%arg0: i32, %arg1: i32, %arg2: memref<10240x128xf32, #tpu.memory_space<hbm>>, %arg3: memref<10240x128xf32, #tpu.memory_space<hbm>>, %arg4: memref<1280x128xi32, #tpu.memory_space<hbm>>, %arg5: memref<1280x128xi32, #tpu.memory_space<hbm>>, %arg6: memref<10240x128xf32, #tpu.memory_space<hbm>>, %arg7: memref<10240x128xf32, #tpu.memory_space<hbm>>, %arg8: memref<10240x128xf32, #tpu.memory_space<vmem_shared>>, %arg9: memref<2x128xi32, #tpu.memory_space<vmem>>, %arg10: memref<2x128xi32, #tpu.memory_space<vmem>>, %arg11: memref<2x128xi32, #tpu.memory_space<vmem>>, %arg12: memref<2x128xi32, #tpu.memory_space<vmem>>, %arg13: memref<128x128xf32, #tpu.memory_space<vmem>>, %arg14: memref<128x128xf32, #tpu.memory_space<vmem>>, %arg15: memref<!tpu.dma_semaphore, #tpu.memory_space<semaphore_mem>>, %arg16: memref<!tpu.dma_semaphore, #tpu.memory_space<semaphore_mem>>, %arg17: memref<!tpu.dma_semaphore, #tpu.memory_space<semaphore_mem>>, %arg18: memref<!tpu.dma_semaphore, #tpu.memory_space<semaphore_mem>>) attributes {dimension_semantics = [#tpu.dimension_semantics<core_parallel>, #tpu.dimension_semantics<subcore_parallel>], iteration_bounds = array<i64: 2, 16>, scalar_prefetch = 0 : i64, scratch_operands = 11 : i64, tpu.core_type = #tpu.core_type<sc_vector_subcore>, window_params = [{transform_indices = #map}, {transform_indices = #map}, {transform_indices = #map}, {transform_indices = #map}, {transform_indices = #map}, {transform_indices = #map}]} {
    %mul3A = arith.constant 640 : i32
    %mul3A_0 = arith.muli %arg1, %mul3A : i32
    %mul3A_1 = arith.constant 80 : i32
    %mul3A_2 = arith.muli %arg1, %mul3A_1 : i32
    %eq3A = arith.constant 0 : i32
    %eq3A_3 = arith.cmpi eq, %arg0, %eq3A : i32
    %convert_element_type3A = arith.extui %eq3A_3 : i1 to i32
    %cond3A = arith.constant 0 : i32
    %cond3A_4 = arith.cmpi ne, %convert_element_type3A, %cond3A : i32
    scf.if %cond3A_4 {
      "tpu.region"() ({
        %run_scoped3A = tpu.sem_alloc : memref<!tpu.dma_semaphore, #tpu.memory_space<semaphore_mem>>
        %dma_start3A_49 = arith.constant 0 : i32
        %dma_start3A_50 = tpu.memref_slice %arg8[%mul3A_0, %dma_start3A_49] : memref<10240x128xf32, #tpu.memory_space<vmem_shared>> -> memref<640x128xf32, #tpu.memory_space<vmem_shared>>
        %dma_start3A_51 = arith.constant 0 : i32
        %dma_start3A_52 = tpu.memref_slice %arg2[%mul3A_0, %dma_start3A_51] : memref<10240x128xf32, #tpu.memory_space<hbm>> -> memref<640x128xf32, #tpu.memory_space<hbm>>
        tpu.enqueue_dma source(%dma_start3A_52 : memref<640x128xf32, #tpu.memory_space<hbm>>) target(%dma_start3A_50 : memref<640x128xf32, #tpu.memory_space<vmem_shared>>) target_semaphore(%run_scoped3A : memref<!tpu.dma_semaphore, #tpu.memory_space<semaphore_mem>>)
        %dma_wait3A = arith.constant 0 : i32
        %dma_wait3A_53 = tpu.memref_slice %arg8[%mul3A_0, %dma_wait3A] : memref<10240x128xf32, #tpu.memory_space<vmem_shared>> -> memref<640x128xf32, #tpu.memory_space<vmem_shared>>
        %dma_wait3A_54 = arith.constant 0 : i32
        %dma_wait3A_55 = tpu.memref_slice %arg2[%mul3A_0, %dma_wait3A_54] : memref<10240x128xf32, #tpu.memory_space<hbm>> -> memref<640x128xf32, #tpu.memory_space<hbm>>
        tpu.wait_dma2 semaphore(%run_scoped3A : memref<!tpu.dma_semaphore, #tpu.memory_space<semaphore_mem>>) src(%dma_wait3A_55 : memref<640x128xf32, #tpu.memory_space<hbm>>) dst(%dma_wait3A_53 : memref<640x128xf32, #tpu.memory_space<vmem_shared>>)
        tpu.yield
      }) : () -> ()
    } else {
    }
    %eq3A_5 = arith.constant 1 : i32
    %eq3A_6 = arith.cmpi eq, %arg0, %eq3A_5 : i32
    %convert_element_type3A_7 = arith.extui %eq3A_6 : i1 to i32
    %cond3A_8 = arith.constant 0 : i32
    %cond3A_9 = arith.cmpi ne, %convert_element_type3A_7, %cond3A_8 : i32
    scf.if %cond3A_9 {
      "tpu.region"() ({
        %run_scoped3A = tpu.sem_alloc : memref<!tpu.dma_semaphore, #tpu.memory_space<semaphore_mem>>
        %dma_start3A_49 = arith.constant 0 : i32
        %dma_start3A_50 = tpu.memref_slice %arg8[%mul3A_0, %dma_start3A_49] : memref<10240x128xf32, #tpu.memory_space<vmem_shared>> -> memref<640x128xf32, #tpu.memory_space<vmem_shared>>
        %dma_start3A_51 = arith.constant 0 : i32
        %dma_start3A_52 = tpu.memref_slice %arg3[%mul3A_0, %dma_start3A_51] : memref<10240x128xf32, #tpu.memory_space<hbm>> -> memref<640x128xf32, #tpu.memory_space<hbm>>
        tpu.enqueue_dma source(%dma_start3A_52 : memref<640x128xf32, #tpu.memory_space<hbm>>) target(%dma_start3A_50 : memref<640x128xf32, #tpu.memory_space<vmem_shared>>) target_semaphore(%run_scoped3A : memref<!tpu.dma_semaphore, #tpu.memory_space<semaphore_mem>>)
        %dma_wait3A = arith.constant 0 : i32
        %dma_wait3A_53 = tpu.memref_slice %arg8[%mul3A_0, %dma_wait3A] : memref<10240x128xf32, #tpu.memory_space<vmem_shared>> -> memref<640x128xf32, #tpu.memory_space<vmem_shared>>
        %dma_wait3A_54 = arith.constant 0 : i32
        %dma_wait3A_55 = tpu.memref_slice %arg3[%mul3A_0, %dma_wait3A_54] : memref<10240x128xf32, #tpu.memory_space<hbm>> -> memref<640x128xf32, #tpu.memory_space<hbm>>
        tpu.wait_dma2 semaphore(%run_scoped3A : memref<!tpu.dma_semaphore, #tpu.memory_space<semaphore_mem>>) src(%dma_wait3A_55 : memref<640x128xf32, #tpu.memory_space<hbm>>) dst(%dma_wait3A_53 : memref<640x128xf32, #tpu.memory_space<vmem_shared>>)
        tpu.yield
      }) : () -> ()
    } else {
    }
    %add3A = arith.constant 0 : i32
    %add3A_10 = arith.addi %mul3A_2, %add3A : i32
    %dma_start3A = arith.constant 0 : i32
    %dma_start3A_11 = tpu.memref_slice %arg4[%add3A_10, %dma_start3A] : memref<1280x128xi32, #tpu.memory_space<hbm>> -> memref<2x128xi32, #tpu.memory_space<hbm>>
    %dma_start3A_12 = arith.constant 0 : i32
    %dma_start3A_13 = tpu.memref_slice %arg4[%add3A_10, %dma_start3A_12] : memref<1280x128xi32, #tpu.memory_space<hbm>> -> memref<2x128xi32, #tpu.memory_space<hbm>>
    tpu.enqueue_dma source(%dma_start3A_13 : memref<2x128xi32, #tpu.memory_space<hbm>>) target(%arg9 : memref<2x128xi32, #tpu.memory_space<vmem>>) target_semaphore(%arg15 : memref<!tpu.dma_semaphore, #tpu.memory_space<semaphore_mem>>)
    %dma_start3A_14 = arith.constant 0 : i32
    %dma_start3A_15 = tpu.memref_slice %arg5[%add3A_10, %dma_start3A_14] : memref<1280x128xi32, #tpu.memory_space<hbm>> -> memref<2x128xi32, #tpu.memory_space<hbm>>
    %dma_start3A_16 = arith.constant 0 : i32
    %dma_start3A_17 = tpu.memref_slice %arg5[%add3A_10, %dma_start3A_16] : memref<1280x128xi32, #tpu.memory_space<hbm>> -> memref<2x128xi32, #tpu.memory_space<hbm>>
    tpu.enqueue_dma source(%dma_start3A_17 : memref<2x128xi32, #tpu.memory_space<hbm>>) target(%arg10 : memref<2x128xi32, #tpu.memory_space<vmem>>) target_semaphore(%arg15 : memref<!tpu.dma_semaphore, #tpu.memory_space<semaphore_mem>>)
    %add3A_18 = arith.constant 2 : i32
    %add3A_19 = arith.addi %mul3A_2, %add3A_18 : i32
    %dma_start3A_20 = arith.constant 0 : i32
    %dma_start3A_21 = tpu.memref_slice %arg4[%add3A_19, %dma_start3A_20] : memref<1280x128xi32, #tpu.memory_space<hbm>> -> memref<2x128xi32, #tpu.memory_space<hbm>>
    %dma_start3A_22 = arith.constant 0 : i32
    %dma_start3A_23 = tpu.memref_slice %arg4[%add3A_19, %dma_start3A_22] : memref<1280x128xi32, #tpu.memory_space<hbm>> -> memref<2x128xi32, #tpu.memory_space<hbm>>
    tpu.enqueue_dma source(%dma_start3A_23 : memref<2x128xi32, #tpu.memory_space<hbm>>) target(%arg11 : memref<2x128xi32, #tpu.memory_space<vmem>>) target_semaphore(%arg16 : memref<!tpu.dma_semaphore, #tpu.memory_space<semaphore_mem>>)
    %dma_start3A_24 = arith.constant 0 : i32
    %dma_start3A_25 = tpu.memref_slice %arg5[%add3A_19, %dma_start3A_24] : memref<1280x128xi32, #tpu.memory_space<hbm>> -> memref<2x128xi32, #tpu.memory_space<hbm>>
    %dma_start3A_26 = arith.constant 0 : i32
    %dma_start3A_27 = tpu.memref_slice %arg5[%add3A_19, %dma_start3A_26] : memref<1280x128xi32, #tpu.memory_space<hbm>> -> memref<2x128xi32, #tpu.memory_space<hbm>>
    tpu.enqueue_dma source(%dma_start3A_27 : memref<2x128xi32, #tpu.memory_space<hbm>>) target(%arg12 : memref<2x128xi32, #tpu.memory_space<vmem>>) target_semaphore(%arg16 : memref<!tpu.dma_semaphore, #tpu.memory_space<semaphore_mem>>)
    %barrier3A = arith.constant 0 : index
    tpu.barrier barrier_id(%barrier3A)
    %eq3A_28 = arith.constant 0 : i32
    %eq3A_29 = arith.cmpi eq, %arg0, %eq3A_28 : i32
    %convert_element_type3A_30 = arith.extui %eq3A_29 : i1 to i32
    %cond3A_31 = arith.constant 0 : i32
    %cond3A_32 = arith.cmpi ne, %convert_element_type3A_30, %cond3A_31 : i32
    scf.if %cond3A_32 {
      %add3A_49 = arith.constant 0 : i32
      %add3A_50 = arith.addi %mul3A_2, %add3A_49 : i32
      %dma_wait3A = arith.constant 0 : i32
      %dma_wait3A_51 = tpu.memref_slice %arg4[%add3A_50, %dma_wait3A] : memref<1280x128xi32, #tpu.memory_space<hbm>> -> memref<2x128xi32, #tpu.memory_space<hbm>>
      %dma_wait3A_52 = arith.constant 0 : i32
      %dma_wait3A_53 = tpu.memref_slice %arg4[%add3A_50, %dma_wait3A_52] : memref<1280x128xi32, #tpu.memory_space<hbm>> -> memref<2x128xi32, #tpu.memory_space<hbm>>
      tpu.wait_dma2 semaphore(%arg15 : memref<!tpu.dma_semaphore, #tpu.memory_space<semaphore_mem>>) src(%dma_wait3A_53 : memref<2x128xi32, #tpu.memory_space<hbm>>) dst(%arg9 : memref<2x128xi32, #tpu.memory_space<vmem>>)
      %dma_wait3A_54 = arith.constant 0 : i32
      %dma_wait3A_55 = tpu.memref_slice %arg5[%add3A_50, %dma_wait3A_54] : memref<1280x128xi32, #tpu.memory_space<hbm>> -> memref<2x128xi32, #tpu.memory_space<hbm>>
      %dma_wait3A_56 = arith.constant 0 : i32
      %dma_wait3A_57 = tpu.memref_slice %arg5[%add3A_50, %dma_wait3A_56] : memref<1280x128xi32, #tpu.memory_space<hbm>> -> memref<2x128xi32, #tpu.memory_space<hbm>>
      tpu.wait_dma2 semaphore(%arg15 : memref<!tpu.dma_semaphore, #tpu.memory_space<semaphore_mem>>) src(%dma_wait3A_57 : memref<2x128xi32, #tpu.memory_space<hbm>>) dst(%arg10 : memref<2x128xi32, #tpu.memory_space<vmem>>)
      %dma_start3A_58 = arith.constant 0 : i32
      %dma_start3A_59 = arith.constant 0 : i32
      %dma_start3A_60 = tpu.memref_slice %arg9[%dma_start3A_58, %dma_start3A_59] : memref<2x128xi32, #tpu.memory_space<vmem>> -> memref<1x128xi32, #tpu.memory_space<vmem>>
      %dma_start3A_61 = tpu.memref_squeeze %dma_start3A_60 : memref<1x128xi32, #tpu.memory_space<vmem>> -> memref<128xi32, #tpu.memory_space<vmem>>
      %dma_start3A_62 = arith.constant 0 : i32
      %dma_start3A_63 = arith.constant 0 : i32
      %dma_start3A_64 = tpu.memref_slice %arg2[%dma_start3A_62, %dma_start3A_63] : memref<10240x128xf32, #tpu.memory_space<hbm>> -> memref<10240x128xf32, #tpu.memory_space<hbm>>
      tpu.enqueue_indirect_dma source(%dma_start3A_64 : memref<10240x128xf32, #tpu.memory_space<hbm>>) target(%arg13 : memref<128x128xf32, #tpu.memory_space<vmem>>) offsets(%dma_start3A_61 : memref<128xi32, #tpu.memory_space<vmem>>) semaphore(%arg17 : memref<!tpu.dma_semaphore, #tpu.memory_space<semaphore_mem>>)
      %dma_start3A_65 = arith.constant 1 : i32
      %dma_start3A_66 = arith.constant 0 : i32
      %dma_start3A_67 = tpu.memref_slice %arg9[%dma_start3A_65, %dma_start3A_66] : memref<2x128xi32, #tpu.memory_space<vmem>> -> memref<1x128xi32, #tpu.memory_space<vmem>>
      %dma_start3A_68 = tpu.memref_squeeze %dma_start3A_67 : memref<1x128xi32, #tpu.memory_space<vmem>> -> memref<128xi32, #tpu.memory_space<vmem>>
      %dma_start3A_69 = arith.constant 0 : i32
      %dma_start3A_70 = arith.constant 0 : i32
      %dma_start3A_71 = tpu.memref_slice %arg2[%dma_start3A_69, %dma_start3A_70] : memref<10240x128xf32, #tpu.memory_space<hbm>> -> memref<10240x128xf32, #tpu.memory_space<hbm>>
      tpu.enqueue_indirect_dma source(%dma_start3A_71 : memref<10240x128xf32, #tpu.memory_space<hbm>>) target(%arg14 : memref<128x128xf32, #tpu.memory_space<vmem>>) offsets(%dma_start3A_68 : memref<128xi32, #tpu.memory_space<vmem>>) semaphore(%arg18 : memref<!tpu.dma_semaphore, #tpu.memory_space<semaphore_mem>>)
      %scan3A = arith.constant 0 : i32
      %scan3A_72 = arith.constant 20 : i32
      %scan3A_73 = arith.addi %scan3A, %scan3A_72 : i32
      %scan3A_74 = arith.constant 1 : i32
      scf.for %scan3A_76 = %scan3A to %scan3A_73 step %scan3A_74  : i32 {
        %mul3A_77 = arith.constant 1 : i32
        %mul3A_78 = arith.muli %scan3A_76, %mul3A_77 : i32
        %add3A_79 = arith.constant 0 : i32
        %add3A_80 = arith.addi %add3A_79, %mul3A_78 : i32
        %mul3A_81 = arith.constant 2 : i32
        %mul3A_82 = arith.muli %mul3A_81, %add3A_80 : i32
        %dma_wait3A_83 = arith.constant 0 : i32
        %dma_wait3A_84 = arith.constant 0 : i32
        %dma_wait3A_85 = tpu.memref_slice %arg9[%dma_wait3A_83, %dma_wait3A_84] : memref<2x128xi32, #tpu.memory_space<vmem>> -> memref<1x128xi32, #tpu.memory_space<vmem>>
        %dma_wait3A_86 = tpu.memref_squeeze %dma_wait3A_85 : memref<1x128xi32, #tpu.memory_space<vmem>> -> memref<128xi32, #tpu.memory_space<vmem>>
        %dma_wait3A_87 = arith.constant 0 : i32
        %dma_wait3A_88 = arith.constant 0 : i32
        %dma_wait3A_89 = tpu.memref_slice %arg2[%dma_wait3A_87, %dma_wait3A_88] : memref<10240x128xf32, #tpu.memory_space<hbm>> -> memref<10240x128xf32, #tpu.memory_space<hbm>>
        tpu.wait_indirect_dma semaphore(%arg17 : memref<!tpu.dma_semaphore, #tpu.memory_space<semaphore_mem>>) src(%dma_wait3A_89 : memref<10240x128xf32, #tpu.memory_space<hbm>>) dst(%arg13 : memref<128x128xf32, #tpu.memory_space<vmem>>)
        %run_scoped3A = arith.constant 0 : i32
        "tpu.region"() ({
          %run_scoped3A_159 = tpu.sem_alloc : memref<!tpu.dma_semaphore, #tpu.memory_space<semaphore_mem>>
          %dma_start3A_160 = arith.constant 0 : i32
          %dma_start3A_161 = tpu.memref_slice %arg10[%run_scoped3A, %dma_start3A_160] : memref<2x128xi32, #tpu.memory_space<vmem>> -> memref<1x128xi32, #tpu.memory_space<vmem>>
          %dma_start3A_162 = tpu.memref_squeeze %dma_start3A_161 : memref<1x128xi32, #tpu.memory_space<vmem>> -> memref<128xi32, #tpu.memory_space<vmem>>
          %dma_start3A_163 = arith.constant 0 : i32
          %dma_start3A_164 = arith.constant 0 : i32
          %dma_start3A_165 = tpu.memref_slice %arg8[%dma_start3A_163, %dma_start3A_164] : memref<10240x128xf32, #tpu.memory_space<vmem_shared>> -> memref<10240x128xf32, #tpu.memory_space<vmem_shared>>
          tpu.enqueue_indirect_dma source(%arg13 : memref<128x128xf32, #tpu.memory_space<vmem>>) target(%dma_start3A_165 : memref<10240x128xf32, #tpu.memory_space<vmem_shared>>) offsets(%dma_start3A_162 : memref<128xi32, #tpu.memory_space<vmem>>) semaphore(%run_scoped3A_159 : memref<!tpu.dma_semaphore, #tpu.memory_space<semaphore_mem>>) {add = true}
          %dma_wait3A_166 = arith.constant 0 : i32
          %dma_wait3A_167 = tpu.memref_slice %arg10[%run_scoped3A, %dma_wait3A_166] : memref<2x128xi32, #tpu.memory_space<vmem>> -> memref<1x128xi32, #tpu.memory_space<vmem>>
          %dma_wait3A_168 = tpu.memref_squeeze %dma_wait3A_167 : memref<1x128xi32, #tpu.memory_space<vmem>> -> memref<128xi32, #tpu.memory_space<vmem>>
          %dma_wait3A_169 = arith.constant 0 : i32
          %dma_wait3A_170 = arith.constant 0 : i32
          %dma_wait3A_171 = tpu.memref_slice %arg8[%dma_wait3A_169, %dma_wait3A_170] : memref<10240x128xf32, #tpu.memory_space<vmem_shared>> -> memref<10240x128xf32, #tpu.memory_space<vmem_shared>>
          tpu.wait_indirect_dma semaphore(%run_scoped3A_159 : memref<!tpu.dma_semaphore, #tpu.memory_space<semaphore_mem>>) src(%arg13 : memref<128x128xf32, #tpu.memory_space<vmem>>) dst(%dma_wait3A_171 : memref<10240x128xf32, #tpu.memory_space<vmem_shared>>)
          tpu.yield
        }) : () -> ()
        %add3A_90 = arith.constant 1 : i32
        %add3A_91 = arith.addi %mul3A_82, %add3A_90 : i32
        %lt3A = arith.constant 40 : i32
        %lt3A_92 = arith.cmpi slt, %add3A_91, %lt3A : i32
        %convert_element_type3A_93 = arith.extui %lt3A_92 : i1 to i32
        %cond3A_94 = arith.constant 0 : i32
        %cond3A_95 = arith.cmpi ne, %convert_element_type3A_93, %cond3A_94 : i32
        scf.if %cond3A_95 {
          %add3A_159 = arith.constant 1 : i32
          %add3A_160 = arith.addi %mul3A_82, %add3A_159 : i32
          %mul3A_161 = arith.constant 2 : i32
          %mul3A_162 = arith.muli %mul3A_161, %add3A_160 : i32
          %add3A_163 = arith.addi %mul3A_2, %mul3A_162 : i32
          %dma_wait3A_164 = arith.constant 0 : i32
          %dma_wait3A_165 = tpu.memref_slice %arg4[%add3A_163, %dma_wait3A_164] : memref<1280x128xi32, #tpu.memory_space<hbm>> -> memref<2x128xi32, #tpu.memory_space<hbm>>
          %dma_wait3A_166 = arith.constant 0 : i32
          %dma_wait3A_167 = tpu.memref_slice %arg4[%add3A_163, %dma_wait3A_166] : memref<1280x128xi32, #tpu.memory_space<hbm>> -> memref<2x128xi32, #tpu.memory_space<hbm>>
          tpu.wait_dma2 semaphore(%arg16 : memref<!tpu.dma_semaphore, #tpu.memory_space<semaphore_mem>>) src(%dma_wait3A_167 : memref<2x128xi32, #tpu.memory_space<hbm>>) dst(%arg11 : memref<2x128xi32, #tpu.memory_space<vmem>>)
          %dma_wait3A_168 = arith.constant 0 : i32
          %dma_wait3A_169 = tpu.memref_slice %arg5[%add3A_163, %dma_wait3A_168] : memref<1280x128xi32, #tpu.memory_space<hbm>> -> memref<2x128xi32, #tpu.memory_space<hbm>>
          %dma_wait3A_170 = arith.constant 0 : i32
          %dma_wait3A_171 = tpu.memref_slice %arg5[%add3A_163, %dma_wait3A_170] : memref<1280x128xi32, #tpu.memory_space<hbm>> -> memref<2x128xi32, #tpu.memory_space<hbm>>
          tpu.wait_dma2 semaphore(%arg16 : memref<!tpu.dma_semaphore, #tpu.memory_space<semaphore_mem>>) src(%dma_wait3A_171 : memref<2x128xi32, #tpu.memory_space<hbm>>) dst(%arg12 : memref<2x128xi32, #tpu.memory_space<vmem>>)
          %dma_start3A_172 = arith.constant 0 : i32
          %dma_start3A_173 = arith.constant 0 : i32
          %dma_start3A_174 = tpu.memref_slice %arg11[%dma_start3A_172, %dma_start3A_173] : memref<2x128xi32, #tpu.memory_space<vmem>> -> memref<1x128xi32, #tpu.memory_space<vmem>>
          %dma_start3A_175 = tpu.memref_squeeze %dma_start3A_174 : memref<1x128xi32, #tpu.memory_space<vmem>> -> memref<128xi32, #tpu.memory_space<vmem>>
          %dma_start3A_176 = arith.constant 0 : i32
          %dma_start3A_177 = arith.constant 0 : i32
          %dma_start3A_178 = tpu.memref_slice %arg2[%dma_start3A_176, %dma_start3A_177] : memref<10240x128xf32, #tpu.memory_space<hbm>> -> memref<10240x128xf32, #tpu.memory_space<hbm>>
          tpu.enqueue_indirect_dma source(%dma_start3A_178 : memref<10240x128xf32, #tpu.memory_space<hbm>>) target(%arg13 : memref<128x128xf32, #tpu.memory_space<vmem>>) offsets(%dma_start3A_175 : memref<128xi32, #tpu.memory_space<vmem>>) semaphore(%arg17 : memref<!tpu.dma_semaphore, #tpu.memory_space<semaphore_mem>>)
        } else {
        }
        %dma_wait3A_96 = arith.constant 0 : i32
        %dma_wait3A_97 = arith.constant 0 : i32
        %dma_wait3A_98 = tpu.memref_slice %arg9[%dma_wait3A_96, %dma_wait3A_97] : memref<2x128xi32, #tpu.memory_space<vmem>> -> memref<1x128xi32, #tpu.memory_space<vmem>>
        %dma_wait3A_99 = tpu.memref_squeeze %dma_wait3A_98 : memref<1x128xi32, #tpu.memory_space<vmem>> -> memref<128xi32, #tpu.memory_space<vmem>>
        %dma_wait3A_100 = arith.constant 0 : i32
        %dma_wait3A_101 = arith.constant 0 : i32
        %dma_wait3A_102 = tpu.memref_slice %arg2[%dma_wait3A_100, %dma_wait3A_101] : memref<10240x128xf32, #tpu.memory_space<hbm>> -> memref<10240x128xf32, #tpu.memory_space<hbm>>
        tpu.wait_indirect_dma semaphore(%arg18 : memref<!tpu.dma_semaphore, #tpu.memory_space<semaphore_mem>>) src(%dma_wait3A_102 : memref<10240x128xf32, #tpu.memory_space<hbm>>) dst(%arg14 : memref<128x128xf32, #tpu.memory_space<vmem>>)
        %run_scoped3A_103 = arith.constant 1 : i32
        "tpu.region"() ({
          %run_scoped3A_159 = tpu.sem_alloc : memref<!tpu.dma_semaphore, #tpu.memory_space<semaphore_mem>>
          %dma_start3A_160 = arith.constant 0 : i32
          %dma_start3A_161 = tpu.memref_slice %arg10[%run_scoped3A_103, %dma_start3A_160] : memref<2x128xi32, #tpu.memory_space<vmem>> -> memref<1x128xi32, #tpu.memory_space<vmem>>
          %dma_start3A_162 = tpu.memref_squeeze %dma_start3A_161 : memref<1x128xi32, #tpu.memory_space<vmem>> -> memref<128xi32, #tpu.memory_space<vmem>>
          %dma_start3A_163 = arith.constant 0 : i32
          %dma_start3A_164 = arith.constant 0 : i32
          %dma_start3A_165 = tpu.memref_slice %arg8[%dma_start3A_163, %dma_start3A_164] : memref<10240x128xf32, #tpu.memory_space<vmem_shared>> -> memref<10240x128xf32, #tpu.memory_space<vmem_shared>>
          tpu.enqueue_indirect_dma source(%arg14 : memref<128x128xf32, #tpu.memory_space<vmem>>) target(%dma_start3A_165 : memref<10240x128xf32, #tpu.memory_space<vmem_shared>>) offsets(%dma_start3A_162 : memref<128xi32, #tpu.memory_space<vmem>>) semaphore(%run_scoped3A_159 : memref<!tpu.dma_semaphore, #tpu.memory_space<semaphore_mem>>) {add = true}
          %dma_wait3A_166 = arith.constant 0 : i32
          %dma_wait3A_167 = tpu.memref_slice %arg10[%run_scoped3A_103, %dma_wait3A_166] : memref<2x128xi32, #tpu.memory_space<vmem>> -> memref<1x128xi32, #tpu.memory_space<vmem>>
          %dma_wait3A_168 = tpu.memref_squeeze %dma_wait3A_167 : memref<1x128xi32, #tpu.memory_space<vmem>> -> memref<128xi32, #tpu.memory_space<vmem>>
          %dma_wait3A_169 = arith.constant 0 : i32
          %dma_wait3A_170 = arith.constant 0 : i32
          %dma_wait3A_171 = tpu.memref_slice %arg8[%dma_wait3A_169, %dma_wait3A_170] : memref<10240x128xf32, #tpu.memory_space<vmem_shared>> -> memref<10240x128xf32, #tpu.memory_space<vmem_shared>>
          tpu.wait_indirect_dma semaphore(%run_scoped3A_159 : memref<!tpu.dma_semaphore, #tpu.memory_space<semaphore_mem>>) src(%arg14 : memref<128x128xf32, #tpu.memory_space<vmem>>) dst(%dma_wait3A_171 : memref<10240x128xf32, #tpu.memory_space<vmem_shared>>)
          tpu.yield
        }) : () -> ()
        %add3A_104 = arith.constant 2 : i32
        %add3A_105 = arith.addi %mul3A_82, %add3A_104 : i32
        %lt3A_106 = arith.constant 40 : i32
        %lt3A_107 = arith.cmpi slt, %add3A_105, %lt3A_106 : i32
        %convert_element_type3A_108 = arith.extui %lt3A_107 : i1 to i32
        %cond3A_109 = arith.constant 0 : i32
        %cond3A_110 = arith.cmpi ne, %convert_element_type3A_108, %cond3A_109 : i32
        scf.if %cond3A_110 {
          %add3A_159 = arith.constant 2 : i32
          %add3A_160 = arith.addi %mul3A_82, %add3A_159 : i32
          %mul3A_161 = arith.constant 2 : i32
          %mul3A_162 = arith.muli %mul3A_161, %add3A_160 : i32
          %add3A_163 = arith.addi %mul3A_2, %mul3A_162 : i32
          %dma_start3A_164 = arith.constant 0 : i32
          %dma_start3A_165 = tpu.memref_slice %arg4[%add3A_163, %dma_start3A_164] : memref<1280x128xi32, #tpu.memory_space<hbm>> -> memref<2x128xi32, #tpu.memory_space<hbm>>
          %dma_start3A_166 = arith.constant 0 : i32
          %dma_start3A_167 = tpu.memref_slice %arg4[%add3A_163, %dma_start3A_166] : memref<1280x128xi32, #tpu.memory_space<hbm>> -> memref<2x128xi32, #tpu.memory_space<hbm>>
          tpu.enqueue_dma source(%dma_start3A_167 : memref<2x128xi32, #tpu.memory_space<hbm>>) target(%arg9 : memref<2x128xi32, #tpu.memory_space<vmem>>) target_semaphore(%arg15 : memref<!tpu.dma_semaphore, #tpu.memory_space<semaphore_mem>>)
          %dma_start3A_168 = arith.constant 0 : i32
          %dma_start3A_169 = tpu.memref_slice %arg5[%add3A_163, %dma_start3A_168] : memref<1280x128xi32, #tpu.memory_space<hbm>> -> memref<2x128xi32, #tpu.memory_space<hbm>>
          %dma_start3A_170 = arith.constant 0 : i32
          %dma_start3A_171 = tpu.memref_slice %arg5[%add3A_163, %dma_start3A_170] : memref<1280x128xi32, #tpu.memory_space<hbm>> -> memref<2x128xi32, #tpu.memory_space<hbm>>
          tpu.enqueue_dma source(%dma_start3A_171 : memref<2x128xi32, #tpu.memory_space<hbm>>) target(%arg10 : memref<2x128xi32, #tpu.memory_space<vmem>>) target_semaphore(%arg15 : memref<!tpu.dma_semaphore, #tpu.memory_space<semaphore_mem>>)
        } else {
        }
        %add3A_111 = arith.constant 1 : i32
        %add3A_112 = arith.addi %mul3A_82, %add3A_111 : i32
        %lt3A_113 = arith.constant 40 : i32
        %lt3A_114 = arith.cmpi slt, %add3A_112, %lt3A_113 : i32
        %convert_element_type3A_115 = arith.extui %lt3A_114 : i1 to i32
        %cond3A_116 = arith.constant 0 : i32
        %cond3A_117 = arith.cmpi ne, %convert_element_type3A_115, %cond3A_116 : i32
        scf.if %cond3A_117 {
          %dma_start3A_159 = arith.constant 1 : i32
          %dma_start3A_160 = arith.constant 0 : i32
          %dma_start3A_161 = tpu.memref_slice %arg11[%dma_start3A_159, %dma_start3A_160] : memref<2x128xi32, #tpu.memory_space<vmem>> -> memref<1x128xi32, #tpu.memory_space<vmem>>
          %dma_start3A_162 = tpu.memref_squeeze %dma_start3A_161 : memref<1x128xi32, #tpu.memory_space<vmem>> -> memref<128xi32, #tpu.memory_space<vmem>>
          %dma_start3A_163 = arith.constant 0 : i32
          %dma_start3A_164 = arith.constant 0 : i32
          %dma_start3A_165 = tpu.memref_slice %arg2[%dma_start3A_163, %dma_start3A_164] : memref<10240x128xf32, #tpu.memory_space<hbm>> -> memref<10240x128xf32, #tpu.memory_space<hbm>>
          tpu.enqueue_indirect_dma source(%dma_start3A_165 : memref<10240x128xf32, #tpu.memory_space<hbm>>) target(%arg14 : memref<128x128xf32, #tpu.memory_space<vmem>>) offsets(%dma_start3A_162 : memref<128xi32, #tpu.memory_space<vmem>>) semaphore(%arg18 : memref<!tpu.dma_semaphore, #tpu.memory_space<semaphore_mem>>)
        } else {
        }
        %mul3A_118 = arith.constant 2 : i32
        %mul3A_119 = arith.muli %mul3A_118, %add3A_80 : i32
        %add3A_120 = arith.constant 1 : i32
        %add3A_121 = arith.addi %mul3A_119, %add3A_120 : i32
        %dma_wait3A_122 = arith.constant 0 : i32
        %dma_wait3A_123 = arith.constant 0 : i32
        %dma_wait3A_124 = tpu.memref_slice %arg9[%dma_wait3A_122, %dma_wait3A_123] : memref<2x128xi32, #tpu.memory_space<vmem>> -> memref<1x128xi32, #tpu.memory_space<vmem>>
        %dma_wait3A_125 = tpu.memref_squeeze %dma_wait3A_124 : memref<1x128xi32, #tpu.memory_space<vmem>> -> memref<128xi32, #tpu.memory_space<vmem>>
        %dma_wait3A_126 = arith.constant 0 : i32
        %dma_wait3A_127 = arith.constant 0 : i32
        %dma_wait3A_128 = tpu.memref_slice %arg2[%dma_wait3A_126, %dma_wait3A_127] : memref<10240x128xf32, #tpu.memory_space<hbm>> -> memref<10240x128xf32, #tpu.memory_space<hbm>>
        tpu.wait_indirect_dma semaphore(%arg17 : memref<!tpu.dma_semaphore, #tpu.memory_space<semaphore_mem>>) src(%dma_wait3A_128 : memref<10240x128xf32, #tpu.memory_space<hbm>>) dst(%arg13 : memref<128x128xf32, #tpu.memory_space<vmem>>)
        %run_scoped3A_129 = arith.constant 0 : i32
        "tpu.region"() ({
          %run_scoped3A_159 = tpu.sem_alloc : memref<!tpu.dma_semaphore, #tpu.memory_space<semaphore_mem>>
          %dma_start3A_160 = arith.constant 0 : i32
          %dma_start3A_161 = tpu.memref_slice %arg12[%run_scoped3A_129, %dma_start3A_160] : memref<2x128xi32, #tpu.memory_space<vmem>> -> memref<1x128xi32, #tpu.memory_space<vmem>>
          %dma_start3A_162 = tpu.memref_squeeze %dma_start3A_161 : memref<1x128xi32, #tpu.memory_space<vmem>> -> memref<128xi32, #tpu.memory_space<vmem>>
          %dma_start3A_163 = arith.constant 0 : i32
          %dma_start3A_164 = arith.constant 0 : i32
          %dma_start3A_165 = tpu.memref_slice %arg8[%dma_start3A_163, %dma_start3A_164] : memref<10240x128xf32, #tpu.memory_space<vmem_shared>> -> memref<10240x128xf32, #tpu.memory_space<vmem_shared>>
          tpu.enqueue_indirect_dma source(%arg13 : memref<128x128xf32, #tpu.memory_space<vmem>>) target(%dma_start3A_165 : memref<10240x128xf32, #tpu.memory_space<vmem_shared>>) offsets(%dma_start3A_162 : memref<128xi32, #tpu.memory_space<vmem>>) semaphore(%run_scoped3A_159 : memref<!tpu.dma_semaphore, #tpu.memory_space<semaphore_mem>>) {add = true}
          %dma_wait3A_166 = arith.constant 0 : i32
          %dma_wait3A_167 = tpu.memref_slice %arg12[%run_scoped3A_129, %dma_wait3A_166] : memref<2x128xi32, #tpu.memory_space<vmem>> -> memref<1x128xi32, #tpu.memory_space<vmem>>
          %dma_wait3A_168 = tpu.memref_squeeze %dma_wait3A_167 : memref<1x128xi32, #tpu.memory_space<vmem>> -> memref<128xi32, #tpu.memory_space<vmem>>
          %dma_wait3A_169 = arith.constant 0 : i32
          %dma_wait3A_170 = arith.constant 0 : i32
          %dma_wait3A_171 = tpu.memref_slice %arg8[%dma_wait3A_169, %dma_wait3A_170] : memref<10240x128xf32, #tpu.memory_space<vmem_shared>> -> memref<10240x128xf32, #tpu.memory_space<vmem_shared>>
          tpu.wait_indirect_dma semaphore(%run_scoped3A_159 : memref<!tpu.dma_semaphore, #tpu.memory_space<semaphore_mem>>) src(%arg13 : memref<128x128xf32, #tpu.memory_space<vmem>>) dst(%dma_wait3A_171 : memref<10240x128xf32, #tpu.memory_space<vmem_shared>>)
          tpu.yield
        }) : () -> ()
        %add3A_130 = arith.constant 1 : i32
        %add3A_131 = arith.addi %add3A_121, %add3A_130 : i32
        %lt3A_132 = arith.constant 40 : i32
        %lt3A_133 = arith.cmpi slt, %add3A_131, %lt3A_132 : i32
        %convert_element_type3A_134 = arith.extui %lt3A_133 : i1 to i32
        %cond3A_135 = arith.constant 0 : i32
        %cond3A_136 = arith.cmpi ne, %convert_element_type3A_134, %cond3A_135 : i32
        scf.if %cond3A_136 {
          %add3A_159 = arith.constant 1 : i32
          %add3A_160 = arith.addi %add3A_121, %add3A_159 : i32
          %mul3A_161 = arith.constant 2 : i32
          %mul3A_162 = arith.muli %mul3A_161, %add3A_160 : i32
          %add3A_163 = arith.addi %mul3A_2, %mul3A_162 : i32
          %dma_wait3A_164 = arith.constant 0 : i32
          %dma_wait3A_165 = tpu.memref_slice %arg4[%add3A_163, %dma_wait3A_164] : memref<1280x128xi32, #tpu.memory_space<hbm>> -> memref<2x128xi32, #tpu.memory_space<hbm>>
          %dma_wait3A_166 = arith.constant 0 : i32
          %dma_wait3A_167 = tpu.memref_slice %arg4[%add3A_163, %dma_wait3A_166] : memref<1280x128xi32, #tpu.memory_space<hbm>> -> memref<2x128xi32, #tpu.memory_space<hbm>>
          tpu.wait_dma2 semaphore(%arg15 : memref<!tpu.dma_semaphore, #tpu.memory_space<semaphore_mem>>) src(%dma_wait3A_167 : memref<2x128xi32, #tpu.memory_space<hbm>>) dst(%arg9 : memref<2x128xi32, #tpu.memory_space<vmem>>)
          %dma_wait3A_168 = arith.constant 0 : i32
          %dma_wait3A_169 = tpu.memref_slice %arg5[%add3A_163, %dma_wait3A_168] : memref<1280x128xi32, #tpu.memory_space<hbm>> -> memref<2x128xi32, #tpu.memory_space<hbm>>
          %dma_wait3A_170 = arith.constant 0 : i32
          %dma_wait3A_171 = tpu.memref_slice %arg5[%add3A_163, %dma_wait3A_170] : memref<1280x128xi32, #tpu.memory_space<hbm>> -> memref<2x128xi32, #tpu.memory_space<hbm>>
          tpu.wait_dma2 semaphore(%arg15 : memref<!tpu.dma_semaphore, #tpu.memory_space<semaphore_mem>>) src(%dma_wait3A_171 : memref<2x128xi32, #tpu.memory_space<hbm>>) dst(%arg10 : memref<2x128xi32, #tpu.memory_space<vmem>>)
          %dma_start3A_172 = arith.constant 0 : i32
          %dma_start3A_173 = arith.constant 0 : i32
          %dma_start3A_174 = tpu.memref_slice %arg9[%dma_start3A_172, %dma_start3A_173] : memref<2x128xi32, #tpu.memory_space<vmem>> -> memref<1x128xi32, #tpu.memory_space<vmem>>
          %dma_start3A_175 = tpu.memref_squeeze %dma_start3A_174 : memref<1x128xi32, #tpu.memory_space<vmem>> -> memref<128xi32, #tpu.memory_space<vmem>>
          %dma_start3A_176 = arith.constant 0 : i32
          %dma_start3A_177 = arith.constant 0 : i32
          %dma_start3A_178 = tpu.memref_slice %arg2[%dma_start3A_176, %dma_start3A_177] : memref<10240x128xf32, #tpu.memory_space<hbm>> -> memref<10240x128xf32, #tpu.memory_space<hbm>>
          tpu.enqueue_indirect_dma source(%dma_start3A_178 : memref<10240x128xf32, #tpu.memory_space<hbm>>) target(%arg13 : memref<128x128xf32, #tpu.memory_space<vmem>>) offsets(%dma_start3A_175 : memref<128xi32, #tpu.memory_space<vmem>>) semaphore(%arg17 : memref<!tpu.dma_semaphore, #tpu.memory_space<semaphore_mem>>)
        } else {
        }
        %dma_wait3A_137 = arith.constant 0 : i32
        %dma_wait3A_138 = arith.constant 0 : i32
        %dma_wait3A_139 = tpu.memref_slice %arg9[%dma_wait3A_137, %dma_wait3A_138] : memref<2x128xi32, #tpu.memory_space<vmem>> -> memref<1x128xi32, #tpu.memory_space<vmem>>
        %dma_wait3A_140 = tpu.memref_squeeze %dma_wait3A_139 : memref<1x128xi32, #tpu.memory_space<vmem>> -> memref<128xi32, #tpu.memory_space<vmem>>
        %dma_wait3A_141 = arith.constant 0 : i32
        %dma_wait3A_142 = arith.constant 0 : i32
        %dma_wait3A_143 = tpu.memref_slice %arg2[%dma_wait3A_141, %dma_wait3A_142] : memref<10240x128xf32, #tpu.memory_space<hbm>> -> memref<10240x128xf32, #tpu.memory_space<hbm>>
        tpu.wait_indirect_dma semaphore(%arg18 : memref<!tpu.dma_semaphore, #tpu.memory_space<semaphore_mem>>) src(%dma_wait3A_143 : memref<10240x128xf32, #tpu.memory_space<hbm>>) dst(%arg14 : memref<128x128xf32, #tpu.memory_space<vmem>>)
        %run_scoped3A_144 = arith.constant 1 : i32
        "tpu.region"() ({
          %run_scoped3A_159 = tpu.sem_alloc : memref<!tpu.dma_semaphore, #tpu.memory_space<semaphore_mem>>
          %dma_start3A_160 = arith.constant 0 : i32
          %dma_start3A_161 = tpu.memref_slice %arg12[%run_scoped3A_144, %dma_start3A_160] : memref<2x128xi32, #tpu.memory_space<vmem>> -> memref<1x128xi32, #tpu.memory_space<vmem>>
          %dma_start3A_162 = tpu.memref_squeeze %dma_start3A_161 : memref<1x128xi32, #tpu.memory_space<vmem>> -> memref<128xi32, #tpu.memory_space<vmem>>
          %dma_start3A_163 = arith.constant 0 : i32
          %dma_start3A_164 = arith.constant 0 : i32
          %dma_start3A_165 = tpu.memref_slice %arg8[%dma_start3A_163, %dma_start3A_164] : memref<10240x128xf32, #tpu.memory_space<vmem_shared>> -> memref<10240x128xf32, #tpu.memory_space<vmem_shared>>
          tpu.enqueue_indirect_dma source(%arg14 : memref<128x128xf32, #tpu.memory_space<vmem>>) target(%dma_start3A_165 : memref<10240x128xf32, #tpu.memory_space<vmem_shared>>) offsets(%dma_start3A_162 : memref<128xi32, #tpu.memory_space<vmem>>) semaphore(%run_scoped3A_159 : memref<!tpu.dma_semaphore, #tpu.memory_space<semaphore_mem>>) {add = true}
          %dma_wait3A_166 = arith.constant 0 : i32
          %dma_wait3A_167 = tpu.memref_slice %arg12[%run_scoped3A_144, %dma_wait3A_166] : memref<2x128xi32, #tpu.memory_space<vmem>> -> memref<1x128xi32, #tpu.memory_space<vmem>>
          %dma_wait3A_168 = tpu.memref_squeeze %dma_wait3A_167 : memref<1x128xi32, #tpu.memory_space<vmem>> -> memref<128xi32, #tpu.memory_space<vmem>>
          %dma_wait3A_169 = arith.constant 0 : i32
          %dma_wait3A_170 = arith.constant 0 : i32
          %dma_wait3A_171 = tpu.memref_slice %arg8[%dma_wait3A_169, %dma_wait3A_170] : memref<10240x128xf32, #tpu.memory_space<vmem_shared>> -> memref<10240x128xf32, #tpu.memory_space<vmem_shared>>
          tpu.wait_indirect_dma semaphore(%run_scoped3A_159 : memref<!tpu.dma_semaphore, #tpu.memory_space<semaphore_mem>>) src(%arg14 : memref<128x128xf32, #tpu.memory_space<vmem>>) dst(%dma_wait3A_171 : memref<10240x128xf32, #tpu.memory_space<vmem_shared>>)
          tpu.yield
        }) : () -> ()
        %add3A_145 = arith.constant 2 : i32
        %add3A_146 = arith.addi %add3A_121, %add3A_145 : i32
        %lt3A_147 = arith.constant 40 : i32
        %lt3A_148 = arith.cmpi slt, %add3A_146, %lt3A_147 : i32
        %convert_element_type3A_149 = arith.extui %lt3A_148 : i1 to i32
        %cond3A_150 = arith.constant 0 : i32
        %cond3A_151 = arith.cmpi ne, %convert_element_type3A_149, %cond3A_150 : i32
        scf.if %cond3A_151 {
          %add3A_159 = arith.constant 2 : i32
          %add3A_160 = arith.addi %add3A_121, %add3A_159 : i32
          %mul3A_161 = arith.constant 2 : i32
          %mul3A_162 = arith.muli %mul3A_161, %add3A_160 : i32
          %add3A_163 = arith.addi %mul3A_2, %mul3A_162 : i32
          %dma_start3A_164 = arith.constant 0 : i32
          %dma_start3A_165 = tpu.memref_slice %arg4[%add3A_163, %dma_start3A_164] : memref<1280x128xi32, #tpu.memory_space<hbm>> -> memref<2x128xi32, #tpu.memory_space<hbm>>
          %dma_start3A_166 = arith.constant 0 : i32
          %dma_start3A_167 = tpu.memref_slice %arg4[%add3A_163, %dma_start3A_166] : memref<1280x128xi32, #tpu.memory_space<hbm>> -> memref<2x128xi32, #tpu.memory_space<hbm>>
          tpu.enqueue_dma source(%dma_start3A_167 : memref<2x128xi32, #tpu.memory_space<hbm>>) target(%arg11 : memref<2x128xi32, #tpu.memory_space<vmem>>) target_semaphore(%arg16 : memref<!tpu.dma_semaphore, #tpu.memory_space<semaphore_mem>>)
          %dma_start3A_168 = arith.constant 0 : i32
          %dma_start3A_169 = tpu.memref_slice %arg5[%add3A_163, %dma_start3A_168] : memref<1280x128xi32, #tpu.memory_space<hbm>> -> memref<2x128xi32, #tpu.memory_space<hbm>>
          %dma_start3A_170 = arith.constant 0 : i32
          %dma_start3A_171 = tpu.memref_slice %arg5[%add3A_163, %dma_start3A_170] : memref<1280x128xi32, #tpu.memory_space<hbm>> -> memref<2x128xi32, #tpu.memory_space<hbm>>
          tpu.enqueue_dma source(%dma_start3A_171 : memref<2x128xi32, #tpu.memory_space<hbm>>) target(%arg12 : memref<2x128xi32, #tpu.memory_space<vmem>>) target_semaphore(%arg16 : memref<!tpu.dma_semaphore, #tpu.memory_space<semaphore_mem>>)
        } else {
        }
        %add3A_152 = arith.constant 1 : i32
        %add3A_153 = arith.addi %add3A_121, %add3A_152 : i32
        %lt3A_154 = arith.constant 40 : i32
        %lt3A_155 = arith.cmpi slt, %add3A_153, %lt3A_154 : i32
        %convert_element_type3A_156 = arith.extui %lt3A_155 : i1 to i32
        %cond3A_157 = arith.constant 0 : i32
        %cond3A_158 = arith.cmpi ne, %convert_element_type3A_156, %cond3A_157 : i32
        scf.if %cond3A_158 {
          %dma_start3A_159 = arith.constant 1 : i32
          %dma_start3A_160 = arith.constant 0 : i32
          %dma_start3A_161 = tpu.memref_slice %arg9[%dma_start3A_159, %dma_start3A_160] : memref<2x128xi32, #tpu.memory_space<vmem>> -> memref<1x128xi32, #tpu.memory_space<vmem>>
          %dma_start3A_162 = tpu.memref_squeeze %dma_start3A_161 : memref<1x128xi32, #tpu.memory_space<vmem>> -> memref<128xi32, #tpu.memory_space<vmem>>
          %dma_start3A_163 = arith.constant 0 : i32
          %dma_start3A_164 = arith.constant 0 : i32
          %dma_start3A_165 = tpu.memref_slice %arg2[%dma_start3A_163, %dma_start3A_164] : memref<10240x128xf32, #tpu.memory_space<hbm>> -> memref<10240x128xf32, #tpu.memory_space<hbm>>
          tpu.enqueue_indirect_dma source(%dma_start3A_165 : memref<10240x128xf32, #tpu.memory_space<hbm>>) target(%arg14 : memref<128x128xf32, #tpu.memory_space<vmem>>) offsets(%dma_start3A_162 : memref<128xi32, #tpu.memory_space<vmem>>) semaphore(%arg18 : memref<!tpu.dma_semaphore, #tpu.memory_space<semaphore_mem>>)
        } else {
        }
      }
      %scan3A_75 = arith.constant 20 : i32
    } else {
    }
    %eq3A_33 = arith.constant 1 : i32
    %eq3A_34 = arith.cmpi eq, %arg0, %eq3A_33 : i32
    %convert_element_type3A_35 = arith.extui %eq3A_34 : i1 to i32
    %cond3A_36 = arith.constant 0 : i32
    %cond3A_37 = arith.cmpi ne, %convert_element_type3A_35, %cond3A_36 : i32
    scf.if %cond3A_37 {
      %add3A_49 = arith.constant 0 : i32
      %add3A_50 = arith.addi %mul3A_2, %add3A_49 : i32
      %dma_wait3A = arith.constant 0 : i32
      %dma_wait3A_51 = tpu.memref_slice %arg4[%add3A_50, %dma_wait3A] : memref<1280x128xi32, #tpu.memory_space<hbm>> -> memref<2x128xi32, #tpu.memory_space<hbm>>
      %dma_wait3A_52 = arith.constant 0 : i32
      %dma_wait3A_53 = tpu.memref_slice %arg4[%add3A_50, %dma_wait3A_52] : memref<1280x128xi32, #tpu.memory_space<hbm>> -> memref<2x128xi32, #tpu.memory_space<hbm>>
      tpu.wait_dma2 semaphore(%arg15 : memref<!tpu.dma_semaphore, #tpu.memory_space<semaphore_mem>>) src(%dma_wait3A_53 : memref<2x128xi32, #tpu.memory_space<hbm>>) dst(%arg9 : memref<2x128xi32, #tpu.memory_space<vmem>>)
      %dma_wait3A_54 = arith.constant 0 : i32
      %dma_wait3A_55 = tpu.memref_slice %arg5[%add3A_50, %dma_wait3A_54] : memref<1280x128xi32, #tpu.memory_space<hbm>> -> memref<2x128xi32, #tpu.memory_space<hbm>>
      %dma_wait3A_56 = arith.constant 0 : i32
      %dma_wait3A_57 = tpu.memref_slice %arg5[%add3A_50, %dma_wait3A_56] : memref<1280x128xi32, #tpu.memory_space<hbm>> -> memref<2x128xi32, #tpu.memory_space<hbm>>
      tpu.wait_dma2 semaphore(%arg15 : memref<!tpu.dma_semaphore, #tpu.memory_space<semaphore_mem>>) src(%dma_wait3A_57 : memref<2x128xi32, #tpu.memory_space<hbm>>) dst(%arg10 : memref<2x128xi32, #tpu.memory_space<vmem>>)
      %dma_start3A_58 = arith.constant 0 : i32
      %dma_start3A_59 = arith.constant 0 : i32
      %dma_start3A_60 = tpu.memref_slice %arg9[%dma_start3A_58, %dma_start3A_59] : memref<2x128xi32, #tpu.memory_space<vmem>> -> memref<1x128xi32, #tpu.memory_space<vmem>>
      %dma_start3A_61 = tpu.memref_squeeze %dma_start3A_60 : memref<1x128xi32, #tpu.memory_space<vmem>> -> memref<128xi32, #tpu.memory_space<vmem>>
      %dma_start3A_62 = arith.constant 0 : i32
      %dma_start3A_63 = arith.constant 0 : i32
      %dma_start3A_64 = tpu.memref_slice %arg3[%dma_start3A_62, %dma_start3A_63] : memref<10240x128xf32, #tpu.memory_space<hbm>> -> memref<10240x128xf32, #tpu.memory_space<hbm>>
      tpu.enqueue_indirect_dma source(%dma_start3A_64 : memref<10240x128xf32, #tpu.memory_space<hbm>>) target(%arg13 : memref<128x128xf32, #tpu.memory_space<vmem>>) offsets(%dma_start3A_61 : memref<128xi32, #tpu.memory_space<vmem>>) semaphore(%arg17 : memref<!tpu.dma_semaphore, #tpu.memory_space<semaphore_mem>>)
      %dma_start3A_65 = arith.constant 1 : i32
      %dma_start3A_66 = arith.constant 0 : i32
      %dma_start3A_67 = tpu.memref_slice %arg9[%dma_start3A_65, %dma_start3A_66] : memref<2x128xi32, #tpu.memory_space<vmem>> -> memref<1x128xi32, #tpu.memory_space<vmem>>
      %dma_start3A_68 = tpu.memref_squeeze %dma_start3A_67 : memref<1x128xi32, #tpu.memory_space<vmem>> -> memref<128xi32, #tpu.memory_space<vmem>>
      %dma_start3A_69 = arith.constant 0 : i32
      %dma_start3A_70 = arith.constant 0 : i32
      %dma_start3A_71 = tpu.memref_slice %arg3[%dma_start3A_69, %dma_start3A_70] : memref<10240x128xf32, #tpu.memory_space<hbm>> -> memref<10240x128xf32, #tpu.memory_space<hbm>>
      tpu.enqueue_indirect_dma source(%dma_start3A_71 : memref<10240x128xf32, #tpu.memory_space<hbm>>) target(%arg14 : memref<128x128xf32, #tpu.memory_space<vmem>>) offsets(%dma_start3A_68 : memref<128xi32, #tpu.memory_space<vmem>>) semaphore(%arg18 : memref<!tpu.dma_semaphore, #tpu.memory_space<semaphore_mem>>)
      %scan3A = arith.constant 0 : i32
      %scan3A_72 = arith.constant 20 : i32
      %scan3A_73 = arith.addi %scan3A, %scan3A_72 : i32
      %scan3A_74 = arith.constant 1 : i32
      scf.for %scan3A_76 = %scan3A to %scan3A_73 step %scan3A_74  : i32 {
        %mul3A_77 = arith.constant 1 : i32
        %mul3A_78 = arith.muli %scan3A_76, %mul3A_77 : i32
        %add3A_79 = arith.constant 0 : i32
        %add3A_80 = arith.addi %add3A_79, %mul3A_78 : i32
        %mul3A_81 = arith.constant 2 : i32
        %mul3A_82 = arith.muli %mul3A_81, %add3A_80 : i32
        %dma_wait3A_83 = arith.constant 0 : i32
        %dma_wait3A_84 = arith.constant 0 : i32
        %dma_wait3A_85 = tpu.memref_slice %arg9[%dma_wait3A_83, %dma_wait3A_84] : memref<2x128xi32, #tpu.memory_space<vmem>> -> memref<1x128xi32, #tpu.memory_space<vmem>>
        %dma_wait3A_86 = tpu.memref_squeeze %dma_wait3A_85 : memref<1x128xi32, #tpu.memory_space<vmem>> -> memref<128xi32, #tpu.memory_space<vmem>>
        %dma_wait3A_87 = arith.constant 0 : i32
        %dma_wait3A_88 = arith.constant 0 : i32
        %dma_wait3A_89 = tpu.memref_slice %arg3[%dma_wait3A_87, %dma_wait3A_88] : memref<10240x128xf32, #tpu.memory_space<hbm>> -> memref<10240x128xf32, #tpu.memory_space<hbm>>
        tpu.wait_indirect_dma semaphore(%arg17 : memref<!tpu.dma_semaphore, #tpu.memory_space<semaphore_mem>>) src(%dma_wait3A_89 : memref<10240x128xf32, #tpu.memory_space<hbm>>) dst(%arg13 : memref<128x128xf32, #tpu.memory_space<vmem>>)
        %run_scoped3A = arith.constant 0 : i32
        "tpu.region"() ({
          %run_scoped3A_159 = tpu.sem_alloc : memref<!tpu.dma_semaphore, #tpu.memory_space<semaphore_mem>>
          %dma_start3A_160 = arith.constant 0 : i32
          %dma_start3A_161 = tpu.memref_slice %arg10[%run_scoped3A, %dma_start3A_160] : memref<2x128xi32, #tpu.memory_space<vmem>> -> memref<1x128xi32, #tpu.memory_space<vmem>>
          %dma_start3A_162 = tpu.memref_squeeze %dma_start3A_161 : memref<1x128xi32, #tpu.memory_space<vmem>> -> memref<128xi32, #tpu.memory_space<vmem>>
          %dma_start3A_163 = arith.constant 0 : i32
          %dma_start3A_164 = arith.constant 0 : i32
          %dma_start3A_165 = tpu.memref_slice %arg8[%dma_start3A_163, %dma_start3A_164] : memref<10240x128xf32, #tpu.memory_space<vmem_shared>> -> memref<10240x128xf32, #tpu.memory_space<vmem_shared>>
          tpu.enqueue_indirect_dma source(%arg13 : memref<128x128xf32, #tpu.memory_space<vmem>>) target(%dma_start3A_165 : memref<10240x128xf32, #tpu.memory_space<vmem_shared>>) offsets(%dma_start3A_162 : memref<128xi32, #tpu.memory_space<vmem>>) semaphore(%run_scoped3A_159 : memref<!tpu.dma_semaphore, #tpu.memory_space<semaphore_mem>>) {add = true}
          %dma_wait3A_166 = arith.constant 0 : i32
          %dma_wait3A_167 = tpu.memref_slice %arg10[%run_scoped3A, %dma_wait3A_166] : memref<2x128xi32, #tpu.memory_space<vmem>> -> memref<1x128xi32, #tpu.memory_space<vmem>>
          %dma_wait3A_168 = tpu.memref_squeeze %dma_wait3A_167 : memref<1x128xi32, #tpu.memory_space<vmem>> -> memref<128xi32, #tpu.memory_space<vmem>>
          %dma_wait3A_169 = arith.constant 0 : i32
          %dma_wait3A_170 = arith.constant 0 : i32
          %dma_wait3A_171 = tpu.memref_slice %arg8[%dma_wait3A_169, %dma_wait3A_170] : memref<10240x128xf32, #tpu.memory_space<vmem_shared>> -> memref<10240x128xf32, #tpu.memory_space<vmem_shared>>
          tpu.wait_indirect_dma semaphore(%run_scoped3A_159 : memref<!tpu.dma_semaphore, #tpu.memory_space<semaphore_mem>>) src(%arg13 : memref<128x128xf32, #tpu.memory_space<vmem>>) dst(%dma_wait3A_171 : memref<10240x128xf32, #tpu.memory_space<vmem_shared>>)
          tpu.yield
        }) : () -> ()
        %add3A_90 = arith.constant 1 : i32
        %add3A_91 = arith.addi %mul3A_82, %add3A_90 : i32
        %lt3A = arith.constant 40 : i32
        %lt3A_92 = arith.cmpi slt, %add3A_91, %lt3A : i32
        %convert_element_type3A_93 = arith.extui %lt3A_92 : i1 to i32
        %cond3A_94 = arith.constant 0 : i32
        %cond3A_95 = arith.cmpi ne, %convert_element_type3A_93, %cond3A_94 : i32
        scf.if %cond3A_95 {
          %add3A_159 = arith.constant 1 : i32
          %add3A_160 = arith.addi %mul3A_82, %add3A_159 : i32
          %mul3A_161 = arith.constant 2 : i32
          %mul3A_162 = arith.muli %mul3A_161, %add3A_160 : i32
          %add3A_163 = arith.addi %mul3A_2, %mul3A_162 : i32
          %dma_wait3A_164 = arith.constant 0 : i32
          %dma_wait3A_165 = tpu.memref_slice %arg4[%add3A_163, %dma_wait3A_164] : memref<1280x128xi32, #tpu.memory_space<hbm>> -> memref<2x128xi32, #tpu.memory_space<hbm>>
          %dma_wait3A_166 = arith.constant 0 : i32
          %dma_wait3A_167 = tpu.memref_slice %arg4[%add3A_163, %dma_wait3A_166] : memref<1280x128xi32, #tpu.memory_space<hbm>> -> memref<2x128xi32, #tpu.memory_space<hbm>>
          tpu.wait_dma2 semaphore(%arg16 : memref<!tpu.dma_semaphore, #tpu.memory_space<semaphore_mem>>) src(%dma_wait3A_167 : memref<2x128xi32, #tpu.memory_space<hbm>>) dst(%arg11 : memref<2x128xi32, #tpu.memory_space<vmem>>)
          %dma_wait3A_168 = arith.constant 0 : i32
          %dma_wait3A_169 = tpu.memref_slice %arg5[%add3A_163, %dma_wait3A_168] : memref<1280x128xi32, #tpu.memory_space<hbm>> -> memref<2x128xi32, #tpu.memory_space<hbm>>
          %dma_wait3A_170 = arith.constant 0 : i32
          %dma_wait3A_171 = tpu.memref_slice %arg5[%add3A_163, %dma_wait3A_170] : memref<1280x128xi32, #tpu.memory_space<hbm>> -> memref<2x128xi32, #tpu.memory_space<hbm>>
          tpu.wait_dma2 semaphore(%arg16 : memref<!tpu.dma_semaphore, #tpu.memory_space<semaphore_mem>>) src(%dma_wait3A_171 : memref<2x128xi32, #tpu.memory_space<hbm>>) dst(%arg12 : memref<2x128xi32, #tpu.memory_space<vmem>>)
          %dma_start3A_172 = arith.constant 0 : i32
          %dma_start3A_173 = arith.constant 0 : i32
          %dma_start3A_174 = tpu.memref_slice %arg11[%dma_start3A_172, %dma_start3A_173] : memref<2x128xi32, #tpu.memory_space<vmem>> -> memref<1x128xi32, #tpu.memory_space<vmem>>
          %dma_start3A_175 = tpu.memref_squeeze %dma_start3A_174 : memref<1x128xi32, #tpu.memory_space<vmem>> -> memref<128xi32, #tpu.memory_space<vmem>>
          %dma_start3A_176 = arith.constant 0 : i32
          %dma_start3A_177 = arith.constant 0 : i32
          %dma_start3A_178 = tpu.memref_slice %arg3[%dma_start3A_176, %dma_start3A_177] : memref<10240x128xf32, #tpu.memory_space<hbm>> -> memref<10240x128xf32, #tpu.memory_space<hbm>>
          tpu.enqueue_indirect_dma source(%dma_start3A_178 : memref<10240x128xf32, #tpu.memory_space<hbm>>) target(%arg13 : memref<128x128xf32, #tpu.memory_space<vmem>>) offsets(%dma_start3A_175 : memref<128xi32, #tpu.memory_space<vmem>>) semaphore(%arg17 : memref<!tpu.dma_semaphore, #tpu.memory_space<semaphore_mem>>)
        } else {
        }
        %dma_wait3A_96 = arith.constant 0 : i32
        %dma_wait3A_97 = arith.constant 0 : i32
        %dma_wait3A_98 = tpu.memref_slice %arg9[%dma_wait3A_96, %dma_wait3A_97] : memref<2x128xi32, #tpu.memory_space<vmem>> -> memref<1x128xi32, #tpu.memory_space<vmem>>
        %dma_wait3A_99 = tpu.memref_squeeze %dma_wait3A_98 : memref<1x128xi32, #tpu.memory_space<vmem>> -> memref<128xi32, #tpu.memory_space<vmem>>
        %dma_wait3A_100 = arith.constant 0 : i32
        %dma_wait3A_101 = arith.constant 0 : i32
        %dma_wait3A_102 = tpu.memref_slice %arg3[%dma_wait3A_100, %dma_wait3A_101] : memref<10240x128xf32, #tpu.memory_space<hbm>> -> memref<10240x128xf32, #tpu.memory_space<hbm>>
        tpu.wait_indirect_dma semaphore(%arg18 : memref<!tpu.dma_semaphore, #tpu.memory_space<semaphore_mem>>) src(%dma_wait3A_102 : memref<10240x128xf32, #tpu.memory_space<hbm>>) dst(%arg14 : memref<128x128xf32, #tpu.memory_space<vmem>>)
        %run_scoped3A_103 = arith.constant 1 : i32
        "tpu.region"() ({
          %run_scoped3A_159 = tpu.sem_alloc : memref<!tpu.dma_semaphore, #tpu.memory_space<semaphore_mem>>
          %dma_start3A_160 = arith.constant 0 : i32
          %dma_start3A_161 = tpu.memref_slice %arg10[%run_scoped3A_103, %dma_start3A_160] : memref<2x128xi32, #tpu.memory_space<vmem>> -> memref<1x128xi32, #tpu.memory_space<vmem>>
          %dma_start3A_162 = tpu.memref_squeeze %dma_start3A_161 : memref<1x128xi32, #tpu.memory_space<vmem>> -> memref<128xi32, #tpu.memory_space<vmem>>
          %dma_start3A_163 = arith.constant 0 : i32
          %dma_start3A_164 = arith.constant 0 : i32
          %dma_start3A_165 = tpu.memref_slice %arg8[%dma_start3A_163, %dma_start3A_164] : memref<10240x128xf32, #tpu.memory_space<vmem_shared>> -> memref<10240x128xf32, #tpu.memory_space<vmem_shared>>
          tpu.enqueue_indirect_dma source(%arg14 : memref<128x128xf32, #tpu.memory_space<vmem>>) target(%dma_start3A_165 : memref<10240x128xf32, #tpu.memory_space<vmem_shared>>) offsets(%dma_start3A_162 : memref<128xi32, #tpu.memory_space<vmem>>) semaphore(%run_scoped3A_159 : memref<!tpu.dma_semaphore, #tpu.memory_space<semaphore_mem>>) {add = true}
          %dma_wait3A_166 = arith.constant 0 : i32
          %dma_wait3A_167 = tpu.memref_slice %arg10[%run_scoped3A_103, %dma_wait3A_166] : memref<2x128xi32, #tpu.memory_space<vmem>> -> memref<1x128xi32, #tpu.memory_space<vmem>>
          %dma_wait3A_168 = tpu.memref_squeeze %dma_wait3A_167 : memref<1x128xi32, #tpu.memory_space<vmem>> -> memref<128xi32, #tpu.memory_space<vmem>>
          %dma_wait3A_169 = arith.constant 0 : i32
          %dma_wait3A_170 = arith.constant 0 : i32
          %dma_wait3A_171 = tpu.memref_slice %arg8[%dma_wait3A_169, %dma_wait3A_170] : memref<10240x128xf32, #tpu.memory_space<vmem_shared>> -> memref<10240x128xf32, #tpu.memory_space<vmem_shared>>
          tpu.wait_indirect_dma semaphore(%run_scoped3A_159 : memref<!tpu.dma_semaphore, #tpu.memory_space<semaphore_mem>>) src(%arg14 : memref<128x128xf32, #tpu.memory_space<vmem>>) dst(%dma_wait3A_171 : memref<10240x128xf32, #tpu.memory_space<vmem_shared>>)
          tpu.yield
        }) : () -> ()
        %add3A_104 = arith.constant 2 : i32
        %add3A_105 = arith.addi %mul3A_82, %add3A_104 : i32
        %lt3A_106 = arith.constant 40 : i32
        %lt3A_107 = arith.cmpi slt, %add3A_105, %lt3A_106 : i32
        %convert_element_type3A_108 = arith.extui %lt3A_107 : i1 to i32
        %cond3A_109 = arith.constant 0 : i32
        %cond3A_110 = arith.cmpi ne, %convert_element_type3A_108, %cond3A_109 : i32
        scf.if %cond3A_110 {
          %add3A_159 = arith.constant 2 : i32
          %add3A_160 = arith.addi %mul3A_82, %add3A_159 : i32
          %mul3A_161 = arith.constant 2 : i32
          %mul3A_162 = arith.muli %mul3A_161, %add3A_160 : i32
          %add3A_163 = arith.addi %mul3A_2, %mul3A_162 : i32
          %dma_start3A_164 = arith.constant 0 : i32
          %dma_start3A_165 = tpu.memref_slice %arg4[%add3A_163, %dma_start3A_164] : memref<1280x128xi32, #tpu.memory_space<hbm>> -> memref<2x128xi32, #tpu.memory_space<hbm>>
          %dma_start3A_166 = arith.constant 0 : i32
          %dma_start3A_167 = tpu.memref_slice %arg4[%add3A_163, %dma_start3A_166] : memref<1280x128xi32, #tpu.memory_space<hbm>> -> memref<2x128xi32, #tpu.memory_space<hbm>>
          tpu.enqueue_dma source(%dma_start3A_167 : memref<2x128xi32, #tpu.memory_space<hbm>>) target(%arg9 : memref<2x128xi32, #tpu.memory_space<vmem>>) target_semaphore(%arg15 : memref<!tpu.dma_semaphore, #tpu.memory_space<semaphore_mem>>)
          %dma_start3A_168 = arith.constant 0 : i32
          %dma_start3A_169 = tpu.memref_slice %arg5[%add3A_163, %dma_start3A_168] : memref<1280x128xi32, #tpu.memory_space<hbm>> -> memref<2x128xi32, #tpu.memory_space<hbm>>
          %dma_start3A_170 = arith.constant 0 : i32
          %dma_start3A_171 = tpu.memref_slice %arg5[%add3A_163, %dma_start3A_170] : memref<1280x128xi32, #tpu.memory_space<hbm>> -> memref<2x128xi32, #tpu.memory_space<hbm>>
          tpu.enqueue_dma source(%dma_start3A_171 : memref<2x128xi32, #tpu.memory_space<hbm>>) target(%arg10 : memref<2x128xi32, #tpu.memory_space<vmem>>) target_semaphore(%arg15 : memref<!tpu.dma_semaphore, #tpu.memory_space<semaphore_mem>>)
        } else {
        }
        %add3A_111 = arith.constant 1 : i32
        %add3A_112 = arith.addi %mul3A_82, %add3A_111 : i32
        %lt3A_113 = arith.constant 40 : i32
        %lt3A_114 = arith.cmpi slt, %add3A_112, %lt3A_113 : i32
        %convert_element_type3A_115 = arith.extui %lt3A_114 : i1 to i32
        %cond3A_116 = arith.constant 0 : i32
        %cond3A_117 = arith.cmpi ne, %convert_element_type3A_115, %cond3A_116 : i32
        scf.if %cond3A_117 {
          %dma_start3A_159 = arith.constant 1 : i32
          %dma_start3A_160 = arith.constant 0 : i32
          %dma_start3A_161 = tpu.memref_slice %arg11[%dma_start3A_159, %dma_start3A_160] : memref<2x128xi32, #tpu.memory_space<vmem>> -> memref<1x128xi32, #tpu.memory_space<vmem>>
          %dma_start3A_162 = tpu.memref_squeeze %dma_start3A_161 : memref<1x128xi32, #tpu.memory_space<vmem>> -> memref<128xi32, #tpu.memory_space<vmem>>
          %dma_start3A_163 = arith.constant 0 : i32
          %dma_start3A_164 = arith.constant 0 : i32
          %dma_start3A_165 = tpu.memref_slice %arg3[%dma_start3A_163, %dma_start3A_164] : memref<10240x128xf32, #tpu.memory_space<hbm>> -> memref<10240x128xf32, #tpu.memory_space<hbm>>
          tpu.enqueue_indirect_dma source(%dma_start3A_165 : memref<10240x128xf32, #tpu.memory_space<hbm>>) target(%arg14 : memref<128x128xf32, #tpu.memory_space<vmem>>) offsets(%dma_start3A_162 : memref<128xi32, #tpu.memory_space<vmem>>) semaphore(%arg18 : memref<!tpu.dma_semaphore, #tpu.memory_space<semaphore_mem>>)
        } else {
        }
        %mul3A_118 = arith.constant 2 : i32
        %mul3A_119 = arith.muli %mul3A_118, %add3A_80 : i32
        %add3A_120 = arith.constant 1 : i32
        %add3A_121 = arith.addi %mul3A_119, %add3A_120 : i32
        %dma_wait3A_122 = arith.constant 0 : i32
        %dma_wait3A_123 = arith.constant 0 : i32
        %dma_wait3A_124 = tpu.memref_slice %arg9[%dma_wait3A_122, %dma_wait3A_123] : memref<2x128xi32, #tpu.memory_space<vmem>> -> memref<1x128xi32, #tpu.memory_space<vmem>>
        %dma_wait3A_125 = tpu.memref_squeeze %dma_wait3A_124 : memref<1x128xi32, #tpu.memory_space<vmem>> -> memref<128xi32, #tpu.memory_space<vmem>>
        %dma_wait3A_126 = arith.constant 0 : i32
        %dma_wait3A_127 = arith.constant 0 : i32
        %dma_wait3A_128 = tpu.memref_slice %arg3[%dma_wait3A_126, %dma_wait3A_127] : memref<10240x128xf32, #tpu.memory_space<hbm>> -> memref<10240x128xf32, #tpu.memory_space<hbm>>
        tpu.wait_indirect_dma semaphore(%arg17 : memref<!tpu.dma_semaphore, #tpu.memory_space<semaphore_mem>>) src(%dma_wait3A_128 : memref<10240x128xf32, #tpu.memory_space<hbm>>) dst(%arg13 : memref<128x128xf32, #tpu.memory_space<vmem>>)
        %run_scoped3A_129 = arith.constant 0 : i32
        "tpu.region"() ({
          %run_scoped3A_159 = tpu.sem_alloc : memref<!tpu.dma_semaphore, #tpu.memory_space<semaphore_mem>>
          %dma_start3A_160 = arith.constant 0 : i32
          %dma_start3A_161 = tpu.memref_slice %arg12[%run_scoped3A_129, %dma_start3A_160] : memref<2x128xi32, #tpu.memory_space<vmem>> -> memref<1x128xi32, #tpu.memory_space<vmem>>
          %dma_start3A_162 = tpu.memref_squeeze %dma_start3A_161 : memref<1x128xi32, #tpu.memory_space<vmem>> -> memref<128xi32, #tpu.memory_space<vmem>>
          %dma_start3A_163 = arith.constant 0 : i32
          %dma_start3A_164 = arith.constant 0 : i32
          %dma_start3A_165 = tpu.memref_slice %arg8[%dma_start3A_163, %dma_start3A_164] : memref<10240x128xf32, #tpu.memory_space<vmem_shared>> -> memref<10240x128xf32, #tpu.memory_space<vmem_shared>>
          tpu.enqueue_indirect_dma source(%arg13 : memref<128x128xf32, #tpu.memory_space<vmem>>) target(%dma_start3A_165 : memref<10240x128xf32, #tpu.memory_space<vmem_shared>>) offsets(%dma_start3A_162 : memref<128xi32, #tpu.memory_space<vmem>>) semaphore(%run_scoped3A_159 : memref<!tpu.dma_semaphore, #tpu.memory_space<semaphore_mem>>) {add = true}
          %dma_wait3A_166 = arith.constant 0 : i32
          %dma_wait3A_167 = tpu.memref_slice %arg12[%run_scoped3A_129, %dma_wait3A_166] : memref<2x128xi32, #tpu.memory_space<vmem>> -> memref<1x128xi32, #tpu.memory_space<vmem>>
          %dma_wait3A_168 = tpu.memref_squeeze %dma_wait3A_167 : memref<1x128xi32, #tpu.memory_space<vmem>> -> memref<128xi32, #tpu.memory_space<vmem>>
          %dma_wait3A_169 = arith.constant 0 : i32
          %dma_wait3A_170 = arith.constant 0 : i32
          %dma_wait3A_171 = tpu.memref_slice %arg8[%dma_wait3A_169, %dma_wait3A_170] : memref<10240x128xf32, #tpu.memory_space<vmem_shared>> -> memref<10240x128xf32, #tpu.memory_space<vmem_shared>>
          tpu.wait_indirect_dma semaphore(%run_scoped3A_159 : memref<!tpu.dma_semaphore, #tpu.memory_space<semaphore_mem>>) src(%arg13 : memref<128x128xf32, #tpu.memory_space<vmem>>) dst(%dma_wait3A_171 : memref<10240x128xf32, #tpu.memory_space<vmem_shared>>)
          tpu.yield
        }) : () -> ()
        %add3A_130 = arith.constant 1 : i32
        %add3A_131 = arith.addi %add3A_121, %add3A_130 : i32
        %lt3A_132 = arith.constant 40 : i32
        %lt3A_133 = arith.cmpi slt, %add3A_131, %lt3A_132 : i32
        %convert_element_type3A_134 = arith.extui %lt3A_133 : i1 to i32
        %cond3A_135 = arith.constant 0 : i32
        %cond3A_136 = arith.cmpi ne, %convert_element_type3A_134, %cond3A_135 : i32
        scf.if %cond3A_136 {
          %add3A_159 = arith.constant 1 : i32
          %add3A_160 = arith.addi %add3A_121, %add3A_159 : i32
          %mul3A_161 = arith.constant 2 : i32
          %mul3A_162 = arith.muli %mul3A_161, %add3A_160 : i32
          %add3A_163 = arith.addi %mul3A_2, %mul3A_162 : i32
          %dma_wait3A_164 = arith.constant 0 : i32
          %dma_wait3A_165 = tpu.memref_slice %arg4[%add3A_163, %dma_wait3A_164] : memref<1280x128xi32, #tpu.memory_space<hbm>> -> memref<2x128xi32, #tpu.memory_space<hbm>>
          %dma_wait3A_166 = arith.constant 0 : i32
          %dma_wait3A_167 = tpu.memref_slice %arg4[%add3A_163, %dma_wait3A_166] : memref<1280x128xi32, #tpu.memory_space<hbm>> -> memref<2x128xi32, #tpu.memory_space<hbm>>
          tpu.wait_dma2 semaphore(%arg15 : memref<!tpu.dma_semaphore, #tpu.memory_space<semaphore_mem>>) src(%dma_wait3A_167 : memref<2x128xi32, #tpu.memory_space<hbm>>) dst(%arg9 : memref<2x128xi32, #tpu.memory_space<vmem>>)
          %dma_wait3A_168 = arith.constant 0 : i32
          %dma_wait3A_169 = tpu.memref_slice %arg5[%add3A_163, %dma_wait3A_168] : memref<1280x128xi32, #tpu.memory_space<hbm>> -> memref<2x128xi32, #tpu.memory_space<hbm>>
          %dma_wait3A_170 = arith.constant 0 : i32
          %dma_wait3A_171 = tpu.memref_slice %arg5[%add3A_163, %dma_wait3A_170] : memref<1280x128xi32, #tpu.memory_space<hbm>> -> memref<2x128xi32, #tpu.memory_space<hbm>>
          tpu.wait_dma2 semaphore(%arg15 : memref<!tpu.dma_semaphore, #tpu.memory_space<semaphore_mem>>) src(%dma_wait3A_171 : memref<2x128xi32, #tpu.memory_space<hbm>>) dst(%arg10 : memref<2x128xi32, #tpu.memory_space<vmem>>)
          %dma_start3A_172 = arith.constant 0 : i32
          %dma_start3A_173 = arith.constant 0 : i32
          %dma_start3A_174 = tpu.memref_slice %arg9[%dma_start3A_172, %dma_start3A_173] : memref<2x128xi32, #tpu.memory_space<vmem>> -> memref<1x128xi32, #tpu.memory_space<vmem>>
          %dma_start3A_175 = tpu.memref_squeeze %dma_start3A_174 : memref<1x128xi32, #tpu.memory_space<vmem>> -> memref<128xi32, #tpu.memory_space<vmem>>
          %dma_start3A_176 = arith.constant 0 : i32
          %dma_start3A_177 = arith.constant 0 : i32
          %dma_start3A_178 = tpu.memref_slice %arg3[%dma_start3A_176, %dma_start3A_177] : memref<10240x128xf32, #tpu.memory_space<hbm>> -> memref<10240x128xf32, #tpu.memory_space<hbm>>
          tpu.enqueue_indirect_dma source(%dma_start3A_178 : memref<10240x128xf32, #tpu.memory_space<hbm>>) target(%arg13 : memref<128x128xf32, #tpu.memory_space<vmem>>) offsets(%dma_start3A_175 : memref<128xi32, #tpu.memory_space<vmem>>) semaphore(%arg17 : memref<!tpu.dma_semaphore, #tpu.memory_space<semaphore_mem>>)
        } else {
        }
        %dma_wait3A_137 = arith.constant 0 : i32
        %dma_wait3A_138 = arith.constant 0 : i32
        %dma_wait3A_139 = tpu.memref_slice %arg9[%dma_wait3A_137, %dma_wait3A_138] : memref<2x128xi32, #tpu.memory_space<vmem>> -> memref<1x128xi32, #tpu.memory_space<vmem>>
        %dma_wait3A_140 = tpu.memref_squeeze %dma_wait3A_139 : memref<1x128xi32, #tpu.memory_space<vmem>> -> memref<128xi32, #tpu.memory_space<vmem>>
        %dma_wait3A_141 = arith.constant 0 : i32
        %dma_wait3A_142 = arith.constant 0 : i32
        %dma_wait3A_143 = tpu.memref_slice %arg3[%dma_wait3A_141, %dma_wait3A_142] : memref<10240x128xf32, #tpu.memory_space<hbm>> -> memref<10240x128xf32, #tpu.memory_space<hbm>>
        tpu.wait_indirect_dma semaphore(%arg18 : memref<!tpu.dma_semaphore, #tpu.memory_space<semaphore_mem>>) src(%dma_wait3A_143 : memref<10240x128xf32, #tpu.memory_space<hbm>>) dst(%arg14 : memref<128x128xf32, #tpu.memory_space<vmem>>)
        %run_scoped3A_144 = arith.constant 1 : i32
        "tpu.region"() ({
          %run_scoped3A_159 = tpu.sem_alloc : memref<!tpu.dma_semaphore, #tpu.memory_space<semaphore_mem>>
          %dma_start3A_160 = arith.constant 0 : i32
          %dma_start3A_161 = tpu.memref_slice %arg12[%run_scoped3A_144, %dma_start3A_160] : memref<2x128xi32, #tpu.memory_space<vmem>> -> memref<1x128xi32, #tpu.memory_space<vmem>>
          %dma_start3A_162 = tpu.memref_squeeze %dma_start3A_161 : memref<1x128xi32, #tpu.memory_space<vmem>> -> memref<128xi32, #tpu.memory_space<vmem>>
          %dma_start3A_163 = arith.constant 0 : i32
          %dma_start3A_164 = arith.constant 0 : i32
          %dma_start3A_165 = tpu.memref_slice %arg8[%dma_start3A_163, %dma_start3A_164] : memref<10240x128xf32, #tpu.memory_space<vmem_shared>> -> memref<10240x128xf32, #tpu.memory_space<vmem_shared>>
          tpu.enqueue_indirect_dma source(%arg14 : memref<128x128xf32, #tpu.memory_space<vmem>>) target(%dma_start3A_165 : memref<10240x128xf32, #tpu.memory_space<vmem_shared>>) offsets(%dma_start3A_162 : memref<128xi32, #tpu.memory_space<vmem>>) semaphore(%run_scoped3A_159 : memref<!tpu.dma_semaphore, #tpu.memory_space<semaphore_mem>>) {add = true}
          %dma_wait3A_166 = arith.constant 0 : i32
          %dma_wait3A_167 = tpu.memref_slice %arg12[%run_scoped3A_144, %dma_wait3A_166] : memref<2x128xi32, #tpu.memory_space<vmem>> -> memref<1x128xi32, #tpu.memory_space<vmem>>
          %dma_wait3A_168 = tpu.memref_squeeze %dma_wait3A_167 : memref<1x128xi32, #tpu.memory_space<vmem>> -> memref<128xi32, #tpu.memory_space<vmem>>
          %dma_wait3A_169 = arith.constant 0 : i32
          %dma_wait3A_170 = arith.constant 0 : i32
          %dma_wait3A_171 = tpu.memref_slice %arg8[%dma_wait3A_169, %dma_wait3A_170] : memref<10240x128xf32, #tpu.memory_space<vmem_shared>> -> memref<10240x128xf32, #tpu.memory_space<vmem_shared>>
          tpu.wait_indirect_dma semaphore(%run_scoped3A_159 : memref<!tpu.dma_semaphore, #tpu.memory_space<semaphore_mem>>) src(%arg14 : memref<128x128xf32, #tpu.memory_space<vmem>>) dst(%dma_wait3A_171 : memref<10240x128xf32, #tpu.memory_space<vmem_shared>>)
          tpu.yield
        }) : () -> ()
        %add3A_145 = arith.constant 2 : i32
        %add3A_146 = arith.addi %add3A_121, %add3A_145 : i32
        %lt3A_147 = arith.constant 40 : i32
        %lt3A_148 = arith.cmpi slt, %add3A_146, %lt3A_147 : i32
        %convert_element_type3A_149 = arith.extui %lt3A_148 : i1 to i32
        %cond3A_150 = arith.constant 0 : i32
        %cond3A_151 = arith.cmpi ne, %convert_element_type3A_149, %cond3A_150 : i32
        scf.if %cond3A_151 {
          %add3A_159 = arith.constant 2 : i32
          %add3A_160 = arith.addi %add3A_121, %add3A_159 : i32
          %mul3A_161 = arith.constant 2 : i32
          %mul3A_162 = arith.muli %mul3A_161, %add3A_160 : i32
          %add3A_163 = arith.addi %mul3A_2, %mul3A_162 : i32
          %dma_start3A_164 = arith.constant 0 : i32
          %dma_start3A_165 = tpu.memref_slice %arg4[%add3A_163, %dma_start3A_164] : memref<1280x128xi32, #tpu.memory_space<hbm>> -> memref<2x128xi32, #tpu.memory_space<hbm>>
          %dma_start3A_166 = arith.constant 0 : i32
          %dma_start3A_167 = tpu.memref_slice %arg4[%add3A_163, %dma_start3A_166] : memref<1280x128xi32, #tpu.memory_space<hbm>> -> memref<2x128xi32, #tpu.memory_space<hbm>>
          tpu.enqueue_dma source(%dma_start3A_167 : memref<2x128xi32, #tpu.memory_space<hbm>>) target(%arg11 : memref<2x128xi32, #tpu.memory_space<vmem>>) target_semaphore(%arg16 : memref<!tpu.dma_semaphore, #tpu.memory_space<semaphore_mem>>)
          %dma_start3A_168 = arith.constant 0 : i32
          %dma_start3A_169 = tpu.memref_slice %arg5[%add3A_163, %dma_start3A_168] : memref<1280x128xi32, #tpu.memory_space<hbm>> -> memref<2x128xi32, #tpu.memory_space<hbm>>
          %dma_start3A_170 = arith.constant 0 : i32
          %dma_start3A_171 = tpu.memref_slice %arg5[%add3A_163, %dma_start3A_170] : memref<1280x128xi32, #tpu.memory_space<hbm>> -> memref<2x128xi32, #tpu.memory_space<hbm>>
          tpu.enqueue_dma source(%dma_start3A_171 : memref<2x128xi32, #tpu.memory_space<hbm>>) target(%arg12 : memref<2x128xi32, #tpu.memory_space<vmem>>) target_semaphore(%arg16 : memref<!tpu.dma_semaphore, #tpu.memory_space<semaphore_mem>>)
        } else {
        }
        %add3A_152 = arith.constant 1 : i32
        %add3A_153 = arith.addi %add3A_121, %add3A_152 : i32
        %lt3A_154 = arith.constant 40 : i32
        %lt3A_155 = arith.cmpi slt, %add3A_153, %lt3A_154 : i32
        %convert_element_type3A_156 = arith.extui %lt3A_155 : i1 to i32
        %cond3A_157 = arith.constant 0 : i32
        %cond3A_158 = arith.cmpi ne, %convert_element_type3A_156, %cond3A_157 : i32
        scf.if %cond3A_158 {
          %dma_start3A_159 = arith.constant 1 : i32
          %dma_start3A_160 = arith.constant 0 : i32
          %dma_start3A_161 = tpu.memref_slice %arg9[%dma_start3A_159, %dma_start3A_160] : memref<2x128xi32, #tpu.memory_space<vmem>> -> memref<1x128xi32, #tpu.memory_space<vmem>>
          %dma_start3A_162 = tpu.memref_squeeze %dma_start3A_161 : memref<1x128xi32, #tpu.memory_space<vmem>> -> memref<128xi32, #tpu.memory_space<vmem>>
          %dma_start3A_163 = arith.constant 0 : i32
          %dma_start3A_164 = arith.constant 0 : i32
          %dma_start3A_165 = tpu.memref_slice %arg3[%dma_start3A_163, %dma_start3A_164] : memref<10240x128xf32, #tpu.memory_space<hbm>> -> memref<10240x128xf32, #tpu.memory_space<hbm>>
          tpu.enqueue_indirect_dma source(%dma_start3A_165 : memref<10240x128xf32, #tpu.memory_space<hbm>>) target(%arg14 : memref<128x128xf32, #tpu.memory_space<vmem>>) offsets(%dma_start3A_162 : memref<128xi32, #tpu.memory_space<vmem>>) semaphore(%arg18 : memref<!tpu.dma_semaphore, #tpu.memory_space<semaphore_mem>>)
        } else {
        }
      }
      %scan3A_75 = arith.constant 20 : i32
    } else {
    }
    %barrier3A_38 = arith.constant 0 : index
    tpu.barrier barrier_id(%barrier3A_38)
    %eq3A_39 = arith.constant 0 : i32
    %eq3A_40 = arith.cmpi eq, %arg0, %eq3A_39 : i32
    %convert_element_type3A_41 = arith.extui %eq3A_40 : i1 to i32
    %cond3A_42 = arith.constant 0 : i32
    %cond3A_43 = arith.cmpi ne, %convert_element_type3A_41, %cond3A_42 : i32
    scf.if %cond3A_43 {
      "tpu.region"() ({
        %run_scoped3A = tpu.sem_alloc : memref<!tpu.dma_semaphore, #tpu.memory_space<semaphore_mem>>
        %dma_start3A_49 = arith.constant 0 : i32
        %dma_start3A_50 = tpu.memref_slice %arg6[%mul3A_0, %dma_start3A_49] : memref<10240x128xf32, #tpu.memory_space<hbm>> -> memref<640x128xf32, #tpu.memory_space<hbm>>
        %dma_start3A_51 = arith.constant 0 : i32
        %dma_start3A_52 = tpu.memref_slice %arg8[%mul3A_0, %dma_start3A_51] : memref<10240x128xf32, #tpu.memory_space<vmem_shared>> -> memref<640x128xf32, #tpu.memory_space<vmem_shared>>
        tpu.enqueue_dma source(%dma_start3A_52 : memref<640x128xf32, #tpu.memory_space<vmem_shared>>) target(%dma_start3A_50 : memref<640x128xf32, #tpu.memory_space<hbm>>) target_semaphore(%run_scoped3A : memref<!tpu.dma_semaphore, #tpu.memory_space<semaphore_mem>>)
        %dma_wait3A = arith.constant 0 : i32
        %dma_wait3A_53 = tpu.memref_slice %arg6[%mul3A_0, %dma_wait3A] : memref<10240x128xf32, #tpu.memory_space<hbm>> -> memref<640x128xf32, #tpu.memory_space<hbm>>
        %dma_wait3A_54 = arith.constant 0 : i32
        %dma_wait3A_55 = tpu.memref_slice %arg8[%mul3A_0, %dma_wait3A_54] : memref<10240x128xf32, #tpu.memory_space<vmem_shared>> -> memref<640x128xf32, #tpu.memory_space<vmem_shared>>
        tpu.wait_dma2 semaphore(%run_scoped3A : memref<!tpu.dma_semaphore, #tpu.memory_space<semaphore_mem>>) src(%dma_wait3A_55 : memref<640x128xf32, #tpu.memory_space<vmem_shared>>) dst(%dma_wait3A_53 : memref<640x128xf32, #tpu.memory_space<hbm>>)
        tpu.yield
      }) : () -> ()
    } else {
    }
    %eq3A_44 = arith.constant 1 : i32
    %eq3A_45 = arith.cmpi eq, %arg0, %eq3A_44 : i32
    %convert_element_type3A_46 = arith.extui %eq3A_45 : i1 to i32
    %cond3A_47 = arith.constant 0 : i32
    %cond3A_48 = arith.cmpi ne, %convert_element_type3A_46, %cond3A_47 : i32
    scf.if %cond3A_48 {
      "tpu.region"() ({
        %run_scoped3A = tpu.sem_alloc : memref<!tpu.dma_semaphore, #tpu.memory_space<semaphore_mem>>
        %dma_start3A_49 = arith.constant 0 : i32
        %dma_start3A_50 = tpu.memref_slice %arg7[%mul3A_0, %dma_start3A_49] : memref<10240x128xf32, #tpu.memory_space<hbm>> -> memref<640x128xf32, #tpu.memory_space<hbm>>
        %dma_start3A_51 = arith.constant 0 : i32
        %dma_start3A_52 = tpu.memref_slice %arg8[%mul3A_0, %dma_start3A_51] : memref<10240x128xf32, #tpu.memory_space<vmem_shared>> -> memref<640x128xf32, #tpu.memory_space<vmem_shared>>
        tpu.enqueue_dma source(%dma_start3A_52 : memref<640x128xf32, #tpu.memory_space<vmem_shared>>) target(%dma_start3A_50 : memref<640x128xf32, #tpu.memory_space<hbm>>) target_semaphore(%run_scoped3A : memref<!tpu.dma_semaphore, #tpu.memory_space<semaphore_mem>>)
        %dma_wait3A = arith.constant 0 : i32
        %dma_wait3A_53 = tpu.memref_slice %arg7[%mul3A_0, %dma_wait3A] : memref<10240x128xf32, #tpu.memory_space<hbm>> -> memref<640x128xf32, #tpu.memory_space<hbm>>
        %dma_wait3A_54 = arith.constant 0 : i32
        %dma_wait3A_55 = tpu.memref_slice %arg8[%mul3A_0, %dma_wait3A_54] : memref<10240x128xf32, #tpu.memory_space<vmem_shared>> -> memref<640x128xf32, #tpu.memory_space<vmem_shared>>
        tpu.wait_dma2 semaphore(%run_scoped3A : memref<!tpu.dma_semaphore, #tpu.memory_space<semaphore_mem>>) src(%dma_wait3A_55 : memref<640x128xf32, #tpu.memory_space<vmem_shared>>) dst(%dma_wait3A_53 : memref<640x128xf32, #tpu.memory_space<hbm>>)
        tpu.yield
      }) : () -> ()
    } else {
    }
    return
  }
}

#map = affine_map<(d0, d1) -> (0, 0)>
module attributes {stable_mosaic.version = 14 : i64} {
  func.func @_agg_body(%arg0: i32, %arg1: i32, %arg2: memref<10240x128xf32, #tpu.memory_space<hbm>>, %arg3: memref<10240x128xf32, #tpu.memory_space<hbm>>, %arg4: memref<1280x128xi32, #tpu.memory_space<hbm>>, %arg5: memref<1280x128xi32, #tpu.memory_space<hbm>>, %arg6: memref<10240x128xf32, #tpu.memory_space<hbm>>, %arg7: memref<10240x128xf32, #tpu.memory_space<hbm>>, %arg8: memref<10240x128xf32, #tpu.memory_space<vmem_shared>>, %arg9: memref<2x128xi32, #tpu.memory_space<vmem>>, %arg10: memref<2x128xi32, #tpu.memory_space<vmem>>, %arg11: memref<2x128xi32, #tpu.memory_space<vmem>>, %arg12: memref<2x128xi32, #tpu.memory_space<vmem>>, %arg13: memref<128x128xf32, #tpu.memory_space<vmem>>, %arg14: memref<128x128xf32, #tpu.memory_space<vmem>>, %arg15: memref<!tpu.dma_semaphore, #tpu.memory_space<semaphore_mem>>, %arg16: memref<!tpu.dma_semaphore, #tpu.memory_space<semaphore_mem>>, %arg17: memref<!tpu.dma_semaphore, #tpu.memory_space<semaphore_mem>>, %arg18: memref<!tpu.dma_semaphore, #tpu.memory_space<semaphore_mem>>) attributes {dimension_semantics = [#tpu.dimension_semantics<core_parallel>, #tpu.dimension_semantics<subcore_parallel>], iteration_bounds = array<i64: 2, 16>, scalar_prefetch = 0 : i64, scratch_operands = 11 : i64, tpu.core_type = #tpu.core_type<sc_vector_subcore>, window_params = [{transform_indices = #map}, {transform_indices = #map}, {transform_indices = #map}, {transform_indices = #map}, {transform_indices = #map}, {transform_indices = #map}]} {
    %mul3A = arith.constant 640 : i32
    %mul3A_0 = arith.muli %arg1, %mul3A : i32
    %mul3A_1 = arith.constant 80 : i32
    %mul3A_2 = arith.muli %arg1, %mul3A_1 : i32
    %eq3A = arith.constant 0 : i32
    %eq3A_3 = arith.cmpi eq, %arg0, %eq3A : i32
    %convert_element_type3A = arith.extui %eq3A_3 : i1 to i32
    %cond3A = arith.constant 0 : i32
    %cond3A_4 = arith.cmpi ne, %convert_element_type3A, %cond3A : i32
    scf.if %cond3A_4 {
      "tpu.region"() ({
        %run_scoped3A = tpu.sem_alloc : memref<!tpu.dma_semaphore, #tpu.memory_space<semaphore_mem>>
        %dma_start3A_49 = arith.constant 0 : i32
        %dma_start3A_50 = tpu.memref_slice %arg8[%mul3A_0, %dma_start3A_49] : memref<10240x128xf32, #tpu.memory_space<vmem_shared>> -> memref<640x128xf32, #tpu.memory_space<vmem_shared>>
        %dma_start3A_51 = arith.constant 0 : i32
        %dma_start3A_52 = tpu.memref_slice %arg2[%mul3A_0, %dma_start3A_51] : memref<10240x128xf32, #tpu.memory_space<hbm>> -> memref<640x128xf32, #tpu.memory_space<hbm>>
        tpu.enqueue_dma source(%dma_start3A_52 : memref<640x128xf32, #tpu.memory_space<hbm>>) target(%dma_start3A_50 : memref<640x128xf32, #tpu.memory_space<vmem_shared>>) target_semaphore(%run_scoped3A : memref<!tpu.dma_semaphore, #tpu.memory_space<semaphore_mem>>)
        %dma_wait3A = arith.constant 0 : i32
        %dma_wait3A_53 = tpu.memref_slice %arg8[%mul3A_0, %dma_wait3A] : memref<10240x128xf32, #tpu.memory_space<vmem_shared>> -> memref<640x128xf32, #tpu.memory_space<vmem_shared>>
        %dma_wait3A_54 = arith.constant 0 : i32
        %dma_wait3A_55 = tpu.memref_slice %arg2[%mul3A_0, %dma_wait3A_54] : memref<10240x128xf32, #tpu.memory_space<hbm>> -> memref<640x128xf32, #tpu.memory_space<hbm>>
        tpu.wait_dma2 semaphore(%run_scoped3A : memref<!tpu.dma_semaphore, #tpu.memory_space<semaphore_mem>>) src(%dma_wait3A_55 : memref<640x128xf32, #tpu.memory_space<hbm>>) dst(%dma_wait3A_53 : memref<640x128xf32, #tpu.memory_space<vmem_shared>>)
        tpu.yield
      }) : () -> ()
    } else {
    }
    %eq3A_5 = arith.constant 1 : i32
    %eq3A_6 = arith.cmpi eq, %arg0, %eq3A_5 : i32
    %convert_element_type3A_7 = arith.extui %eq3A_6 : i1 to i32
    %cond3A_8 = arith.constant 0 : i32
    %cond3A_9 = arith.cmpi ne, %convert_element_type3A_7, %cond3A_8 : i32
    scf.if %cond3A_9 {
      "tpu.region"() ({
        %run_scoped3A = tpu.sem_alloc : memref<!tpu.dma_semaphore, #tpu.memory_space<semaphore_mem>>
        %dma_start3A_49 = arith.constant 0 : i32
        %dma_start3A_50 = tpu.memref_slice %arg8[%mul3A_0, %dma_start3A_49] : memref<10240x128xf32, #tpu.memory_space<vmem_shared>> -> memref<640x128xf32, #tpu.memory_space<vmem_shared>>
        %dma_start3A_51 = arith.constant 0 : i32
        %dma_start3A_52 = tpu.memref_slice %arg3[%mul3A_0, %dma_start3A_51] : memref<10240x128xf32, #tpu.memory_space<hbm>> -> memref<640x128xf32, #tpu.memory_space<hbm>>
        tpu.enqueue_dma source(%dma_start3A_52 : memref<640x128xf32, #tpu.memory_space<hbm>>) target(%dma_start3A_50 : memref<640x128xf32, #tpu.memory_space<vmem_shared>>) target_semaphore(%run_scoped3A : memref<!tpu.dma_semaphore, #tpu.memory_space<semaphore_mem>>)
        %dma_wait3A = arith.constant 0 : i32
        %dma_wait3A_53 = tpu.memref_slice %arg8[%mul3A_0, %dma_wait3A] : memref<10240x128xf32, #tpu.memory_space<vmem_shared>> -> memref<640x128xf32, #tpu.memory_space<vmem_shared>>
        %dma_wait3A_54 = arith.constant 0 : i32
        %dma_wait3A_55 = tpu.memref_slice %arg3[%mul3A_0, %dma_wait3A_54] : memref<10240x128xf32, #tpu.memory_space<hbm>> -> memref<640x128xf32, #tpu.memory_space<hbm>>
        tpu.wait_dma2 semaphore(%run_scoped3A : memref<!tpu.dma_semaphore, #tpu.memory_space<semaphore_mem>>) src(%dma_wait3A_55 : memref<640x128xf32, #tpu.memory_space<hbm>>) dst(%dma_wait3A_53 : memref<640x128xf32, #tpu.memory_space<vmem_shared>>)
        tpu.yield
      }) : () -> ()
    } else {
    }
    %add3A = arith.constant 0 : i32
    %add3A_10 = arith.addi %mul3A_2, %add3A : i32
    %dma_start3A = arith.constant 0 : i32
    %dma_start3A_11 = tpu.memref_slice %arg4[%add3A_10, %dma_start3A] : memref<1280x128xi32, #tpu.memory_space<hbm>> -> memref<2x128xi32, #tpu.memory_space<hbm>>
    %dma_start3A_12 = arith.constant 0 : i32
    %dma_start3A_13 = tpu.memref_slice %arg4[%add3A_10, %dma_start3A_12] : memref<1280x128xi32, #tpu.memory_space<hbm>> -> memref<2x128xi32, #tpu.memory_space<hbm>>
    tpu.enqueue_dma source(%dma_start3A_13 : memref<2x128xi32, #tpu.memory_space<hbm>>) target(%arg9 : memref<2x128xi32, #tpu.memory_space<vmem>>) target_semaphore(%arg15 : memref<!tpu.dma_semaphore, #tpu.memory_space<semaphore_mem>>)
    %dma_start3A_14 = arith.constant 0 : i32
    %dma_start3A_15 = tpu.memref_slice %arg5[%add3A_10, %dma_start3A_14] : memref<1280x128xi32, #tpu.memory_space<hbm>> -> memref<2x128xi32, #tpu.memory_space<hbm>>
    %dma_start3A_16 = arith.constant 0 : i32
    %dma_start3A_17 = tpu.memref_slice %arg5[%add3A_10, %dma_start3A_16] : memref<1280x128xi32, #tpu.memory_space<hbm>> -> memref<2x128xi32, #tpu.memory_space<hbm>>
    tpu.enqueue_dma source(%dma_start3A_17 : memref<2x128xi32, #tpu.memory_space<hbm>>) target(%arg10 : memref<2x128xi32, #tpu.memory_space<vmem>>) target_semaphore(%arg15 : memref<!tpu.dma_semaphore, #tpu.memory_space<semaphore_mem>>)
    %add3A_18 = arith.constant 2 : i32
    %add3A_19 = arith.addi %mul3A_2, %add3A_18 : i32
    %dma_start3A_20 = arith.constant 0 : i32
    %dma_start3A_21 = tpu.memref_slice %arg4[%add3A_19, %dma_start3A_20] : memref<1280x128xi32, #tpu.memory_space<hbm>> -> memref<2x128xi32, #tpu.memory_space<hbm>>
    %dma_start3A_22 = arith.constant 0 : i32
    %dma_start3A_23 = tpu.memref_slice %arg4[%add3A_19, %dma_start3A_22] : memref<1280x128xi32, #tpu.memory_space<hbm>> -> memref<2x128xi32, #tpu.memory_space<hbm>>
    tpu.enqueue_dma source(%dma_start3A_23 : memref<2x128xi32, #tpu.memory_space<hbm>>) target(%arg11 : memref<2x128xi32, #tpu.memory_space<vmem>>) target_semaphore(%arg16 : memref<!tpu.dma_semaphore, #tpu.memory_space<semaphore_mem>>)
    %dma_start3A_24 = arith.constant 0 : i32
    %dma_start3A_25 = tpu.memref_slice %arg5[%add3A_19, %dma_start3A_24] : memref<1280x128xi32, #tpu.memory_space<hbm>> -> memref<2x128xi32, #tpu.memory_space<hbm>>
    %dma_start3A_26 = arith.constant 0 : i32
    %dma_start3A_27 = tpu.memref_slice %arg5[%add3A_19, %dma_start3A_26] : memref<1280x128xi32, #tpu.memory_space<hbm>> -> memref<2x128xi32, #tpu.memory_space<hbm>>
    tpu.enqueue_dma source(%dma_start3A_27 : memref<2x128xi32, #tpu.memory_space<hbm>>) target(%arg12 : memref<2x128xi32, #tpu.memory_space<vmem>>) target_semaphore(%arg16 : memref<!tpu.dma_semaphore, #tpu.memory_space<semaphore_mem>>)
    %barrier3A = arith.constant 0 : index
    tpu.barrier barrier_id(%barrier3A)
    %eq3A_28 = arith.constant 0 : i32
    %eq3A_29 = arith.cmpi eq, %arg0, %eq3A_28 : i32
    %convert_element_type3A_30 = arith.extui %eq3A_29 : i1 to i32
    %cond3A_31 = arith.constant 0 : i32
    %cond3A_32 = arith.cmpi ne, %convert_element_type3A_30, %cond3A_31 : i32
    scf.if %cond3A_32 {
      %add3A_49 = arith.constant 0 : i32
      %add3A_50 = arith.addi %mul3A_2, %add3A_49 : i32
      %dma_wait3A = arith.constant 0 : i32
      %dma_wait3A_51 = tpu.memref_slice %arg4[%add3A_50, %dma_wait3A] : memref<1280x128xi32, #tpu.memory_space<hbm>> -> memref<2x128xi32, #tpu.memory_space<hbm>>
      %dma_wait3A_52 = arith.constant 0 : i32
      %dma_wait3A_53 = tpu.memref_slice %arg4[%add3A_50, %dma_wait3A_52] : memref<1280x128xi32, #tpu.memory_space<hbm>> -> memref<2x128xi32, #tpu.memory_space<hbm>>
      tpu.wait_dma2 semaphore(%arg15 : memref<!tpu.dma_semaphore, #tpu.memory_space<semaphore_mem>>) src(%dma_wait3A_53 : memref<2x128xi32, #tpu.memory_space<hbm>>) dst(%arg9 : memref<2x128xi32, #tpu.memory_space<vmem>>)
      %dma_wait3A_54 = arith.constant 0 : i32
      %dma_wait3A_55 = tpu.memref_slice %arg5[%add3A_50, %dma_wait3A_54] : memref<1280x128xi32, #tpu.memory_space<hbm>> -> memref<2x128xi32, #tpu.memory_space<hbm>>
      %dma_wait3A_56 = arith.constant 0 : i32
      %dma_wait3A_57 = tpu.memref_slice %arg5[%add3A_50, %dma_wait3A_56] : memref<1280x128xi32, #tpu.memory_space<hbm>> -> memref<2x128xi32, #tpu.memory_space<hbm>>
      tpu.wait_dma2 semaphore(%arg15 : memref<!tpu.dma_semaphore, #tpu.memory_space<semaphore_mem>>) src(%dma_wait3A_57 : memref<2x128xi32, #tpu.memory_space<hbm>>) dst(%arg10 : memref<2x128xi32, #tpu.memory_space<vmem>>)
      %dma_start3A_58 = arith.constant 0 : i32
      %dma_start3A_59 = arith.constant 0 : i32
      %dma_start3A_60 = tpu.memref_slice %arg9[%dma_start3A_58, %dma_start3A_59] : memref<2x128xi32, #tpu.memory_space<vmem>> -> memref<1x128xi32, #tpu.memory_space<vmem>>
      %dma_start3A_61 = tpu.memref_squeeze %dma_start3A_60 : memref<1x128xi32, #tpu.memory_space<vmem>> -> memref<128xi32, #tpu.memory_space<vmem>>
      %dma_start3A_62 = arith.constant 0 : i32
      %dma_start3A_63 = arith.constant 0 : i32
      %dma_start3A_64 = tpu.memref_slice %arg2[%dma_start3A_62, %dma_start3A_63] : memref<10240x128xf32, #tpu.memory_space<hbm>> -> memref<10240x128xf32, #tpu.memory_space<hbm>>
      tpu.enqueue_indirect_dma source(%dma_start3A_64 : memref<10240x128xf32, #tpu.memory_space<hbm>>) target(%arg13 : memref<128x128xf32, #tpu.memory_space<vmem>>) offsets(%dma_start3A_61 : memref<128xi32, #tpu.memory_space<vmem>>) semaphore(%arg17 : memref<!tpu.dma_semaphore, #tpu.memory_space<semaphore_mem>>)
      %dma_start3A_65 = arith.constant 1 : i32
      %dma_start3A_66 = arith.constant 0 : i32
      %dma_start3A_67 = tpu.memref_slice %arg9[%dma_start3A_65, %dma_start3A_66] : memref<2x128xi32, #tpu.memory_space<vmem>> -> memref<1x128xi32, #tpu.memory_space<vmem>>
      %dma_start3A_68 = tpu.memref_squeeze %dma_start3A_67 : memref<1x128xi32, #tpu.memory_space<vmem>> -> memref<128xi32, #tpu.memory_space<vmem>>
      %dma_start3A_69 = arith.constant 0 : i32
      %dma_start3A_70 = arith.constant 0 : i32
      %dma_start3A_71 = tpu.memref_slice %arg2[%dma_start3A_69, %dma_start3A_70] : memref<10240x128xf32, #tpu.memory_space<hbm>> -> memref<10240x128xf32, #tpu.memory_space<hbm>>
      tpu.enqueue_indirect_dma source(%dma_start3A_71 : memref<10240x128xf32, #tpu.memory_space<hbm>>) target(%arg14 : memref<128x128xf32, #tpu.memory_space<vmem>>) offsets(%dma_start3A_68 : memref<128xi32, #tpu.memory_space<vmem>>) semaphore(%arg18 : memref<!tpu.dma_semaphore, #tpu.memory_space<semaphore_mem>>)
      %scan3A = arith.constant 0 : i32
      %scan3A_72 = arith.constant 20 : i32
      %scan3A_73 = arith.addi %scan3A, %scan3A_72 : i32
      %scan3A_74 = arith.constant 1 : i32
      scf.for %scan3A_76 = %scan3A to %scan3A_73 step %scan3A_74  : i32 {
        %mul3A_77 = arith.constant 1 : i32
        %mul3A_78 = arith.muli %scan3A_76, %mul3A_77 : i32
        %add3A_79 = arith.constant 0 : i32
        %add3A_80 = arith.addi %add3A_79, %mul3A_78 : i32
        %mul3A_81 = arith.constant 2 : i32
        %mul3A_82 = arith.muli %mul3A_81, %add3A_80 : i32
        %dma_wait3A_83 = arith.constant 0 : i32
        %dma_wait3A_84 = arith.constant 0 : i32
        %dma_wait3A_85 = tpu.memref_slice %arg9[%dma_wait3A_83, %dma_wait3A_84] : memref<2x128xi32, #tpu.memory_space<vmem>> -> memref<1x128xi32, #tpu.memory_space<vmem>>
        %dma_wait3A_86 = tpu.memref_squeeze %dma_wait3A_85 : memref<1x128xi32, #tpu.memory_space<vmem>> -> memref<128xi32, #tpu.memory_space<vmem>>
        %dma_wait3A_87 = arith.constant 0 : i32
        %dma_wait3A_88 = arith.constant 0 : i32
        %dma_wait3A_89 = tpu.memref_slice %arg2[%dma_wait3A_87, %dma_wait3A_88] : memref<10240x128xf32, #tpu.memory_space<hbm>> -> memref<10240x128xf32, #tpu.memory_space<hbm>>
        tpu.wait_indirect_dma semaphore(%arg17 : memref<!tpu.dma_semaphore, #tpu.memory_space<semaphore_mem>>) src(%dma_wait3A_89 : memref<10240x128xf32, #tpu.memory_space<hbm>>) dst(%arg13 : memref<128x128xf32, #tpu.memory_space<vmem>>)
        %run_scoped3A = arith.constant 0 : i32
        "tpu.region"() ({
          %run_scoped3A_159 = tpu.sem_alloc : memref<!tpu.dma_semaphore, #tpu.memory_space<semaphore_mem>>
          %dma_start3A_160 = arith.constant 0 : i32
          %dma_start3A_161 = tpu.memref_slice %arg10[%run_scoped3A, %dma_start3A_160] : memref<2x128xi32, #tpu.memory_space<vmem>> -> memref<1x128xi32, #tpu.memory_space<vmem>>
          %dma_start3A_162 = tpu.memref_squeeze %dma_start3A_161 : memref<1x128xi32, #tpu.memory_space<vmem>> -> memref<128xi32, #tpu.memory_space<vmem>>
          %dma_start3A_163 = arith.constant 0 : i32
          %dma_start3A_164 = arith.constant 0 : i32
          %dma_start3A_165 = tpu.memref_slice %arg8[%dma_start3A_163, %dma_start3A_164] : memref<10240x128xf32, #tpu.memory_space<vmem_shared>> -> memref<10240x128xf32, #tpu.memory_space<vmem_shared>>
          tpu.enqueue_indirect_dma source(%arg13 : memref<128x128xf32, #tpu.memory_space<vmem>>) target(%dma_start3A_165 : memref<10240x128xf32, #tpu.memory_space<vmem_shared>>) offsets(%dma_start3A_162 : memref<128xi32, #tpu.memory_space<vmem>>) semaphore(%run_scoped3A_159 : memref<!tpu.dma_semaphore, #tpu.memory_space<semaphore_mem>>) {add = true}
          %dma_wait3A_166 = arith.constant 0 : i32
          %dma_wait3A_167 = tpu.memref_slice %arg10[%run_scoped3A, %dma_wait3A_166] : memref<2x128xi32, #tpu.memory_space<vmem>> -> memref<1x128xi32, #tpu.memory_space<vmem>>
          %dma_wait3A_168 = tpu.memref_squeeze %dma_wait3A_167 : memref<1x128xi32, #tpu.memory_space<vmem>> -> memref<128xi32, #tpu.memory_space<vmem>>
          %dma_wait3A_169 = arith.constant 0 : i32
          %dma_wait3A_170 = arith.constant 0 : i32
          %dma_wait3A_171 = tpu.memref_slice %arg8[%dma_wait3A_169, %dma_wait3A_170] : memref<10240x128xf32, #tpu.memory_space<vmem_shared>> -> memref<10240x128xf32, #tpu.memory_space<vmem_shared>>
          tpu.wait_indirect_dma semaphore(%run_scoped3A_159 : memref<!tpu.dma_semaphore, #tpu.memory_space<semaphore_mem>>) src(%arg13 : memref<128x128xf32, #tpu.memory_space<vmem>>) dst(%dma_wait3A_171 : memref<10240x128xf32, #tpu.memory_space<vmem_shared>>)
          tpu.yield
        }) : () -> ()
        %add3A_90 = arith.constant 1 : i32
        %add3A_91 = arith.addi %mul3A_82, %add3A_90 : i32
        %lt3A = arith.constant 40 : i32
        %lt3A_92 = arith.cmpi slt, %add3A_91, %lt3A : i32
        %convert_element_type3A_93 = arith.extui %lt3A_92 : i1 to i32
        %cond3A_94 = arith.constant 0 : i32
        %cond3A_95 = arith.cmpi ne, %convert_element_type3A_93, %cond3A_94 : i32
        scf.if %cond3A_95 {
          %add3A_159 = arith.constant 1 : i32
          %add3A_160 = arith.addi %mul3A_82, %add3A_159 : i32
          %mul3A_161 = arith.constant 2 : i32
          %mul3A_162 = arith.muli %mul3A_161, %add3A_160 : i32
          %add3A_163 = arith.addi %mul3A_2, %mul3A_162 : i32
          %dma_wait3A_164 = arith.constant 0 : i32
          %dma_wait3A_165 = tpu.memref_slice %arg4[%add3A_163, %dma_wait3A_164] : memref<1280x128xi32, #tpu.memory_space<hbm>> -> memref<2x128xi32, #tpu.memory_space<hbm>>
          %dma_wait3A_166 = arith.constant 0 : i32
          %dma_wait3A_167 = tpu.memref_slice %arg4[%add3A_163, %dma_wait3A_166] : memref<1280x128xi32, #tpu.memory_space<hbm>> -> memref<2x128xi32, #tpu.memory_space<hbm>>
          tpu.wait_dma2 semaphore(%arg16 : memref<!tpu.dma_semaphore, #tpu.memory_space<semaphore_mem>>) src(%dma_wait3A_167 : memref<2x128xi32, #tpu.memory_space<hbm>>) dst(%arg11 : memref<2x128xi32, #tpu.memory_space<vmem>>)
          %dma_wait3A_168 = arith.constant 0 : i32
          %dma_wait3A_169 = tpu.memref_slice %arg5[%add3A_163, %dma_wait3A_168] : memref<1280x128xi32, #tpu.memory_space<hbm>> -> memref<2x128xi32, #tpu.memory_space<hbm>>
          %dma_wait3A_170 = arith.constant 0 : i32
          %dma_wait3A_171 = tpu.memref_slice %arg5[%add3A_163, %dma_wait3A_170] : memref<1280x128xi32, #tpu.memory_space<hbm>> -> memref<2x128xi32, #tpu.memory_space<hbm>>
          tpu.wait_dma2 semaphore(%arg16 : memref<!tpu.dma_semaphore, #tpu.memory_space<semaphore_mem>>) src(%dma_wait3A_171 : memref<2x128xi32, #tpu.memory_space<hbm>>) dst(%arg12 : memref<2x128xi32, #tpu.memory_space<vmem>>)
          %dma_start3A_172 = arith.constant 0 : i32
          %dma_start3A_173 = arith.constant 0 : i32
          %dma_start3A_174 = tpu.memref_slice %arg11[%dma_start3A_172, %dma_start3A_173] : memref<2x128xi32, #tpu.memory_space<vmem>> -> memref<1x128xi32, #tpu.memory_space<vmem>>
          %dma_start3A_175 = tpu.memref_squeeze %dma_start3A_174 : memref<1x128xi32, #tpu.memory_space<vmem>> -> memref<128xi32, #tpu.memory_space<vmem>>
          %dma_start3A_176 = arith.constant 0 : i32
          %dma_start3A_177 = arith.constant 0 : i32
          %dma_start3A_178 = tpu.memref_slice %arg2[%dma_start3A_176, %dma_start3A_177] : memref<10240x128xf32, #tpu.memory_space<hbm>> -> memref<10240x128xf32, #tpu.memory_space<hbm>>
          tpu.enqueue_indirect_dma source(%dma_start3A_178 : memref<10240x128xf32, #tpu.memory_space<hbm>>) target(%arg13 : memref<128x128xf32, #tpu.memory_space<vmem>>) offsets(%dma_start3A_175 : memref<128xi32, #tpu.memory_space<vmem>>) semaphore(%arg17 : memref<!tpu.dma_semaphore, #tpu.memory_space<semaphore_mem>>)
        } else {
        }
        %dma_wait3A_96 = arith.constant 0 : i32
        %dma_wait3A_97 = arith.constant 0 : i32
        %dma_wait3A_98 = tpu.memref_slice %arg9[%dma_wait3A_96, %dma_wait3A_97] : memref<2x128xi32, #tpu.memory_space<vmem>> -> memref<1x128xi32, #tpu.memory_space<vmem>>
        %dma_wait3A_99 = tpu.memref_squeeze %dma_wait3A_98 : memref<1x128xi32, #tpu.memory_space<vmem>> -> memref<128xi32, #tpu.memory_space<vmem>>
        %dma_wait3A_100 = arith.constant 0 : i32
        %dma_wait3A_101 = arith.constant 0 : i32
        %dma_wait3A_102 = tpu.memref_slice %arg2[%dma_wait3A_100, %dma_wait3A_101] : memref<10240x128xf32, #tpu.memory_space<hbm>> -> memref<10240x128xf32, #tpu.memory_space<hbm>>
        tpu.wait_indirect_dma semaphore(%arg18 : memref<!tpu.dma_semaphore, #tpu.memory_space<semaphore_mem>>) src(%dma_wait3A_102 : memref<10240x128xf32, #tpu.memory_space<hbm>>) dst(%arg14 : memref<128x128xf32, #tpu.memory_space<vmem>>)
        %run_scoped3A_103 = arith.constant 1 : i32
        "tpu.region"() ({
          %run_scoped3A_159 = tpu.sem_alloc : memref<!tpu.dma_semaphore, #tpu.memory_space<semaphore_mem>>
          %dma_start3A_160 = arith.constant 0 : i32
          %dma_start3A_161 = tpu.memref_slice %arg10[%run_scoped3A_103, %dma_start3A_160] : memref<2x128xi32, #tpu.memory_space<vmem>> -> memref<1x128xi32, #tpu.memory_space<vmem>>
          %dma_start3A_162 = tpu.memref_squeeze %dma_start3A_161 : memref<1x128xi32, #tpu.memory_space<vmem>> -> memref<128xi32, #tpu.memory_space<vmem>>
          %dma_start3A_163 = arith.constant 0 : i32
          %dma_start3A_164 = arith.constant 0 : i32
          %dma_start3A_165 = tpu.memref_slice %arg8[%dma_start3A_163, %dma_start3A_164] : memref<10240x128xf32, #tpu.memory_space<vmem_shared>> -> memref<10240x128xf32, #tpu.memory_space<vmem_shared>>
          tpu.enqueue_indirect_dma source(%arg14 : memref<128x128xf32, #tpu.memory_space<vmem>>) target(%dma_start3A_165 : memref<10240x128xf32, #tpu.memory_space<vmem_shared>>) offsets(%dma_start3A_162 : memref<128xi32, #tpu.memory_space<vmem>>) semaphore(%run_scoped3A_159 : memref<!tpu.dma_semaphore, #tpu.memory_space<semaphore_mem>>) {add = true}
          %dma_wait3A_166 = arith.constant 0 : i32
          %dma_wait3A_167 = tpu.memref_slice %arg10[%run_scoped3A_103, %dma_wait3A_166] : memref<2x128xi32, #tpu.memory_space<vmem>> -> memref<1x128xi32, #tpu.memory_space<vmem>>
          %dma_wait3A_168 = tpu.memref_squeeze %dma_wait3A_167 : memref<1x128xi32, #tpu.memory_space<vmem>> -> memref<128xi32, #tpu.memory_space<vmem>>
          %dma_wait3A_169 = arith.constant 0 : i32
          %dma_wait3A_170 = arith.constant 0 : i32
          %dma_wait3A_171 = tpu.memref_slice %arg8[%dma_wait3A_169, %dma_wait3A_170] : memref<10240x128xf32, #tpu.memory_space<vmem_shared>> -> memref<10240x128xf32, #tpu.memory_space<vmem_shared>>
          tpu.wait_indirect_dma semaphore(%run_scoped3A_159 : memref<!tpu.dma_semaphore, #tpu.memory_space<semaphore_mem>>) src(%arg14 : memref<128x128xf32, #tpu.memory_space<vmem>>) dst(%dma_wait3A_171 : memref<10240x128xf32, #tpu.memory_space<vmem_shared>>)
          tpu.yield
        }) : () -> ()
        %add3A_104 = arith.constant 2 : i32
        %add3A_105 = arith.addi %mul3A_82, %add3A_104 : i32
        %lt3A_106 = arith.constant 40 : i32
        %lt3A_107 = arith.cmpi slt, %add3A_105, %lt3A_106 : i32
        %convert_element_type3A_108 = arith.extui %lt3A_107 : i1 to i32
        %cond3A_109 = arith.constant 0 : i32
        %cond3A_110 = arith.cmpi ne, %convert_element_type3A_108, %cond3A_109 : i32
        scf.if %cond3A_110 {
          %add3A_159 = arith.constant 2 : i32
          %add3A_160 = arith.addi %mul3A_82, %add3A_159 : i32
          %mul3A_161 = arith.constant 2 : i32
          %mul3A_162 = arith.muli %mul3A_161, %add3A_160 : i32
          %add3A_163 = arith.addi %mul3A_2, %mul3A_162 : i32
          %dma_start3A_164 = arith.constant 0 : i32
          %dma_start3A_165 = tpu.memref_slice %arg4[%add3A_163, %dma_start3A_164] : memref<1280x128xi32, #tpu.memory_space<hbm>> -> memref<2x128xi32, #tpu.memory_space<hbm>>
          %dma_start3A_166 = arith.constant 0 : i32
          %dma_start3A_167 = tpu.memref_slice %arg4[%add3A_163, %dma_start3A_166] : memref<1280x128xi32, #tpu.memory_space<hbm>> -> memref<2x128xi32, #tpu.memory_space<hbm>>
          tpu.enqueue_dma source(%dma_start3A_167 : memref<2x128xi32, #tpu.memory_space<hbm>>) target(%arg9 : memref<2x128xi32, #tpu.memory_space<vmem>>) target_semaphore(%arg15 : memref<!tpu.dma_semaphore, #tpu.memory_space<semaphore_mem>>)
          %dma_start3A_168 = arith.constant 0 : i32
          %dma_start3A_169 = tpu.memref_slice %arg5[%add3A_163, %dma_start3A_168] : memref<1280x128xi32, #tpu.memory_space<hbm>> -> memref<2x128xi32, #tpu.memory_space<hbm>>
          %dma_start3A_170 = arith.constant 0 : i32
          %dma_start3A_171 = tpu.memref_slice %arg5[%add3A_163, %dma_start3A_170] : memref<1280x128xi32, #tpu.memory_space<hbm>> -> memref<2x128xi32, #tpu.memory_space<hbm>>
          tpu.enqueue_dma source(%dma_start3A_171 : memref<2x128xi32, #tpu.memory_space<hbm>>) target(%arg10 : memref<2x128xi32, #tpu.memory_space<vmem>>) target_semaphore(%arg15 : memref<!tpu.dma_semaphore, #tpu.memory_space<semaphore_mem>>)
        } else {
        }
        %add3A_111 = arith.constant 1 : i32
        %add3A_112 = arith.addi %mul3A_82, %add3A_111 : i32
        %lt3A_113 = arith.constant 40 : i32
        %lt3A_114 = arith.cmpi slt, %add3A_112, %lt3A_113 : i32
        %convert_element_type3A_115 = arith.extui %lt3A_114 : i1 to i32
        %cond3A_116 = arith.constant 0 : i32
        %cond3A_117 = arith.cmpi ne, %convert_element_type3A_115, %cond3A_116 : i32
        scf.if %cond3A_117 {
          %dma_start3A_159 = arith.constant 1 : i32
          %dma_start3A_160 = arith.constant 0 : i32
          %dma_start3A_161 = tpu.memref_slice %arg11[%dma_start3A_159, %dma_start3A_160] : memref<2x128xi32, #tpu.memory_space<vmem>> -> memref<1x128xi32, #tpu.memory_space<vmem>>
          %dma_start3A_162 = tpu.memref_squeeze %dma_start3A_161 : memref<1x128xi32, #tpu.memory_space<vmem>> -> memref<128xi32, #tpu.memory_space<vmem>>
          %dma_start3A_163 = arith.constant 0 : i32
          %dma_start3A_164 = arith.constant 0 : i32
          %dma_start3A_165 = tpu.memref_slice %arg2[%dma_start3A_163, %dma_start3A_164] : memref<10240x128xf32, #tpu.memory_space<hbm>> -> memref<10240x128xf32, #tpu.memory_space<hbm>>
          tpu.enqueue_indirect_dma source(%dma_start3A_165 : memref<10240x128xf32, #tpu.memory_space<hbm>>) target(%arg14 : memref<128x128xf32, #tpu.memory_space<vmem>>) offsets(%dma_start3A_162 : memref<128xi32, #tpu.memory_space<vmem>>) semaphore(%arg18 : memref<!tpu.dma_semaphore, #tpu.memory_space<semaphore_mem>>)
        } else {
        }
        %mul3A_118 = arith.constant 2 : i32
        %mul3A_119 = arith.muli %mul3A_118, %add3A_80 : i32
        %add3A_120 = arith.constant 1 : i32
        %add3A_121 = arith.addi %mul3A_119, %add3A_120 : i32
        %dma_wait3A_122 = arith.constant 0 : i32
        %dma_wait3A_123 = arith.constant 0 : i32
        %dma_wait3A_124 = tpu.memref_slice %arg9[%dma_wait3A_122, %dma_wait3A_123] : memref<2x128xi32, #tpu.memory_space<vmem>> -> memref<1x128xi32, #tpu.memory_space<vmem>>
        %dma_wait3A_125 = tpu.memref_squeeze %dma_wait3A_124 : memref<1x128xi32, #tpu.memory_space<vmem>> -> memref<128xi32, #tpu.memory_space<vmem>>
        %dma_wait3A_126 = arith.constant 0 : i32
        %dma_wait3A_127 = arith.constant 0 : i32
        %dma_wait3A_128 = tpu.memref_slice %arg2[%dma_wait3A_126, %dma_wait3A_127] : memref<10240x128xf32, #tpu.memory_space<hbm>> -> memref<10240x128xf32, #tpu.memory_space<hbm>>
        tpu.wait_indirect_dma semaphore(%arg17 : memref<!tpu.dma_semaphore, #tpu.memory_space<semaphore_mem>>) src(%dma_wait3A_128 : memref<10240x128xf32, #tpu.memory_space<hbm>>) dst(%arg13 : memref<128x128xf32, #tpu.memory_space<vmem>>)
        %run_scoped3A_129 = arith.constant 0 : i32
        "tpu.region"() ({
          %run_scoped3A_159 = tpu.sem_alloc : memref<!tpu.dma_semaphore, #tpu.memory_space<semaphore_mem>>
          %dma_start3A_160 = arith.constant 0 : i32
          %dma_start3A_161 = tpu.memref_slice %arg12[%run_scoped3A_129, %dma_start3A_160] : memref<2x128xi32, #tpu.memory_space<vmem>> -> memref<1x128xi32, #tpu.memory_space<vmem>>
          %dma_start3A_162 = tpu.memref_squeeze %dma_start3A_161 : memref<1x128xi32, #tpu.memory_space<vmem>> -> memref<128xi32, #tpu.memory_space<vmem>>
          %dma_start3A_163 = arith.constant 0 : i32
          %dma_start3A_164 = arith.constant 0 : i32
          %dma_start3A_165 = tpu.memref_slice %arg8[%dma_start3A_163, %dma_start3A_164] : memref<10240x128xf32, #tpu.memory_space<vmem_shared>> -> memref<10240x128xf32, #tpu.memory_space<vmem_shared>>
          tpu.enqueue_indirect_dma source(%arg13 : memref<128x128xf32, #tpu.memory_space<vmem>>) target(%dma_start3A_165 : memref<10240x128xf32, #tpu.memory_space<vmem_shared>>) offsets(%dma_start3A_162 : memref<128xi32, #tpu.memory_space<vmem>>) semaphore(%run_scoped3A_159 : memref<!tpu.dma_semaphore, #tpu.memory_space<semaphore_mem>>) {add = true}
          %dma_wait3A_166 = arith.constant 0 : i32
          %dma_wait3A_167 = tpu.memref_slice %arg12[%run_scoped3A_129, %dma_wait3A_166] : memref<2x128xi32, #tpu.memory_space<vmem>> -> memref<1x128xi32, #tpu.memory_space<vmem>>
          %dma_wait3A_168 = tpu.memref_squeeze %dma_wait3A_167 : memref<1x128xi32, #tpu.memory_space<vmem>> -> memref<128xi32, #tpu.memory_space<vmem>>
          %dma_wait3A_169 = arith.constant 0 : i32
          %dma_wait3A_170 = arith.constant 0 : i32
          %dma_wait3A_171 = tpu.memref_slice %arg8[%dma_wait3A_169, %dma_wait3A_170] : memref<10240x128xf32, #tpu.memory_space<vmem_shared>> -> memref<10240x128xf32, #tpu.memory_space<vmem_shared>>
          tpu.wait_indirect_dma semaphore(%run_scoped3A_159 : memref<!tpu.dma_semaphore, #tpu.memory_space<semaphore_mem>>) src(%arg13 : memref<128x128xf32, #tpu.memory_space<vmem>>) dst(%dma_wait3A_171 : memref<10240x128xf32, #tpu.memory_space<vmem_shared>>)
          tpu.yield
        }) : () -> ()
        %add3A_130 = arith.constant 1 : i32
        %add3A_131 = arith.addi %add3A_121, %add3A_130 : i32
        %lt3A_132 = arith.constant 40 : i32
        %lt3A_133 = arith.cmpi slt, %add3A_131, %lt3A_132 : i32
        %convert_element_type3A_134 = arith.extui %lt3A_133 : i1 to i32
        %cond3A_135 = arith.constant 0 : i32
        %cond3A_136 = arith.cmpi ne, %convert_element_type3A_134, %cond3A_135 : i32
        scf.if %cond3A_136 {
          %add3A_159 = arith.constant 1 : i32
          %add3A_160 = arith.addi %add3A_121, %add3A_159 : i32
          %mul3A_161 = arith.constant 2 : i32
          %mul3A_162 = arith.muli %mul3A_161, %add3A_160 : i32
          %add3A_163 = arith.addi %mul3A_2, %mul3A_162 : i32
          %dma_wait3A_164 = arith.constant 0 : i32
          %dma_wait3A_165 = tpu.memref_slice %arg4[%add3A_163, %dma_wait3A_164] : memref<1280x128xi32, #tpu.memory_space<hbm>> -> memref<2x128xi32, #tpu.memory_space<hbm>>
          %dma_wait3A_166 = arith.constant 0 : i32
          %dma_wait3A_167 = tpu.memref_slice %arg4[%add3A_163, %dma_wait3A_166] : memref<1280x128xi32, #tpu.memory_space<hbm>> -> memref<2x128xi32, #tpu.memory_space<hbm>>
          tpu.wait_dma2 semaphore(%arg15 : memref<!tpu.dma_semaphore, #tpu.memory_space<semaphore_mem>>) src(%dma_wait3A_167 : memref<2x128xi32, #tpu.memory_space<hbm>>) dst(%arg9 : memref<2x128xi32, #tpu.memory_space<vmem>>)
          %dma_wait3A_168 = arith.constant 0 : i32
          %dma_wait3A_169 = tpu.memref_slice %arg5[%add3A_163, %dma_wait3A_168] : memref<1280x128xi32, #tpu.memory_space<hbm>> -> memref<2x128xi32, #tpu.memory_space<hbm>>
          %dma_wait3A_170 = arith.constant 0 : i32
          %dma_wait3A_171 = tpu.memref_slice %arg5[%add3A_163, %dma_wait3A_170] : memref<1280x128xi32, #tpu.memory_space<hbm>> -> memref<2x128xi32, #tpu.memory_space<hbm>>
          tpu.wait_dma2 semaphore(%arg15 : memref<!tpu.dma_semaphore, #tpu.memory_space<semaphore_mem>>) src(%dma_wait3A_171 : memref<2x128xi32, #tpu.memory_space<hbm>>) dst(%arg10 : memref<2x128xi32, #tpu.memory_space<vmem>>)
          %dma_start3A_172 = arith.constant 0 : i32
          %dma_start3A_173 = arith.constant 0 : i32
          %dma_start3A_174 = tpu.memref_slice %arg9[%dma_start3A_172, %dma_start3A_173] : memref<2x128xi32, #tpu.memory_space<vmem>> -> memref<1x128xi32, #tpu.memory_space<vmem>>
          %dma_start3A_175 = tpu.memref_squeeze %dma_start3A_174 : memref<1x128xi32, #tpu.memory_space<vmem>> -> memref<128xi32, #tpu.memory_space<vmem>>
          %dma_start3A_176 = arith.constant 0 : i32
          %dma_start3A_177 = arith.constant 0 : i32
          %dma_start3A_178 = tpu.memref_slice %arg2[%dma_start3A_176, %dma_start3A_177] : memref<10240x128xf32, #tpu.memory_space<hbm>> -> memref<10240x128xf32, #tpu.memory_space<hbm>>
          tpu.enqueue_indirect_dma source(%dma_start3A_178 : memref<10240x128xf32, #tpu.memory_space<hbm>>) target(%arg13 : memref<128x128xf32, #tpu.memory_space<vmem>>) offsets(%dma_start3A_175 : memref<128xi32, #tpu.memory_space<vmem>>) semaphore(%arg17 : memref<!tpu.dma_semaphore, #tpu.memory_space<semaphore_mem>>)
        } else {
        }
        %dma_wait3A_137 = arith.constant 0 : i32
        %dma_wait3A_138 = arith.constant 0 : i32
        %dma_wait3A_139 = tpu.memref_slice %arg9[%dma_wait3A_137, %dma_wait3A_138] : memref<2x128xi32, #tpu.memory_space<vmem>> -> memref<1x128xi32, #tpu.memory_space<vmem>>
        %dma_wait3A_140 = tpu.memref_squeeze %dma_wait3A_139 : memref<1x128xi32, #tpu.memory_space<vmem>> -> memref<128xi32, #tpu.memory_space<vmem>>
        %dma_wait3A_141 = arith.constant 0 : i32
        %dma_wait3A_142 = arith.constant 0 : i32
        %dma_wait3A_143 = tpu.memref_slice %arg2[%dma_wait3A_141, %dma_wait3A_142] : memref<10240x128xf32, #tpu.memory_space<hbm>> -> memref<10240x128xf32, #tpu.memory_space<hbm>>
        tpu.wait_indirect_dma semaphore(%arg18 : memref<!tpu.dma_semaphore, #tpu.memory_space<semaphore_mem>>) src(%dma_wait3A_143 : memref<10240x128xf32, #tpu.memory_space<hbm>>) dst(%arg14 : memref<128x128xf32, #tpu.memory_space<vmem>>)
        %run_scoped3A_144 = arith.constant 1 : i32
        "tpu.region"() ({
          %run_scoped3A_159 = tpu.sem_alloc : memref<!tpu.dma_semaphore, #tpu.memory_space<semaphore_mem>>
          %dma_start3A_160 = arith.constant 0 : i32
          %dma_start3A_161 = tpu.memref_slice %arg12[%run_scoped3A_144, %dma_start3A_160] : memref<2x128xi32, #tpu.memory_space<vmem>> -> memref<1x128xi32, #tpu.memory_space<vmem>>
          %dma_start3A_162 = tpu.memref_squeeze %dma_start3A_161 : memref<1x128xi32, #tpu.memory_space<vmem>> -> memref<128xi32, #tpu.memory_space<vmem>>
          %dma_start3A_163 = arith.constant 0 : i32
          %dma_start3A_164 = arith.constant 0 : i32
          %dma_start3A_165 = tpu.memref_slice %arg8[%dma_start3A_163, %dma_start3A_164] : memref<10240x128xf32, #tpu.memory_space<vmem_shared>> -> memref<10240x128xf32, #tpu.memory_space<vmem_shared>>
          tpu.enqueue_indirect_dma source(%arg14 : memref<128x128xf32, #tpu.memory_space<vmem>>) target(%dma_start3A_165 : memref<10240x128xf32, #tpu.memory_space<vmem_shared>>) offsets(%dma_start3A_162 : memref<128xi32, #tpu.memory_space<vmem>>) semaphore(%run_scoped3A_159 : memref<!tpu.dma_semaphore, #tpu.memory_space<semaphore_mem>>) {add = true}
          %dma_wait3A_166 = arith.constant 0 : i32
          %dma_wait3A_167 = tpu.memref_slice %arg12[%run_scoped3A_144, %dma_wait3A_166] : memref<2x128xi32, #tpu.memory_space<vmem>> -> memref<1x128xi32, #tpu.memory_space<vmem>>
          %dma_wait3A_168 = tpu.memref_squeeze %dma_wait3A_167 : memref<1x128xi32, #tpu.memory_space<vmem>> -> memref<128xi32, #tpu.memory_space<vmem>>
          %dma_wait3A_169 = arith.constant 0 : i32
          %dma_wait3A_170 = arith.constant 0 : i32
          %dma_wait3A_171 = tpu.memref_slice %arg8[%dma_wait3A_169, %dma_wait3A_170] : memref<10240x128xf32, #tpu.memory_space<vmem_shared>> -> memref<10240x128xf32, #tpu.memory_space<vmem_shared>>
          tpu.wait_indirect_dma semaphore(%run_scoped3A_159 : memref<!tpu.dma_semaphore, #tpu.memory_space<semaphore_mem>>) src(%arg14 : memref<128x128xf32, #tpu.memory_space<vmem>>) dst(%dma_wait3A_171 : memref<10240x128xf32, #tpu.memory_space<vmem_shared>>)
          tpu.yield
        }) : () -> ()
        %add3A_145 = arith.constant 2 : i32
        %add3A_146 = arith.addi %add3A_121, %add3A_145 : i32
        %lt3A_147 = arith.constant 40 : i32
        %lt3A_148 = arith.cmpi slt, %add3A_146, %lt3A_147 : i32
        %convert_element_type3A_149 = arith.extui %lt3A_148 : i1 to i32
        %cond3A_150 = arith.constant 0 : i32
        %cond3A_151 = arith.cmpi ne, %convert_element_type3A_149, %cond3A_150 : i32
        scf.if %cond3A_151 {
          %add3A_159 = arith.constant 2 : i32
          %add3A_160 = arith.addi %add3A_121, %add3A_159 : i32
          %mul3A_161 = arith.constant 2 : i32
          %mul3A_162 = arith.muli %mul3A_161, %add3A_160 : i32
          %add3A_163 = arith.addi %mul3A_2, %mul3A_162 : i32
          %dma_start3A_164 = arith.constant 0 : i32
          %dma_start3A_165 = tpu.memref_slice %arg4[%add3A_163, %dma_start3A_164] : memref<1280x128xi32, #tpu.memory_space<hbm>> -> memref<2x128xi32, #tpu.memory_space<hbm>>
          %dma_start3A_166 = arith.constant 0 : i32
          %dma_start3A_167 = tpu.memref_slice %arg4[%add3A_163, %dma_start3A_166] : memref<1280x128xi32, #tpu.memory_space<hbm>> -> memref<2x128xi32, #tpu.memory_space<hbm>>
          tpu.enqueue_dma source(%dma_start3A_167 : memref<2x128xi32, #tpu.memory_space<hbm>>) target(%arg11 : memref<2x128xi32, #tpu.memory_space<vmem>>) target_semaphore(%arg16 : memref<!tpu.dma_semaphore, #tpu.memory_space<semaphore_mem>>)
          %dma_start3A_168 = arith.constant 0 : i32
          %dma_start3A_169 = tpu.memref_slice %arg5[%add3A_163, %dma_start3A_168] : memref<1280x128xi32, #tpu.memory_space<hbm>> -> memref<2x128xi32, #tpu.memory_space<hbm>>
          %dma_start3A_170 = arith.constant 0 : i32
          %dma_start3A_171 = tpu.memref_slice %arg5[%add3A_163, %dma_start3A_170] : memref<1280x128xi32, #tpu.memory_space<hbm>> -> memref<2x128xi32, #tpu.memory_space<hbm>>
          tpu.enqueue_dma source(%dma_start3A_171 : memref<2x128xi32, #tpu.memory_space<hbm>>) target(%arg12 : memref<2x128xi32, #tpu.memory_space<vmem>>) target_semaphore(%arg16 : memref<!tpu.dma_semaphore, #tpu.memory_space<semaphore_mem>>)
        } else {
        }
        %add3A_152 = arith.constant 1 : i32
        %add3A_153 = arith.addi %add3A_121, %add3A_152 : i32
        %lt3A_154 = arith.constant 40 : i32
        %lt3A_155 = arith.cmpi slt, %add3A_153, %lt3A_154 : i32
        %convert_element_type3A_156 = arith.extui %lt3A_155 : i1 to i32
        %cond3A_157 = arith.constant 0 : i32
        %cond3A_158 = arith.cmpi ne, %convert_element_type3A_156, %cond3A_157 : i32
        scf.if %cond3A_158 {
          %dma_start3A_159 = arith.constant 1 : i32
          %dma_start3A_160 = arith.constant 0 : i32
          %dma_start3A_161 = tpu.memref_slice %arg9[%dma_start3A_159, %dma_start3A_160] : memref<2x128xi32, #tpu.memory_space<vmem>> -> memref<1x128xi32, #tpu.memory_space<vmem>>
          %dma_start3A_162 = tpu.memref_squeeze %dma_start3A_161 : memref<1x128xi32, #tpu.memory_space<vmem>> -> memref<128xi32, #tpu.memory_space<vmem>>
          %dma_start3A_163 = arith.constant 0 : i32
          %dma_start3A_164 = arith.constant 0 : i32
          %dma_start3A_165 = tpu.memref_slice %arg2[%dma_start3A_163, %dma_start3A_164] : memref<10240x128xf32, #tpu.memory_space<hbm>> -> memref<10240x128xf32, #tpu.memory_space<hbm>>
          tpu.enqueue_indirect_dma source(%dma_start3A_165 : memref<10240x128xf32, #tpu.memory_space<hbm>>) target(%arg14 : memref<128x128xf32, #tpu.memory_space<vmem>>) offsets(%dma_start3A_162 : memref<128xi32, #tpu.memory_space<vmem>>) semaphore(%arg18 : memref<!tpu.dma_semaphore, #tpu.memory_space<semaphore_mem>>)
        } else {
        }
      }
      %scan3A_75 = arith.constant 20 : i32
    } else {
    }
    %eq3A_33 = arith.constant 1 : i32
    %eq3A_34 = arith.cmpi eq, %arg0, %eq3A_33 : i32
    %convert_element_type3A_35 = arith.extui %eq3A_34 : i1 to i32
    %cond3A_36 = arith.constant 0 : i32
    %cond3A_37 = arith.cmpi ne, %convert_element_type3A_35, %cond3A_36 : i32
    scf.if %cond3A_37 {
      %add3A_49 = arith.constant 0 : i32
      %add3A_50 = arith.addi %mul3A_2, %add3A_49 : i32
      %dma_wait3A = arith.constant 0 : i32
      %dma_wait3A_51 = tpu.memref_slice %arg4[%add3A_50, %dma_wait3A] : memref<1280x128xi32, #tpu.memory_space<hbm>> -> memref<2x128xi32, #tpu.memory_space<hbm>>
      %dma_wait3A_52 = arith.constant 0 : i32
      %dma_wait3A_53 = tpu.memref_slice %arg4[%add3A_50, %dma_wait3A_52] : memref<1280x128xi32, #tpu.memory_space<hbm>> -> memref<2x128xi32, #tpu.memory_space<hbm>>
      tpu.wait_dma2 semaphore(%arg15 : memref<!tpu.dma_semaphore, #tpu.memory_space<semaphore_mem>>) src(%dma_wait3A_53 : memref<2x128xi32, #tpu.memory_space<hbm>>) dst(%arg9 : memref<2x128xi32, #tpu.memory_space<vmem>>)
      %dma_wait3A_54 = arith.constant 0 : i32
      %dma_wait3A_55 = tpu.memref_slice %arg5[%add3A_50, %dma_wait3A_54] : memref<1280x128xi32, #tpu.memory_space<hbm>> -> memref<2x128xi32, #tpu.memory_space<hbm>>
      %dma_wait3A_56 = arith.constant 0 : i32
      %dma_wait3A_57 = tpu.memref_slice %arg5[%add3A_50, %dma_wait3A_56] : memref<1280x128xi32, #tpu.memory_space<hbm>> -> memref<2x128xi32, #tpu.memory_space<hbm>>
      tpu.wait_dma2 semaphore(%arg15 : memref<!tpu.dma_semaphore, #tpu.memory_space<semaphore_mem>>) src(%dma_wait3A_57 : memref<2x128xi32, #tpu.memory_space<hbm>>) dst(%arg10 : memref<2x128xi32, #tpu.memory_space<vmem>>)
      %dma_start3A_58 = arith.constant 0 : i32
      %dma_start3A_59 = arith.constant 0 : i32
      %dma_start3A_60 = tpu.memref_slice %arg9[%dma_start3A_58, %dma_start3A_59] : memref<2x128xi32, #tpu.memory_space<vmem>> -> memref<1x128xi32, #tpu.memory_space<vmem>>
      %dma_start3A_61 = tpu.memref_squeeze %dma_start3A_60 : memref<1x128xi32, #tpu.memory_space<vmem>> -> memref<128xi32, #tpu.memory_space<vmem>>
      %dma_start3A_62 = arith.constant 0 : i32
      %dma_start3A_63 = arith.constant 0 : i32
      %dma_start3A_64 = tpu.memref_slice %arg3[%dma_start3A_62, %dma_start3A_63] : memref<10240x128xf32, #tpu.memory_space<hbm>> -> memref<10240x128xf32, #tpu.memory_space<hbm>>
      tpu.enqueue_indirect_dma source(%dma_start3A_64 : memref<10240x128xf32, #tpu.memory_space<hbm>>) target(%arg13 : memref<128x128xf32, #tpu.memory_space<vmem>>) offsets(%dma_start3A_61 : memref<128xi32, #tpu.memory_space<vmem>>) semaphore(%arg17 : memref<!tpu.dma_semaphore, #tpu.memory_space<semaphore_mem>>)
      %dma_start3A_65 = arith.constant 1 : i32
      %dma_start3A_66 = arith.constant 0 : i32
      %dma_start3A_67 = tpu.memref_slice %arg9[%dma_start3A_65, %dma_start3A_66] : memref<2x128xi32, #tpu.memory_space<vmem>> -> memref<1x128xi32, #tpu.memory_space<vmem>>
      %dma_start3A_68 = tpu.memref_squeeze %dma_start3A_67 : memref<1x128xi32, #tpu.memory_space<vmem>> -> memref<128xi32, #tpu.memory_space<vmem>>
      %dma_start3A_69 = arith.constant 0 : i32
      %dma_start3A_70 = arith.constant 0 : i32
      %dma_start3A_71 = tpu.memref_slice %arg3[%dma_start3A_69, %dma_start3A_70] : memref<10240x128xf32, #tpu.memory_space<hbm>> -> memref<10240x128xf32, #tpu.memory_space<hbm>>
      tpu.enqueue_indirect_dma source(%dma_start3A_71 : memref<10240x128xf32, #tpu.memory_space<hbm>>) target(%arg14 : memref<128x128xf32, #tpu.memory_space<vmem>>) offsets(%dma_start3A_68 : memref<128xi32, #tpu.memory_space<vmem>>) semaphore(%arg18 : memref<!tpu.dma_semaphore, #tpu.memory_space<semaphore_mem>>)
      %scan3A = arith.constant 0 : i32
      %scan3A_72 = arith.constant 20 : i32
      %scan3A_73 = arith.addi %scan3A, %scan3A_72 : i32
      %scan3A_74 = arith.constant 1 : i32
      scf.for %scan3A_76 = %scan3A to %scan3A_73 step %scan3A_74  : i32 {
        %mul3A_77 = arith.constant 1 : i32
        %mul3A_78 = arith.muli %scan3A_76, %mul3A_77 : i32
        %add3A_79 = arith.constant 0 : i32
        %add3A_80 = arith.addi %add3A_79, %mul3A_78 : i32
        %mul3A_81 = arith.constant 2 : i32
        %mul3A_82 = arith.muli %mul3A_81, %add3A_80 : i32
        %dma_wait3A_83 = arith.constant 0 : i32
        %dma_wait3A_84 = arith.constant 0 : i32
        %dma_wait3A_85 = tpu.memref_slice %arg9[%dma_wait3A_83, %dma_wait3A_84] : memref<2x128xi32, #tpu.memory_space<vmem>> -> memref<1x128xi32, #tpu.memory_space<vmem>>
        %dma_wait3A_86 = tpu.memref_squeeze %dma_wait3A_85 : memref<1x128xi32, #tpu.memory_space<vmem>> -> memref<128xi32, #tpu.memory_space<vmem>>
        %dma_wait3A_87 = arith.constant 0 : i32
        %dma_wait3A_88 = arith.constant 0 : i32
        %dma_wait3A_89 = tpu.memref_slice %arg3[%dma_wait3A_87, %dma_wait3A_88] : memref<10240x128xf32, #tpu.memory_space<hbm>> -> memref<10240x128xf32, #tpu.memory_space<hbm>>
        tpu.wait_indirect_dma semaphore(%arg17 : memref<!tpu.dma_semaphore, #tpu.memory_space<semaphore_mem>>) src(%dma_wait3A_89 : memref<10240x128xf32, #tpu.memory_space<hbm>>) dst(%arg13 : memref<128x128xf32, #tpu.memory_space<vmem>>)
        %run_scoped3A = arith.constant 0 : i32
        "tpu.region"() ({
          %run_scoped3A_159 = tpu.sem_alloc : memref<!tpu.dma_semaphore, #tpu.memory_space<semaphore_mem>>
          %dma_start3A_160 = arith.constant 0 : i32
          %dma_start3A_161 = tpu.memref_slice %arg10[%run_scoped3A, %dma_start3A_160] : memref<2x128xi32, #tpu.memory_space<vmem>> -> memref<1x128xi32, #tpu.memory_space<vmem>>
          %dma_start3A_162 = tpu.memref_squeeze %dma_start3A_161 : memref<1x128xi32, #tpu.memory_space<vmem>> -> memref<128xi32, #tpu.memory_space<vmem>>
          %dma_start3A_163 = arith.constant 0 : i32
          %dma_start3A_164 = arith.constant 0 : i32
          %dma_start3A_165 = tpu.memref_slice %arg8[%dma_start3A_163, %dma_start3A_164] : memref<10240x128xf32, #tpu.memory_space<vmem_shared>> -> memref<10240x128xf32, #tpu.memory_space<vmem_shared>>
          tpu.enqueue_indirect_dma source(%arg13 : memref<128x128xf32, #tpu.memory_space<vmem>>) target(%dma_start3A_165 : memref<10240x128xf32, #tpu.memory_space<vmem_shared>>) offsets(%dma_start3A_162 : memref<128xi32, #tpu.memory_space<vmem>>) semaphore(%run_scoped3A_159 : memref<!tpu.dma_semaphore, #tpu.memory_space<semaphore_mem>>) {add = true}
          %dma_wait3A_166 = arith.constant 0 : i32
          %dma_wait3A_167 = tpu.memref_slice %arg10[%run_scoped3A, %dma_wait3A_166] : memref<2x128xi32, #tpu.memory_space<vmem>> -> memref<1x128xi32, #tpu.memory_space<vmem>>
          %dma_wait3A_168 = tpu.memref_squeeze %dma_wait3A_167 : memref<1x128xi32, #tpu.memory_space<vmem>> -> memref<128xi32, #tpu.memory_space<vmem>>
          %dma_wait3A_169 = arith.constant 0 : i32
          %dma_wait3A_170 = arith.constant 0 : i32
          %dma_wait3A_171 = tpu.memref_slice %arg8[%dma_wait3A_169, %dma_wait3A_170] : memref<10240x128xf32, #tpu.memory_space<vmem_shared>> -> memref<10240x128xf32, #tpu.memory_space<vmem_shared>>
          tpu.wait_indirect_dma semaphore(%run_scoped3A_159 : memref<!tpu.dma_semaphore, #tpu.memory_space<semaphore_mem>>) src(%arg13 : memref<128x128xf32, #tpu.memory_space<vmem>>) dst(%dma_wait3A_171 : memref<10240x128xf32, #tpu.memory_space<vmem_shared>>)
          tpu.yield
        }) : () -> ()
        %add3A_90 = arith.constant 1 : i32
        %add3A_91 = arith.addi %mul3A_82, %add3A_90 : i32
        %lt3A = arith.constant 40 : i32
        %lt3A_92 = arith.cmpi slt, %add3A_91, %lt3A : i32
        %convert_element_type3A_93 = arith.extui %lt3A_92 : i1 to i32
        %cond3A_94 = arith.constant 0 : i32
        %cond3A_95 = arith.cmpi ne, %convert_element_type3A_93, %cond3A_94 : i32
        scf.if %cond3A_95 {
          %add3A_159 = arith.constant 1 : i32
          %add3A_160 = arith.addi %mul3A_82, %add3A_159 : i32
          %mul3A_161 = arith.constant 2 : i32
          %mul3A_162 = arith.muli %mul3A_161, %add3A_160 : i32
          %add3A_163 = arith.addi %mul3A_2, %mul3A_162 : i32
          %dma_wait3A_164 = arith.constant 0 : i32
          %dma_wait3A_165 = tpu.memref_slice %arg4[%add3A_163, %dma_wait3A_164] : memref<1280x128xi32, #tpu.memory_space<hbm>> -> memref<2x128xi32, #tpu.memory_space<hbm>>
          %dma_wait3A_166 = arith.constant 0 : i32
          %dma_wait3A_167 = tpu.memref_slice %arg4[%add3A_163, %dma_wait3A_166] : memref<1280x128xi32, #tpu.memory_space<hbm>> -> memref<2x128xi32, #tpu.memory_space<hbm>>
          tpu.wait_dma2 semaphore(%arg16 : memref<!tpu.dma_semaphore, #tpu.memory_space<semaphore_mem>>) src(%dma_wait3A_167 : memref<2x128xi32, #tpu.memory_space<hbm>>) dst(%arg11 : memref<2x128xi32, #tpu.memory_space<vmem>>)
          %dma_wait3A_168 = arith.constant 0 : i32
          %dma_wait3A_169 = tpu.memref_slice %arg5[%add3A_163, %dma_wait3A_168] : memref<1280x128xi32, #tpu.memory_space<hbm>> -> memref<2x128xi32, #tpu.memory_space<hbm>>
          %dma_wait3A_170 = arith.constant 0 : i32
          %dma_wait3A_171 = tpu.memref_slice %arg5[%add3A_163, %dma_wait3A_170] : memref<1280x128xi32, #tpu.memory_space<hbm>> -> memref<2x128xi32, #tpu.memory_space<hbm>>
          tpu.wait_dma2 semaphore(%arg16 : memref<!tpu.dma_semaphore, #tpu.memory_space<semaphore_mem>>) src(%dma_wait3A_171 : memref<2x128xi32, #tpu.memory_space<hbm>>) dst(%arg12 : memref<2x128xi32, #tpu.memory_space<vmem>>)
          %dma_start3A_172 = arith.constant 0 : i32
          %dma_start3A_173 = arith.constant 0 : i32
          %dma_start3A_174 = tpu.memref_slice %arg11[%dma_start3A_172, %dma_start3A_173] : memref<2x128xi32, #tpu.memory_space<vmem>> -> memref<1x128xi32, #tpu.memory_space<vmem>>
          %dma_start3A_175 = tpu.memref_squeeze %dma_start3A_174 : memref<1x128xi32, #tpu.memory_space<vmem>> -> memref<128xi32, #tpu.memory_space<vmem>>
          %dma_start3A_176 = arith.constant 0 : i32
          %dma_start3A_177 = arith.constant 0 : i32
          %dma_start3A_178 = tpu.memref_slice %arg3[%dma_start3A_176, %dma_start3A_177] : memref<10240x128xf32, #tpu.memory_space<hbm>> -> memref<10240x128xf32, #tpu.memory_space<hbm>>
          tpu.enqueue_indirect_dma source(%dma_start3A_178 : memref<10240x128xf32, #tpu.memory_space<hbm>>) target(%arg13 : memref<128x128xf32, #tpu.memory_space<vmem>>) offsets(%dma_start3A_175 : memref<128xi32, #tpu.memory_space<vmem>>) semaphore(%arg17 : memref<!tpu.dma_semaphore, #tpu.memory_space<semaphore_mem>>)
        } else {
        }
        %dma_wait3A_96 = arith.constant 0 : i32
        %dma_wait3A_97 = arith.constant 0 : i32
        %dma_wait3A_98 = tpu.memref_slice %arg9[%dma_wait3A_96, %dma_wait3A_97] : memref<2x128xi32, #tpu.memory_space<vmem>> -> memref<1x128xi32, #tpu.memory_space<vmem>>
        %dma_wait3A_99 = tpu.memref_squeeze %dma_wait3A_98 : memref<1x128xi32, #tpu.memory_space<vmem>> -> memref<128xi32, #tpu.memory_space<vmem>>
        %dma_wait3A_100 = arith.constant 0 : i32
        %dma_wait3A_101 = arith.constant 0 : i32
        %dma_wait3A_102 = tpu.memref_slice %arg3[%dma_wait3A_100, %dma_wait3A_101] : memref<10240x128xf32, #tpu.memory_space<hbm>> -> memref<10240x128xf32, #tpu.memory_space<hbm>>
        tpu.wait_indirect_dma semaphore(%arg18 : memref<!tpu.dma_semaphore, #tpu.memory_space<semaphore_mem>>) src(%dma_wait3A_102 : memref<10240x128xf32, #tpu.memory_space<hbm>>) dst(%arg14 : memref<128x128xf32, #tpu.memory_space<vmem>>)
        %run_scoped3A_103 = arith.constant 1 : i32
        "tpu.region"() ({
          %run_scoped3A_159 = tpu.sem_alloc : memref<!tpu.dma_semaphore, #tpu.memory_space<semaphore_mem>>
          %dma_start3A_160 = arith.constant 0 : i32
          %dma_start3A_161 = tpu.memref_slice %arg10[%run_scoped3A_103, %dma_start3A_160] : memref<2x128xi32, #tpu.memory_space<vmem>> -> memref<1x128xi32, #tpu.memory_space<vmem>>
          %dma_start3A_162 = tpu.memref_squeeze %dma_start3A_161 : memref<1x128xi32, #tpu.memory_space<vmem>> -> memref<128xi32, #tpu.memory_space<vmem>>
          %dma_start3A_163 = arith.constant 0 : i32
          %dma_start3A_164 = arith.constant 0 : i32
          %dma_start3A_165 = tpu.memref_slice %arg8[%dma_start3A_163, %dma_start3A_164] : memref<10240x128xf32, #tpu.memory_space<vmem_shared>> -> memref<10240x128xf32, #tpu.memory_space<vmem_shared>>
          tpu.enqueue_indirect_dma source(%arg14 : memref<128x128xf32, #tpu.memory_space<vmem>>) target(%dma_start3A_165 : memref<10240x128xf32, #tpu.memory_space<vmem_shared>>) offsets(%dma_start3A_162 : memref<128xi32, #tpu.memory_space<vmem>>) semaphore(%run_scoped3A_159 : memref<!tpu.dma_semaphore, #tpu.memory_space<semaphore_mem>>) {add = true}
          %dma_wait3A_166 = arith.constant 0 : i32
          %dma_wait3A_167 = tpu.memref_slice %arg10[%run_scoped3A_103, %dma_wait3A_166] : memref<2x128xi32, #tpu.memory_space<vmem>> -> memref<1x128xi32, #tpu.memory_space<vmem>>
          %dma_wait3A_168 = tpu.memref_squeeze %dma_wait3A_167 : memref<1x128xi32, #tpu.memory_space<vmem>> -> memref<128xi32, #tpu.memory_space<vmem>>
          %dma_wait3A_169 = arith.constant 0 : i32
          %dma_wait3A_170 = arith.constant 0 : i32
          %dma_wait3A_171 = tpu.memref_slice %arg8[%dma_wait3A_169, %dma_wait3A_170] : memref<10240x128xf32, #tpu.memory_space<vmem_shared>> -> memref<10240x128xf32, #tpu.memory_space<vmem_shared>>
          tpu.wait_indirect_dma semaphore(%run_scoped3A_159 : memref<!tpu.dma_semaphore, #tpu.memory_space<semaphore_mem>>) src(%arg14 : memref<128x128xf32, #tpu.memory_space<vmem>>) dst(%dma_wait3A_171 : memref<10240x128xf32, #tpu.memory_space<vmem_shared>>)
          tpu.yield
        }) : () -> ()
        %add3A_104 = arith.constant 2 : i32
        %add3A_105 = arith.addi %mul3A_82, %add3A_104 : i32
        %lt3A_106 = arith.constant 40 : i32
        %lt3A_107 = arith.cmpi slt, %add3A_105, %lt3A_106 : i32
        %convert_element_type3A_108 = arith.extui %lt3A_107 : i1 to i32
        %cond3A_109 = arith.constant 0 : i32
        %cond3A_110 = arith.cmpi ne, %convert_element_type3A_108, %cond3A_109 : i32
        scf.if %cond3A_110 {
          %add3A_159 = arith.constant 2 : i32
          %add3A_160 = arith.addi %mul3A_82, %add3A_159 : i32
          %mul3A_161 = arith.constant 2 : i32
          %mul3A_162 = arith.muli %mul3A_161, %add3A_160 : i32
          %add3A_163 = arith.addi %mul3A_2, %mul3A_162 : i32
          %dma_start3A_164 = arith.constant 0 : i32
          %dma_start3A_165 = tpu.memref_slice %arg4[%add3A_163, %dma_start3A_164] : memref<1280x128xi32, #tpu.memory_space<hbm>> -> memref<2x128xi32, #tpu.memory_space<hbm>>
          %dma_start3A_166 = arith.constant 0 : i32
          %dma_start3A_167 = tpu.memref_slice %arg4[%add3A_163, %dma_start3A_166] : memref<1280x128xi32, #tpu.memory_space<hbm>> -> memref<2x128xi32, #tpu.memory_space<hbm>>
          tpu.enqueue_dma source(%dma_start3A_167 : memref<2x128xi32, #tpu.memory_space<hbm>>) target(%arg9 : memref<2x128xi32, #tpu.memory_space<vmem>>) target_semaphore(%arg15 : memref<!tpu.dma_semaphore, #tpu.memory_space<semaphore_mem>>)
          %dma_start3A_168 = arith.constant 0 : i32
          %dma_start3A_169 = tpu.memref_slice %arg5[%add3A_163, %dma_start3A_168] : memref<1280x128xi32, #tpu.memory_space<hbm>> -> memref<2x128xi32, #tpu.memory_space<hbm>>
          %dma_start3A_170 = arith.constant 0 : i32
          %dma_start3A_171 = tpu.memref_slice %arg5[%add3A_163, %dma_start3A_170] : memref<1280x128xi32, #tpu.memory_space<hbm>> -> memref<2x128xi32, #tpu.memory_space<hbm>>
          tpu.enqueue_dma source(%dma_start3A_171 : memref<2x128xi32, #tpu.memory_space<hbm>>) target(%arg10 : memref<2x128xi32, #tpu.memory_space<vmem>>) target_semaphore(%arg15 : memref<!tpu.dma_semaphore, #tpu.memory_space<semaphore_mem>>)
        } else {
        }
        %add3A_111 = arith.constant 1 : i32
        %add3A_112 = arith.addi %mul3A_82, %add3A_111 : i32
        %lt3A_113 = arith.constant 40 : i32
        %lt3A_114 = arith.cmpi slt, %add3A_112, %lt3A_113 : i32
        %convert_element_type3A_115 = arith.extui %lt3A_114 : i1 to i32
        %cond3A_116 = arith.constant 0 : i32
        %cond3A_117 = arith.cmpi ne, %convert_element_type3A_115, %cond3A_116 : i32
        scf.if %cond3A_117 {
          %dma_start3A_159 = arith.constant 1 : i32
          %dma_start3A_160 = arith.constant 0 : i32
          %dma_start3A_161 = tpu.memref_slice %arg11[%dma_start3A_159, %dma_start3A_160] : memref<2x128xi32, #tpu.memory_space<vmem>> -> memref<1x128xi32, #tpu.memory_space<vmem>>
          %dma_start3A_162 = tpu.memref_squeeze %dma_start3A_161 : memref<1x128xi32, #tpu.memory_space<vmem>> -> memref<128xi32, #tpu.memory_space<vmem>>
          %dma_start3A_163 = arith.constant 0 : i32
          %dma_start3A_164 = arith.constant 0 : i32
          %dma_start3A_165 = tpu.memref_slice %arg3[%dma_start3A_163, %dma_start3A_164] : memref<10240x128xf32, #tpu.memory_space<hbm>> -> memref<10240x128xf32, #tpu.memory_space<hbm>>
          tpu.enqueue_indirect_dma source(%dma_start3A_165 : memref<10240x128xf32, #tpu.memory_space<hbm>>) target(%arg14 : memref<128x128xf32, #tpu.memory_space<vmem>>) offsets(%dma_start3A_162 : memref<128xi32, #tpu.memory_space<vmem>>) semaphore(%arg18 : memref<!tpu.dma_semaphore, #tpu.memory_space<semaphore_mem>>)
        } else {
        }
        %mul3A_118 = arith.constant 2 : i32
        %mul3A_119 = arith.muli %mul3A_118, %add3A_80 : i32
        %add3A_120 = arith.constant 1 : i32
        %add3A_121 = arith.addi %mul3A_119, %add3A_120 : i32
        %dma_wait3A_122 = arith.constant 0 : i32
        %dma_wait3A_123 = arith.constant 0 : i32
        %dma_wait3A_124 = tpu.memref_slice %arg9[%dma_wait3A_122, %dma_wait3A_123] : memref<2x128xi32, #tpu.memory_space<vmem>> -> memref<1x128xi32, #tpu.memory_space<vmem>>
        %dma_wait3A_125 = tpu.memref_squeeze %dma_wait3A_124 : memref<1x128xi32, #tpu.memory_space<vmem>> -> memref<128xi32, #tpu.memory_space<vmem>>
        %dma_wait3A_126 = arith.constant 0 : i32
        %dma_wait3A_127 = arith.constant 0 : i32
        %dma_wait3A_128 = tpu.memref_slice %arg3[%dma_wait3A_126, %dma_wait3A_127] : memref<10240x128xf32, #tpu.memory_space<hbm>> -> memref<10240x128xf32, #tpu.memory_space<hbm>>
        tpu.wait_indirect_dma semaphore(%arg17 : memref<!tpu.dma_semaphore, #tpu.memory_space<semaphore_mem>>) src(%dma_wait3A_128 : memref<10240x128xf32, #tpu.memory_space<hbm>>) dst(%arg13 : memref<128x128xf32, #tpu.memory_space<vmem>>)
        %run_scoped3A_129 = arith.constant 0 : i32
        "tpu.region"() ({
          %run_scoped3A_159 = tpu.sem_alloc : memref<!tpu.dma_semaphore, #tpu.memory_space<semaphore_mem>>
          %dma_start3A_160 = arith.constant 0 : i32
          %dma_start3A_161 = tpu.memref_slice %arg12[%run_scoped3A_129, %dma_start3A_160] : memref<2x128xi32, #tpu.memory_space<vmem>> -> memref<1x128xi32, #tpu.memory_space<vmem>>
          %dma_start3A_162 = tpu.memref_squeeze %dma_start3A_161 : memref<1x128xi32, #tpu.memory_space<vmem>> -> memref<128xi32, #tpu.memory_space<vmem>>
          %dma_start3A_163 = arith.constant 0 : i32
          %dma_start3A_164 = arith.constant 0 : i32
          %dma_start3A_165 = tpu.memref_slice %arg8[%dma_start3A_163, %dma_start3A_164] : memref<10240x128xf32, #tpu.memory_space<vmem_shared>> -> memref<10240x128xf32, #tpu.memory_space<vmem_shared>>
          tpu.enqueue_indirect_dma source(%arg13 : memref<128x128xf32, #tpu.memory_space<vmem>>) target(%dma_start3A_165 : memref<10240x128xf32, #tpu.memory_space<vmem_shared>>) offsets(%dma_start3A_162 : memref<128xi32, #tpu.memory_space<vmem>>) semaphore(%run_scoped3A_159 : memref<!tpu.dma_semaphore, #tpu.memory_space<semaphore_mem>>) {add = true}
          %dma_wait3A_166 = arith.constant 0 : i32
          %dma_wait3A_167 = tpu.memref_slice %arg12[%run_scoped3A_129, %dma_wait3A_166] : memref<2x128xi32, #tpu.memory_space<vmem>> -> memref<1x128xi32, #tpu.memory_space<vmem>>
          %dma_wait3A_168 = tpu.memref_squeeze %dma_wait3A_167 : memref<1x128xi32, #tpu.memory_space<vmem>> -> memref<128xi32, #tpu.memory_space<vmem>>
          %dma_wait3A_169 = arith.constant 0 : i32
          %dma_wait3A_170 = arith.constant 0 : i32
          %dma_wait3A_171 = tpu.memref_slice %arg8[%dma_wait3A_169, %dma_wait3A_170] : memref<10240x128xf32, #tpu.memory_space<vmem_shared>> -> memref<10240x128xf32, #tpu.memory_space<vmem_shared>>
          tpu.wait_indirect_dma semaphore(%run_scoped3A_159 : memref<!tpu.dma_semaphore, #tpu.memory_space<semaphore_mem>>) src(%arg13 : memref<128x128xf32, #tpu.memory_space<vmem>>) dst(%dma_wait3A_171 : memref<10240x128xf32, #tpu.memory_space<vmem_shared>>)
          tpu.yield
        }) : () -> ()
        %add3A_130 = arith.constant 1 : i32
        %add3A_131 = arith.addi %add3A_121, %add3A_130 : i32
        %lt3A_132 = arith.constant 40 : i32
        %lt3A_133 = arith.cmpi slt, %add3A_131, %lt3A_132 : i32
        %convert_element_type3A_134 = arith.extui %lt3A_133 : i1 to i32
        %cond3A_135 = arith.constant 0 : i32
        %cond3A_136 = arith.cmpi ne, %convert_element_type3A_134, %cond3A_135 : i32
        scf.if %cond3A_136 {
          %add3A_159 = arith.constant 1 : i32
          %add3A_160 = arith.addi %add3A_121, %add3A_159 : i32
          %mul3A_161 = arith.constant 2 : i32
          %mul3A_162 = arith.muli %mul3A_161, %add3A_160 : i32
          %add3A_163 = arith.addi %mul3A_2, %mul3A_162 : i32
          %dma_wait3A_164 = arith.constant 0 : i32
          %dma_wait3A_165 = tpu.memref_slice %arg4[%add3A_163, %dma_wait3A_164] : memref<1280x128xi32, #tpu.memory_space<hbm>> -> memref<2x128xi32, #tpu.memory_space<hbm>>
          %dma_wait3A_166 = arith.constant 0 : i32
          %dma_wait3A_167 = tpu.memref_slice %arg4[%add3A_163, %dma_wait3A_166] : memref<1280x128xi32, #tpu.memory_space<hbm>> -> memref<2x128xi32, #tpu.memory_space<hbm>>
          tpu.wait_dma2 semaphore(%arg15 : memref<!tpu.dma_semaphore, #tpu.memory_space<semaphore_mem>>) src(%dma_wait3A_167 : memref<2x128xi32, #tpu.memory_space<hbm>>) dst(%arg9 : memref<2x128xi32, #tpu.memory_space<vmem>>)
          %dma_wait3A_168 = arith.constant 0 : i32
          %dma_wait3A_169 = tpu.memref_slice %arg5[%add3A_163, %dma_wait3A_168] : memref<1280x128xi32, #tpu.memory_space<hbm>> -> memref<2x128xi32, #tpu.memory_space<hbm>>
          %dma_wait3A_170 = arith.constant 0 : i32
          %dma_wait3A_171 = tpu.memref_slice %arg5[%add3A_163, %dma_wait3A_170] : memref<1280x128xi32, #tpu.memory_space<hbm>> -> memref<2x128xi32, #tpu.memory_space<hbm>>
          tpu.wait_dma2 semaphore(%arg15 : memref<!tpu.dma_semaphore, #tpu.memory_space<semaphore_mem>>) src(%dma_wait3A_171 : memref<2x128xi32, #tpu.memory_space<hbm>>) dst(%arg10 : memref<2x128xi32, #tpu.memory_space<vmem>>)
          %dma_start3A_172 = arith.constant 0 : i32
          %dma_start3A_173 = arith.constant 0 : i32
          %dma_start3A_174 = tpu.memref_slice %arg9[%dma_start3A_172, %dma_start3A_173] : memref<2x128xi32, #tpu.memory_space<vmem>> -> memref<1x128xi32, #tpu.memory_space<vmem>>
          %dma_start3A_175 = tpu.memref_squeeze %dma_start3A_174 : memref<1x128xi32, #tpu.memory_space<vmem>> -> memref<128xi32, #tpu.memory_space<vmem>>
          %dma_start3A_176 = arith.constant 0 : i32
          %dma_start3A_177 = arith.constant 0 : i32
          %dma_start3A_178 = tpu.memref_slice %arg3[%dma_start3A_176, %dma_start3A_177] : memref<10240x128xf32, #tpu.memory_space<hbm>> -> memref<10240x128xf32, #tpu.memory_space<hbm>>
          tpu.enqueue_indirect_dma source(%dma_start3A_178 : memref<10240x128xf32, #tpu.memory_space<hbm>>) target(%arg13 : memref<128x128xf32, #tpu.memory_space<vmem>>) offsets(%dma_start3A_175 : memref<128xi32, #tpu.memory_space<vmem>>) semaphore(%arg17 : memref<!tpu.dma_semaphore, #tpu.memory_space<semaphore_mem>>)
        } else {
        }
        %dma_wait3A_137 = arith.constant 0 : i32
        %dma_wait3A_138 = arith.constant 0 : i32
        %dma_wait3A_139 = tpu.memref_slice %arg9[%dma_wait3A_137, %dma_wait3A_138] : memref<2x128xi32, #tpu.memory_space<vmem>> -> memref<1x128xi32, #tpu.memory_space<vmem>>
        %dma_wait3A_140 = tpu.memref_squeeze %dma_wait3A_139 : memref<1x128xi32, #tpu.memory_space<vmem>> -> memref<128xi32, #tpu.memory_space<vmem>>
        %dma_wait3A_141 = arith.constant 0 : i32
        %dma_wait3A_142 = arith.constant 0 : i32
        %dma_wait3A_143 = tpu.memref_slice %arg3[%dma_wait3A_141, %dma_wait3A_142] : memref<10240x128xf32, #tpu.memory_space<hbm>> -> memref<10240x128xf32, #tpu.memory_space<hbm>>
        tpu.wait_indirect_dma semaphore(%arg18 : memref<!tpu.dma_semaphore, #tpu.memory_space<semaphore_mem>>) src(%dma_wait3A_143 : memref<10240x128xf32, #tpu.memory_space<hbm>>) dst(%arg14 : memref<128x128xf32, #tpu.memory_space<vmem>>)
        %run_scoped3A_144 = arith.constant 1 : i32
        "tpu.region"() ({
          %run_scoped3A_159 = tpu.sem_alloc : memref<!tpu.dma_semaphore, #tpu.memory_space<semaphore_mem>>
          %dma_start3A_160 = arith.constant 0 : i32
          %dma_start3A_161 = tpu.memref_slice %arg12[%run_scoped3A_144, %dma_start3A_160] : memref<2x128xi32, #tpu.memory_space<vmem>> -> memref<1x128xi32, #tpu.memory_space<vmem>>
          %dma_start3A_162 = tpu.memref_squeeze %dma_start3A_161 : memref<1x128xi32, #tpu.memory_space<vmem>> -> memref<128xi32, #tpu.memory_space<vmem>>
          %dma_start3A_163 = arith.constant 0 : i32
          %dma_start3A_164 = arith.constant 0 : i32
          %dma_start3A_165 = tpu.memref_slice %arg8[%dma_start3A_163, %dma_start3A_164] : memref<10240x128xf32, #tpu.memory_space<vmem_shared>> -> memref<10240x128xf32, #tpu.memory_space<vmem_shared>>
          tpu.enqueue_indirect_dma source(%arg14 : memref<128x128xf32, #tpu.memory_space<vmem>>) target(%dma_start3A_165 : memref<10240x128xf32, #tpu.memory_space<vmem_shared>>) offsets(%dma_start3A_162 : memref<128xi32, #tpu.memory_space<vmem>>) semaphore(%run_scoped3A_159 : memref<!tpu.dma_semaphore, #tpu.memory_space<semaphore_mem>>) {add = true}
          %dma_wait3A_166 = arith.constant 0 : i32
          %dma_wait3A_167 = tpu.memref_slice %arg12[%run_scoped3A_144, %dma_wait3A_166] : memref<2x128xi32, #tpu.memory_space<vmem>> -> memref<1x128xi32, #tpu.memory_space<vmem>>
          %dma_wait3A_168 = tpu.memref_squeeze %dma_wait3A_167 : memref<1x128xi32, #tpu.memory_space<vmem>> -> memref<128xi32, #tpu.memory_space<vmem>>
          %dma_wait3A_169 = arith.constant 0 : i32
          %dma_wait3A_170 = arith.constant 0 : i32
          %dma_wait3A_171 = tpu.memref_slice %arg8[%dma_wait3A_169, %dma_wait3A_170] : memref<10240x128xf32, #tpu.memory_space<vmem_shared>> -> memref<10240x128xf32, #tpu.memory_space<vmem_shared>>
          tpu.wait_indirect_dma semaphore(%run_scoped3A_159 : memref<!tpu.dma_semaphore, #tpu.memory_space<semaphore_mem>>) src(%arg14 : memref<128x128xf32, #tpu.memory_space<vmem>>) dst(%dma_wait3A_171 : memref<10240x128xf32, #tpu.memory_space<vmem_shared>>)
          tpu.yield
        }) : () -> ()
        %add3A_145 = arith.constant 2 : i32
        %add3A_146 = arith.addi %add3A_121, %add3A_145 : i32
        %lt3A_147 = arith.constant 40 : i32
        %lt3A_148 = arith.cmpi slt, %add3A_146, %lt3A_147 : i32
        %convert_element_type3A_149 = arith.extui %lt3A_148 : i1 to i32
        %cond3A_150 = arith.constant 0 : i32
        %cond3A_151 = arith.cmpi ne, %convert_element_type3A_149, %cond3A_150 : i32
        scf.if %cond3A_151 {
          %add3A_159 = arith.constant 2 : i32
          %add3A_160 = arith.addi %add3A_121, %add3A_159 : i32
          %mul3A_161 = arith.constant 2 : i32
          %mul3A_162 = arith.muli %mul3A_161, %add3A_160 : i32
          %add3A_163 = arith.addi %mul3A_2, %mul3A_162 : i32
          %dma_start3A_164 = arith.constant 0 : i32
          %dma_start3A_165 = tpu.memref_slice %arg4[%add3A_163, %dma_start3A_164] : memref<1280x128xi32, #tpu.memory_space<hbm>> -> memref<2x128xi32, #tpu.memory_space<hbm>>
          %dma_start3A_166 = arith.constant 0 : i32
          %dma_start3A_167 = tpu.memref_slice %arg4[%add3A_163, %dma_start3A_166] : memref<1280x128xi32, #tpu.memory_space<hbm>> -> memref<2x128xi32, #tpu.memory_space<hbm>>
          tpu.enqueue_dma source(%dma_start3A_167 : memref<2x128xi32, #tpu.memory_space<hbm>>) target(%arg11 : memref<2x128xi32, #tpu.memory_space<vmem>>) target_semaphore(%arg16 : memref<!tpu.dma_semaphore, #tpu.memory_space<semaphore_mem>>)
          %dma_start3A_168 = arith.constant 0 : i32
          %dma_start3A_169 = tpu.memref_slice %arg5[%add3A_163, %dma_start3A_168] : memref<1280x128xi32, #tpu.memory_space<hbm>> -> memref<2x128xi32, #tpu.memory_space<hbm>>
          %dma_start3A_170 = arith.constant 0 : i32
          %dma_start3A_171 = tpu.memref_slice %arg5[%add3A_163, %dma_start3A_170] : memref<1280x128xi32, #tpu.memory_space<hbm>> -> memref<2x128xi32, #tpu.memory_space<hbm>>
          tpu.enqueue_dma source(%dma_start3A_171 : memref<2x128xi32, #tpu.memory_space<hbm>>) target(%arg12 : memref<2x128xi32, #tpu.memory_space<vmem>>) target_semaphore(%arg16 : memref<!tpu.dma_semaphore, #tpu.memory_space<semaphore_mem>>)
        } else {
        }
        %add3A_152 = arith.constant 1 : i32
        %add3A_153 = arith.addi %add3A_121, %add3A_152 : i32
        %lt3A_154 = arith.constant 40 : i32
        %lt3A_155 = arith.cmpi slt, %add3A_153, %lt3A_154 : i32
        %convert_element_type3A_156 = arith.extui %lt3A_155 : i1 to i32
        %cond3A_157 = arith.constant 0 : i32
        %cond3A_158 = arith.cmpi ne, %convert_element_type3A_156, %cond3A_157 : i32
        scf.if %cond3A_158 {
          %dma_start3A_159 = arith.constant 1 : i32
          %dma_start3A_160 = arith.constant 0 : i32
          %dma_start3A_161 = tpu.memref_slice %arg9[%dma_start3A_159, %dma_start3A_160] : memref<2x128xi32, #tpu.memory_space<vmem>> -> memref<1x128xi32, #tpu.memory_space<vmem>>
          %dma_start3A_162 = tpu.memref_squeeze %dma_start3A_161 : memref<1x128xi32, #tpu.memory_space<vmem>> -> memref<128xi32, #tpu.memory_space<vmem>>
          %dma_start3A_163 = arith.constant 0 : i32
          %dma_start3A_164 = arith.constant 0 : i32
          %dma_start3A_165 = tpu.memref_slice %arg3[%dma_start3A_163, %dma_start3A_164] : memref<10240x128xf32, #tpu.memory_space<hbm>> -> memref<10240x128xf32, #tpu.memory_space<hbm>>
          tpu.enqueue_indirect_dma source(%dma_start3A_165 : memref<10240x128xf32, #tpu.memory_space<hbm>>) target(%arg14 : memref<128x128xf32, #tpu.memory_space<vmem>>) offsets(%dma_start3A_162 : memref<128xi32, #tpu.memory_space<vmem>>) semaphore(%arg18 : memref<!tpu.dma_semaphore, #tpu.memory_space<semaphore_mem>>)
        } else {
        }
      }
      %scan3A_75 = arith.constant 20 : i32
    } else {
    }
    %barrier3A_38 = arith.constant 0 : index
    tpu.barrier barrier_id(%barrier3A_38)
    %eq3A_39 = arith.constant 0 : i32
    %eq3A_40 = arith.cmpi eq, %arg0, %eq3A_39 : i32
    %convert_element_type3A_41 = arith.extui %eq3A_40 : i1 to i32
    %cond3A_42 = arith.constant 0 : i32
    %cond3A_43 = arith.cmpi ne, %convert_element_type3A_41, %cond3A_42 : i32
    scf.if %cond3A_43 {
      "tpu.region"() ({
        %run_scoped3A = tpu.sem_alloc : memref<!tpu.dma_semaphore, #tpu.memory_space<semaphore_mem>>
        %dma_start3A_49 = arith.constant 0 : i32
        %dma_start3A_50 = tpu.memref_slice %arg6[%mul3A_0, %dma_start3A_49] : memref<10240x128xf32, #tpu.memory_space<hbm>> -> memref<640x128xf32, #tpu.memory_space<hbm>>
        %dma_start3A_51 = arith.constant 0 : i32
        %dma_start3A_52 = tpu.memref_slice %arg8[%mul3A_0, %dma_start3A_51] : memref<10240x128xf32, #tpu.memory_space<vmem_shared>> -> memref<640x128xf32, #tpu.memory_space<vmem_shared>>
        tpu.enqueue_dma source(%dma_start3A_52 : memref<640x128xf32, #tpu.memory_space<vmem_shared>>) target(%dma_start3A_50 : memref<640x128xf32, #tpu.memory_space<hbm>>) target_semaphore(%run_scoped3A : memref<!tpu.dma_semaphore, #tpu.memory_space<semaphore_mem>>)
        %dma_wait3A = arith.constant 0 : i32
        %dma_wait3A_53 = tpu.memref_slice %arg6[%mul3A_0, %dma_wait3A] : memref<10240x128xf32, #tpu.memory_space<hbm>> -> memref<640x128xf32, #tpu.memory_space<hbm>>
        %dma_wait3A_54 = arith.constant 0 : i32
        %dma_wait3A_55 = tpu.memref_slice %arg8[%mul3A_0, %dma_wait3A_54] : memref<10240x128xf32, #tpu.memory_space<vmem_shared>> -> memref<640x128xf32, #tpu.memory_space<vmem_shared>>
        tpu.wait_dma2 semaphore(%run_scoped3A : memref<!tpu.dma_semaphore, #tpu.memory_space<semaphore_mem>>) src(%dma_wait3A_55 : memref<640x128xf32, #tpu.memory_space<vmem_shared>>) dst(%dma_wait3A_53 : memref<640x128xf32, #tpu.memory_space<hbm>>)
        tpu.yield
      }) : () -> ()
    } else {
    }
    %eq3A_44 = arith.constant 1 : i32
    %eq3A_45 = arith.cmpi eq, %arg0, %eq3A_44 : i32
    %convert_element_type3A_46 = arith.extui %eq3A_45 : i1 to i32
    %cond3A_47 = arith.constant 0 : i32
    %cond3A_48 = arith.cmpi ne, %convert_element_type3A_46, %cond3A_47 : i32
    scf.if %cond3A_48 {
      "tpu.region"() ({
        %run_scoped3A = tpu.sem_alloc : memref<!tpu.dma_semaphore, #tpu.memory_space<semaphore_mem>>
        %dma_start3A_49 = arith.constant 0 : i32
        %dma_start3A_50 = tpu.memref_slice %arg7[%mul3A_0, %dma_start3A_49] : memref<10240x128xf32, #tpu.memory_space<hbm>> -> memref<640x128xf32, #tpu.memory_space<hbm>>
        %dma_start3A_51 = arith.constant 0 : i32
        %dma_start3A_52 = tpu.memref_slice %arg8[%mul3A_0, %dma_start3A_51] : memref<10240x128xf32, #tpu.memory_space<vmem_shared>> -> memref<640x128xf32, #tpu.memory_space<vmem_shared>>
        tpu.enqueue_dma source(%dma_start3A_52 : memref<640x128xf32, #tpu.memory_space<vmem_shared>>) target(%dma_start3A_50 : memref<640x128xf32, #tpu.memory_space<hbm>>) target_semaphore(%run_scoped3A : memref<!tpu.dma_semaphore, #tpu.memory_space<semaphore_mem>>)
        %dma_wait3A = arith.constant 0 : i32
        %dma_wait3A_53 = tpu.memref_slice %arg7[%mul3A_0, %dma_wait3A] : memref<10240x128xf32, #tpu.memory_space<hbm>> -> memref<640x128xf32, #tpu.memory_space<hbm>>
        %dma_wait3A_54 = arith.constant 0 : i32
        %dma_wait3A_55 = tpu.memref_slice %arg8[%mul3A_0, %dma_wait3A_54] : memref<10240x128xf32, #tpu.memory_space<vmem_shared>> -> memref<640x128xf32, #tpu.memory_space<vmem_shared>>
        tpu.wait_dma2 semaphore(%run_scoped3A : memref<!tpu.dma_semaphore, #tpu.memory_space<semaphore_mem>>) src(%dma_wait3A_55 : memref<640x128xf32, #tpu.memory_space<vmem_shared>>) dst(%dma_wait3A_53 : memref<640x128xf32, #tpu.memory_space<hbm>>)
        tpu.yield
      }) : () -> ()
    } else {
    }
    return
  }
}

module attributes {stable_mosaic.version = 14 : i64} {
  func.func @_mmprep_body(%arg0: i32, %arg1: memref<2000x256xf32, #tpu.memory_space<vmem>>, %arg2: memref<256x256xf32, #tpu.memory_space<vmem>>, %arg3: memref<2000x1xf32, #tpu.memory_space<vmem>>, %arg4: memref<2000x1xf32, #tpu.memory_space<vmem>>, %arg5: memref<2000x128xf32, #tpu.memory_space<vmem>>, %arg6: memref<2000x128xf32, #tpu.memory_space<vmem>>, %arg7: memref<2000x1xf32, #tpu.memory_space<vmem>>) attributes {dimension_semantics = [#tpu.dimension_semantics<arbitrary>], iteration_bounds = array<i64: 5>, scalar_prefetch = 0 : i64, scratch_operands = 0 : i64, tpu.core_type = #tpu.core_type<tc>, window_params = [{transform_indices = @transform_0, window_bounds = array<i64: 2000, 256>}, {pipeline_mode = #tpu.pipeline_mode<synchronous>, transform_indices = @transform_1, window_bounds = array<i64: 256, 256>}, {transform_indices = @transform_2, window_bounds = array<i64: 2000, 1>}, {transform_indices = @transform_3, window_bounds = array<i64: 2000, 1>}, {transform_indices = @transform_4, window_bounds = array<i64: 2000, 128>}, {transform_indices = @transform_5, window_bounds = array<i64: 2000, 128>}, {transform_indices = @transform_6, window_bounds = array<i64: 2000, 1>}]} {
    %get3A = arith.constant 0 : index
    %get3A_0 = arith.constant 0 : index
    %get3A_1 = vector.load %arg3[%get3A, %get3A_0] : memref<2000x1xf32, #tpu.memory_space<vmem>>, vector<2000x1xf32>
    %get3A_2 = arith.constant 0 : index
    %get3A_3 = arith.constant 0 : index
    %get3A_4 = vector.load %arg4[%get3A_2, %get3A_3] : memref<2000x1xf32, #tpu.memory_space<vmem>>, vector<2000x1xf32>
    %add3A = arith.addf %get3A_1, %get3A_4 : vector<2000x1xf32>
    %add3A_5 = arith.constant 1.000000e+00 : f32
    %add3A_6 = vector.broadcast %add3A_5 : f32 to vector<2000x1xf32>
    %add3A_7 = arith.addf %add3A, %add3A_6 : vector<2000x1xf32>
    %rsqrt3A = math.rsqrt %add3A_7 : vector<2000x1xf32>
    %get3A_8 = arith.constant 0 : index
    %get3A_9 = arith.constant 0 : index
    %get3A_10 = vector.load %arg1[%get3A_8, %get3A_9] : memref<2000x256xf32, #tpu.memory_space<vmem>>, vector<2000x256xf32>
    %get3A_11 = arith.constant 0 : index
    %get3A_12 = arith.constant 0 : index
    %get3A_13 = vector.load %arg2[%get3A_11, %get3A_12] : memref<256x256xf32, #tpu.memory_space<vmem>>, vector<256x256xf32>
    %convert_element_type3A = arith.truncf %get3A_10 : vector<2000x256xf32> to vector<2000x256xbf16>
    %convert_element_type3A_14 = arith.extf %convert_element_type3A : vector<2000x256xbf16> to vector<2000x256xf32>
    %sub3A = arith.subf %get3A_10, %convert_element_type3A_14 : vector<2000x256xf32>
    %convert_element_type3A_15 = arith.truncf %sub3A : vector<2000x256xf32> to vector<2000x256xbf16>
    %convert_element_type3A_16 = arith.truncf %get3A_13 : vector<256x256xf32> to vector<256x256xbf16>
    %convert_element_type3A_17 = arith.extf %convert_element_type3A_16 : vector<256x256xbf16> to vector<256x256xf32>
    %sub3A_18 = arith.subf %get3A_13, %convert_element_type3A_17 : vector<256x256xf32>
    %convert_element_type3A_19 = arith.truncf %sub3A_18 : vector<256x256xf32> to vector<256x256xbf16>
    %dot_general3A = arith.constant dense<0.000000e+00> : vector<2000x256xf32>
    %dot_general3A_20 = tpu.matmul %convert_element_type3A, %convert_element_type3A_16, %dot_general3A {dimension_numbers = #tpu.dot_dimension_numbers<[1], [0], [0], [1], [0, 0, 1, 1], [], []>, transpose_lhs_hint = false} : vector<2000x256xbf16>, vector<256x256xbf16>, vector<2000x256xf32> -> vector<2000x256xf32>
    %dot_general3A_21 = arith.constant dense<0.000000e+00> : vector<2000x256xf32>
    %dot_general3A_22 = tpu.matmul %convert_element_type3A, %convert_element_type3A_19, %dot_general3A_21 {dimension_numbers = #tpu.dot_dimension_numbers<[1], [0], [0], [1], [0, 0, 1, 1], [], []>, transpose_lhs_hint = false} : vector<2000x256xbf16>, vector<256x256xbf16>, vector<2000x256xf32> -> vector<2000x256xf32>
    %add3A_23 = arith.addf %dot_general3A_20, %dot_general3A_22 : vector<2000x256xf32>
    %dot_general3A_24 = arith.constant dense<0.000000e+00> : vector<2000x256xf32>
    %dot_general3A_25 = tpu.matmul %convert_element_type3A_15, %convert_element_type3A_16, %dot_general3A_24 {dimension_numbers = #tpu.dot_dimension_numbers<[1], [0], [0], [1], [0, 0, 1, 1], [], []>, transpose_lhs_hint = false} : vector<2000x256xbf16>, vector<256x256xbf16>, vector<2000x256xf32> -> vector<2000x256xf32>
    %add3A_26 = arith.addf %add3A_23, %dot_general3A_25 : vector<2000x256xf32>
    %mul3A = vector.broadcast %rsqrt3A : vector<2000x1xf32> to vector<2000x256xf32>
    %mul3A_27 = arith.mulf %add3A_26, %mul3A : vector<2000x256xf32>
    %slice3A = vector.extract_strided_slice %mul3A_27 {offsets = [0, 0], sizes = [2000, 128], strides = [1, 1]} : vector<2000x256xf32> to vector<2000x128xf32>
    %swap3A = arith.constant 0 : index
    %swap3A_28 = arith.constant 0 : index
    %swap3A_29 = vector.load %arg5[%swap3A, %swap3A_28] : memref<2000x128xf32, #tpu.memory_space<vmem>>, vector<2000x128xf32>
    tpu.vector_store %arg5[%swap3A, %swap3A_28], %slice3A {strides = array<i32>} : memref<2000x128xf32, #tpu.memory_space<vmem>>, vector<2000x128xf32>,
    %slice3A_30 = vector.extract_strided_slice %mul3A_27 {offsets = [0, 128], sizes = [2000, 128], strides = [1, 1]} : vector<2000x256xf32> to vector<2000x128xf32>
    %swap3A_31 = arith.constant 0 : index
    %swap3A_32 = arith.constant 0 : index
    %swap3A_33 = vector.load %arg6[%swap3A_31, %swap3A_32] : memref<2000x128xf32, #tpu.memory_space<vmem>>, vector<2000x128xf32>
    tpu.vector_store %arg6[%swap3A_31, %swap3A_32], %slice3A_30 {strides = array<i32>} : memref<2000x128xf32, #tpu.memory_space<vmem>>, vector<2000x128xf32>,
    %swap3A_34 = arith.constant 0 : index
    %swap3A_35 = arith.constant 0 : index
    %swap3A_36 = vector.load %arg7[%swap3A_34, %swap3A_35] : memref<2000x1xf32, #tpu.memory_space<vmem>>, vector<2000x1xf32>
    tpu.vector_store %arg7[%swap3A_34, %swap3A_35], %rsqrt3A {strides = array<i32>} : memref<2000x1xf32, #tpu.memory_space<vmem>>, vector<2000x1xf32>,
    return
  }
  func.func @transform_0(%arg0: i32) -> (i32, i32) {
    %c0_i32 = arith.constant 0 : i32
    %c0_i32_0 = arith.constant 0 : i32
    return %arg0, %c0_i32 : i32, i32
  }
  func.func @transform_1(%arg0: i32) -> (i32, i32) {
    %c0_i32 = arith.constant 0 : i32
    %c0_i32_0 = arith.constant 0 : i32
    %c0_i32_1 = arith.constant 0 : i32
    return %c0_i32, %c0_i32_0 : i32, i32
  }
  func.func @transform_2(%arg0: i32) -> (i32, i32) {
    %c0_i32 = arith.constant 0 : i32
    %c0_i32_0 = arith.constant 0 : i32
    return %arg0, %c0_i32 : i32, i32
  }
  func.func @transform_3(%arg0: i32) -> (i32, i32) {
    %c0_i32 = arith.constant 0 : i32
    %c0_i32_0 = arith.constant 0 : i32
    return %arg0, %c0_i32 : i32, i32
  }
  func.func @transform_4(%arg0: i32) -> (i32, i32) {
    %c0_i32 = arith.constant 0 : i32
    %c0_i32_0 = arith.constant 0 : i32
    return %arg0, %c0_i32 : i32, i32
  }
  func.func @transform_5(%arg0: i32) -> (i32, i32) {
    %c0_i32 = arith.constant 0 : i32
    %c0_i32_0 = arith.constant 0 : i32
    return %arg0, %c0_i32 : i32, i32
  }
  func.func @transform_6(%arg0: i32) -> (i32, i32) {
    %c0_i32 = arith.constant 0 : i32
    %c0_i32_0 = arith.constant 0 : i32
    return %arg0, %c0_i32 : i32, i32
  }
}

module attributes {stable_mosaic.version = 14 : i64} {
  func.func @_mid_body(%arg0: i32, %arg1: memref<2000x128xf32, #tpu.memory_space<vmem>>, %arg2: memref<2000x128xf32, #tpu.memory_space<vmem>>, %arg3: memref<2000x1xf32, #tpu.memory_space<vmem>>, %arg4: memref<1x256xf32, #tpu.memory_space<vmem>>, %arg5: memref<256x256xf32, #tpu.memory_space<vmem>>, %arg6: memref<2000x128xf32, #tpu.memory_space<vmem>>, %arg7: memref<2000x128xf32, #tpu.memory_space<vmem>>) attributes {dimension_semantics = [#tpu.dimension_semantics<arbitrary>], iteration_bounds = array<i64: 5>, scalar_prefetch = 0 : i64, scratch_operands = 0 : i64, tpu.core_type = #tpu.core_type<tc>, window_params = [{transform_indices = @transform_0, window_bounds = array<i64: 2000, 128>}, {transform_indices = @transform_1, window_bounds = array<i64: 2000, 128>}, {transform_indices = @transform_2, window_bounds = array<i64: 2000, 1>}, {pipeline_mode = #tpu.pipeline_mode<synchronous>, transform_indices = @transform_3, window_bounds = array<i64: 1, 256>}, {pipeline_mode = #tpu.pipeline_mode<synchronous>, transform_indices = @transform_4, window_bounds = array<i64: 256, 256>}, {transform_indices = @transform_5, window_bounds = array<i64: 2000, 128>}, {transform_indices = @transform_6, window_bounds = array<i64: 2000, 128>}]} {
    %get3A = arith.constant 0 : index
    %get3A_0 = arith.constant 0 : index
    %get3A_1 = vector.load %arg1[%get3A, %get3A_0] : memref<2000x128xf32, #tpu.memory_space<vmem>>, vector<2000x128xf32>
    %get3A_2 = arith.constant 0 : index
    %get3A_3 = arith.constant 0 : index
    %get3A_4 = vector.load %arg2[%get3A_2, %get3A_3] : memref<2000x128xf32, #tpu.memory_space<vmem>>, vector<2000x128xf32>
    %concatenate3A = tpu.concatenate %get3A_1, %get3A_4 in 1 : vector<2000x128xf32>, vector<2000x128xf32> -> vector<2000x256xf32>
    %get3A_5 = arith.constant 0 : index
    %get3A_6 = arith.constant 0 : index
    %get3A_7 = vector.load %arg3[%get3A_5, %get3A_6] : memref<2000x1xf32, #tpu.memory_space<vmem>>, vector<2000x1xf32>
    %mul3A = vector.broadcast %get3A_7 : vector<2000x1xf32> to vector<2000x256xf32>
    %mul3A_8 = arith.mulf %concatenate3A, %mul3A : vector<2000x256xf32>
    %get3A_9 = arith.constant 0 : index
    %get3A_10 = arith.constant 0 : index
    %get3A_11 = vector.load %arg4[%get3A_9, %get3A_10] : memref<1x256xf32, #tpu.memory_space<vmem>>, vector<1x256xf32>
    %add3A = vector.broadcast %get3A_11 : vector<1x256xf32> to vector<2000x256xf32>
    %add3A_12 = arith.addf %mul3A_8, %add3A : vector<2000x256xf32>
    %max3A = arith.constant 0.000000e+00 : f32
    %max3A_13 = vector.broadcast %max3A : f32 to vector<2000x256xf32>
    %max3A_14 = arith.maximumf %add3A_12, %max3A_13 : vector<2000x256xf32>
    %get3A_15 = arith.constant 0 : index
    %get3A_16 = arith.constant 0 : index
    %get3A_17 = vector.load %arg5[%get3A_15, %get3A_16] : memref<256x256xf32, #tpu.memory_space<vmem>>, vector<256x256xf32>
    %convert_element_type3A = arith.truncf %max3A_14 : vector<2000x256xf32> to vector<2000x256xbf16>
    %convert_element_type3A_18 = arith.extf %convert_element_type3A : vector<2000x256xbf16> to vector<2000x256xf32>
    %sub3A = arith.subf %max3A_14, %convert_element_type3A_18 : vector<2000x256xf32>
    %convert_element_type3A_19 = arith.truncf %sub3A : vector<2000x256xf32> to vector<2000x256xbf16>
    %convert_element_type3A_20 = arith.truncf %get3A_17 : vector<256x256xf32> to vector<256x256xbf16>
    %convert_element_type3A_21 = arith.extf %convert_element_type3A_20 : vector<256x256xbf16> to vector<256x256xf32>
    %sub3A_22 = arith.subf %get3A_17, %convert_element_type3A_21 : vector<256x256xf32>
    %convert_element_type3A_23 = arith.truncf %sub3A_22 : vector<256x256xf32> to vector<256x256xbf16>
    %dot_general3A = arith.constant dense<0.000000e+00> : vector<2000x256xf32>
    %dot_general3A_24 = tpu.matmul %convert_element_type3A, %convert_element_type3A_20, %dot_general3A {dimension_numbers = #tpu.dot_dimension_numbers<[1], [0], [0], [1], [0, 0, 1, 1], [], []>, transpose_lhs_hint = false} : vector<2000x256xbf16>, vector<256x256xbf16>, vector<2000x256xf32> -> vector<2000x256xf32>
    %dot_general3A_25 = arith.constant dense<0.000000e+00> : vector<2000x256xf32>
    %dot_general3A_26 = tpu.matmul %convert_element_type3A, %convert_element_type3A_23, %dot_general3A_25 {dimension_numbers = #tpu.dot_dimension_numbers<[1], [0], [0], [1], [0, 0, 1, 1], [], []>, transpose_lhs_hint = false} : vector<2000x256xbf16>, vector<256x256xbf16>, vector<2000x256xf32> -> vector<2000x256xf32>
    %add3A_27 = arith.addf %dot_general3A_24, %dot_general3A_26 : vector<2000x256xf32>
    %dot_general3A_28 = arith.constant dense<0.000000e+00> : vector<2000x256xf32>
    %dot_general3A_29 = tpu.matmul %convert_element_type3A_19, %convert_element_type3A_20, %dot_general3A_28 {dimension_numbers = #tpu.dot_dimension_numbers<[1], [0], [0], [1], [0, 0, 1, 1], [], []>, transpose_lhs_hint = false} : vector<2000x256xbf16>, vector<256x256xbf16>, vector<2000x256xf32> -> vector<2000x256xf32>
    %add3A_30 = arith.addf %add3A_27, %dot_general3A_29 : vector<2000x256xf32>
    %get3A_31 = arith.constant 0 : index
    %get3A_32 = arith.constant 0 : index
    %get3A_33 = vector.load %arg3[%get3A_31, %get3A_32] : memref<2000x1xf32, #tpu.memory_space<vmem>>, vector<2000x1xf32>
    %mul3A_34 = vector.broadcast %get3A_33 : vector<2000x1xf32> to vector<2000x256xf32>
    %mul3A_35 = arith.mulf %add3A_30, %mul3A_34 : vector<2000x256xf32>
    %slice3A = vector.extract_strided_slice %mul3A_35 {offsets = [0, 0], sizes = [2000, 128], strides = [1, 1]} : vector<2000x256xf32> to vector<2000x128xf32>
    %swap3A = arith.constant 0 : index
    %swap3A_36 = arith.constant 0 : index
    %swap3A_37 = vector.load %arg6[%swap3A, %swap3A_36] : memref<2000x128xf32, #tpu.memory_space<vmem>>, vector<2000x128xf32>
    tpu.vector_store %arg6[%swap3A, %swap3A_36], %slice3A {strides = array<i32>} : memref<2000x128xf32, #tpu.memory_space<vmem>>, vector<2000x128xf32>,
    %slice3A_38 = vector.extract_strided_slice %mul3A_35 {offsets = [0, 128], sizes = [2000, 128], strides = [1, 1]} : vector<2000x256xf32> to vector<2000x128xf32>
    %swap3A_39 = arith.constant 0 : index
    %swap3A_40 = arith.constant 0 : index
    %swap3A_41 = vector.load %arg7[%swap3A_39, %swap3A_40] : memref<2000x128xf32, #tpu.memory_space<vmem>>, vector<2000x128xf32>
    tpu.vector_store %arg7[%swap3A_39, %swap3A_40], %slice3A_38 {strides = array<i32>} : memref<2000x128xf32, #tpu.memory_space<vmem>>, vector<2000x128xf32>,
    return
  }
  func.func @transform_0(%arg0: i32) -> (i32, i32) {
    %c0_i32 = arith.constant 0 : i32
    %c0_i32_0 = arith.constant 0 : i32
    return %arg0, %c0_i32 : i32, i32
  }
  func.func @transform_1(%arg0: i32) -> (i32, i32) {
    %c0_i32 = arith.constant 0 : i32
    %c0_i32_0 = arith.constant 0 : i32
    return %arg0, %c0_i32 : i32, i32
  }
  func.func @transform_2(%arg0: i32) -> (i32, i32) {
    %c0_i32 = arith.constant 0 : i32
    %c0_i32_0 = arith.constant 0 : i32
    return %arg0, %c0_i32 : i32, i32
  }
  func.func @transform_3(%arg0: i32) -> (i32, i32) {
    %c0_i32 = arith.constant 0 : i32
    %c0_i32_0 = arith.constant 0 : i32
    %c0_i32_1 = arith.constant 0 : i32
    return %c0_i32, %c0_i32_0 : i32, i32
  }
  func.func @transform_4(%arg0: i32) -> (i32, i32) {
    %c0_i32 = arith.constant 0 : i32
    %c0_i32_0 = arith.constant 0 : i32
    %c0_i32_1 = arith.constant 0 : i32
    return %c0_i32, %c0_i32_0 : i32, i32
  }
  func.func @transform_5(%arg0: i32) -> (i32, i32) {
    %c0_i32 = arith.constant 0 : i32
    %c0_i32_0 = arith.constant 0 : i32
    return %arg0, %c0_i32 : i32, i32
  }
  func.func @transform_6(%arg0: i32) -> (i32, i32) {
    %c0_i32 = arith.constant 0 : i32
    %c0_i32_0 = arith.constant 0 : i32
    return %arg0, %c0_i32 : i32, i32
  }
}

module attributes {stable_mosaic.version = 14 : i64} {
  func.func @_fin_body(%arg0: i32, %arg1: memref<2000x128xf32, #tpu.memory_space<vmem>>, %arg2: memref<2000x128xf32, #tpu.memory_space<vmem>>, %arg3: memref<2000x1xf32, #tpu.memory_space<vmem>>, %arg4: memref<1x256xf32, #tpu.memory_space<vmem>>, %arg5: memref<2000x256xf32, #tpu.memory_space<vmem>>) attributes {dimension_semantics = [#tpu.dimension_semantics<arbitrary>], iteration_bounds = array<i64: 5>, scalar_prefetch = 0 : i64, scratch_operands = 0 : i64, tpu.core_type = #tpu.core_type<tc>, window_params = [{transform_indices = @transform_0, window_bounds = array<i64: 2000, 128>}, {transform_indices = @transform_1, window_bounds = array<i64: 2000, 128>}, {transform_indices = @transform_2, window_bounds = array<i64: 2000, 1>}, {pipeline_mode = #tpu.pipeline_mode<synchronous>, transform_indices = @transform_3, window_bounds = array<i64: 1, 256>}, {transform_indices = @transform_4, window_bounds = array<i64: 2000, 256>}]} {
    %get3A = arith.constant 0 : index
    %get3A_0 = arith.constant 0 : index
    %get3A_1 = vector.load %arg1[%get3A, %get3A_0] : memref<2000x128xf32, #tpu.memory_space<vmem>>, vector<2000x128xf32>
    %get3A_2 = arith.constant 0 : index
    %get3A_3 = arith.constant 0 : index
    %get3A_4 = vector.load %arg2[%get3A_2, %get3A_3] : memref<2000x128xf32, #tpu.memory_space<vmem>>, vector<2000x128xf32>
    %concatenate3A = tpu.concatenate %get3A_1, %get3A_4 in 1 : vector<2000x128xf32>, vector<2000x128xf32> -> vector<2000x256xf32>
    %get3A_5 = arith.constant 0 : index
    %get3A_6 = arith.constant 0 : index
    %get3A_7 = vector.load %arg3[%get3A_5, %get3A_6] : memref<2000x1xf32, #tpu.memory_space<vmem>>, vector<2000x1xf32>
    %mul3A = vector.broadcast %get3A_7 : vector<2000x1xf32> to vector<2000x256xf32>
    %mul3A_8 = arith.mulf %concatenate3A, %mul3A : vector<2000x256xf32>
    %get3A_9 = arith.constant 0 : index
    %get3A_10 = arith.constant 0 : index
    %get3A_11 = vector.load %arg4[%get3A_9, %get3A_10] : memref<1x256xf32, #tpu.memory_space<vmem>>, vector<1x256xf32>
    %add3A = vector.broadcast %get3A_11 : vector<1x256xf32> to vector<2000x256xf32>
    %add3A_12 = arith.addf %mul3A_8, %add3A : vector<2000x256xf32>
    %swap3A = arith.constant 0 : index
    %swap3A_13 = arith.constant 0 : index
    %swap3A_14 = vector.load %arg5[%swap3A, %swap3A_13] : memref<2000x256xf32, #tpu.memory_space<vmem>>, vector<2000x256xf32>
    tpu.vector_store %arg5[%swap3A, %swap3A_13], %add3A_12 {strides = array<i32>} : memref<2000x256xf32, #tpu.memory_space<vmem>>, vector<2000x256xf32>,
    return
  }
  func.func @transform_0(%arg0: i32) -> (i32, i32) {
    %c0_i32 = arith.constant 0 : i32
    %c0_i32_0 = arith.constant 0 : i32
    return %arg0, %c0_i32 : i32, i32
  }
  func.func @transform_1(%arg0: i32) -> (i32, i32) {
    %c0_i32 = arith.constant 0 : i32
    %c0_i32_0 = arith.constant 0 : i32
    return %arg0, %c0_i32 : i32, i32
  }
  func.func @transform_2(%arg0: i32) -> (i32, i32) {
    %c0_i32 = arith.constant 0 : i32
    %c0_i32_0 = arith.constant 0 : i32
    return %arg0, %c0_i32 : i32, i32
  }
  func.func @transform_3(%arg0: i32) -> (i32, i32) {
    %c0_i32 = arith.constant 0 : i32
    %c0_i32_0 = arith.constant 0 : i32
    %c0_i32_1 = arith.constant 0 : i32
    return %c0_i32, %c0_i32_0 : i32, i32
  }
  func.func @transform_4(%arg0: i32) -> (i32, i32) {
    %c0_i32 = arith.constant 0 : i32
    %c0_i32_0 = arith.constant 0 : i32
    return %arg0, %c0_i32 : i32, i32
  }
}

</mosaic_0001>

<sc_bundles>
// kernel: kernel.11.cloned.1.call-start
scs
__scs_entry_jumppad:
0x0: {  	(pc) =	sbr.rel $0x88, $3  }
0x1: {  	(tag) =	ssettag $0x0;
	lr =	simm.s32 $0x1  }
0x2: {  	[smem:$0x3F9A] =	sst lr;
	_ =	strace $0xD0000000  }
0x3: {  	_ = 	snop  }
0x4: {  	_ = 	snop  }
0x5: {  	_ = 	snop  }
0x6: {  	_ = 	snop  }
0x7: {  	_ = 	snop  }
__scs_overlays_trampoline_lowered:
0x8: {  	[smem:$0x3FA9] =	sst s0  }
0x9: {  	[smem:$0x3FAA] =	sst s1  }
0xa: {  	[smem:$0x3FAB] =	sst s2  }
0xb: {  	[smem:$0x3FAC] =	sst s3  }
0xc: {  	[smem:$0x3FAD] =	sst s4  }
0xd: {  	[smem:$0x3FAE] =	sst s5  }
0xe: {  	[smem:$0x3FAF] =	sst s6  }
0xf: {  	[smem:$0x3FB0] =	sst s7  }
0x10: {  	[smem:$0x3FB1] =	sst s8  }
0x11: {  	[smem:$0x3FB2] =	sst s9;
	s0 =	simm.s32 @!p0 $0x0  }
0x12: {  	s1 =	sld [smem:$0x3F98];
	s0 =	simm.s32 @p0 $0x1  }
0x13: {  	[smem:$0x3FB3] =	sst s0;
	s0 =	simm.s32 @!p1 $0x0  }
0x14: {  	s2 =	sld [smem:$0x3F97];
	s0 =	simm.s32 @p1 $0x1  }
0x15: {  	[smem:$0x3FB4] =	sst s0;
	s0 =	simm.s32 @!p2 $0x0  }
0x16: {  	s3 =	sld [smem:$0x3FDB];
	s0 =	simm.s32 @p2 $0x1  }
0x17: {  	s4 =	simm.s32 $0x1BF5;
	[smem:$0x3FB6] =	sst s0  }
0x18: {  	s0 =	sld [smem:$0x3F99];
	_ =	swait.ge [sflag:s4], $0x0  }
0x19: {  	s7 =	sld [smem:$0x3F9A]  }
0x1a: {  	s8 =	sadd.s32 $0xFFFFE003, lr  }
0x1b: {  	s9 =	sadd.s32 $0xFFFFFEF7, lr;
	s5 =	simm.s32 $0xFFFFFFFF;
	p2 =	slt.u32 s8, $0xFFFFF086  }
0x1c: {  	p1 =	slt.u32 s9, $0xF7A;
	s5 =	simm.s32 @!p2 $0x0  }
0x1d: {  	s5 =	simm.s32 @p1 $0x1;
	p0 =	seq.s32 s7, s2  }
0x1e: {  	s7 =	smul.u32 @!p0 $0xF7A, s2;
	p2 =	seq.s32 @!p0 s5, $0x0  }
0x1f: {  	s9 =	smul.u32 $0xF7A, s1;
	s8 =	simm.s32 @!p0 $0x1BF5;
	p2 =	por !p2, p0  }
0x20: {  	[sflag:s8] =	ssyncset.s32 @!p0 $0xFFFFF086;
	s6 =	sadd.s32 @!p0 s3, s7;
	s7 =	simm.s32 @!p0 $0x108  }
0x21: {  	s3 =	sadd.s32 s3, s9;
	s6 =	sadd.s32 @!p0 $0x88, s6;
	s7 =	simm.s32 @p2 $0x1082  }
0x22: {  	[simem:s7], [sflag:s8] =	dma.local @!p0 [hbm:s6], $0xF7A  }
0x23: {  	s9 =	sor.u32 $0xD0000000, s2;
	s6 =	simm.s32 $0x108;
	_ =	swait.ge @!p0 [sflag:s8], $0x0  }
0x24: {  	s3 =	sadd.s32 $0x88, s3;
	s6 =	simm.s32 @!p1 $0x1082;
	[sflag:s4] =	ssyncset.s32 $0xFFFFF086  }
0x25: {  	[simem:s6], [sflag:s4] =	dma.local [hbm:s3], $0xF7A  }
0x26: {  	[smem:$0x3F9A] =	sst s1;
	(tag) =	ssettag s2;
	_ =	strace s9  }
0x27: {  	s1 =	sld [smem:$0x3FAA]  }
0x28: {  	s2 =	sld [smem:$0x3FAB]  }
0x29: {  	s4 =	sld [smem:$0x3FAD]  }
0x2a: {  	p0 =	seq.s32 s5, $0x0;
	s5 =	sld [smem:$0x3FAE]  }
0x2b: {  	s6 =	sld [smem:$0x3FAF]  }
0x2c: {  	s7 =	sld [smem:$0x3FB0]  }
0x2d: {  	s3 =	simm.s32 $0x108;
	s8 =	sld [smem:$0x3FB1]  }
0x2e: {  	s3 =	simm.s32 @!p0 $0x1082;
	s9 =	sld [smem:$0x3FB2]  }
0x2f: {  	lr =	sadd.s32 s0, s3;
	s0 =	sld [smem:$0x3FA9]  }
0x30: {  	s3 =	sld [smem:$0x3FAC]  }
0x31: {  	[smem:$0x3FB5] =	sst s10  }
0x32: {  	s10 =	sld [smem:$0x3FB3];
	_ =	sdelay $0x3  }
0x33: {  	p0 =	seq.s32 s10, $0x1;
	s10 =	sld [smem:$0x3FB5];
	_ =	sdelay $0x3  }
0x34: {  	[smem:$0x3FB5] =	sst s10  }
0x35: {  	s10 =	sld [smem:$0x3FB4];
	_ =	sdelay $0x3  }
0x36: {  	p1 =	seq.s32 s10, $0x1;
	s10 =	sld [smem:$0x3FB5];
	_ =	sdelay $0x3  }
0x37: {  	[smem:$0x3FB5] =	sst s10  }
0x38: {  	s10 =	sld [smem:$0x3FB6]  }
0x39: {  	_ = 	snop;
	(pc) =	sbr.ind lr, $3  }
0x3a: {  	_ = 	snop  }
0x3b: {  	_ = 	snop  }
0x3c: {  	p2 =	seq.s32 s10, $0x1;
	s10 =	sld [smem:$0x3FB5]  }
0x3d: {  	_ =	shalt  }
0x3e: {  	_ =	shalt  }
0x3f: {  	_ =	shalt  }
0x40: {  	_ =	shalt  }
0x41: {  	_ =	shalt  }
0x42: {  	_ =	shalt  }
0x43: {  	_ =	shalt  }
0x44: {  	_ =	shalt  }
0x45: {  	_ =	shalt  }
0x46: {  	_ =	shalt  }
0x47: {  	_ =	shalt  }
0x48: {  	_ =	shalt  }
0x49: {  	_ =	shalt  }
0x4a: {  	_ =	shalt  }
0x4b: {  	_ =	shalt  }
0x4c: {  	_ =	shalt  }
0x4d: {  	_ =	shalt  }
0x4e: {  	_ =	shalt  }
0x4f: {  	_ =	shalt  }
0x50: {  	_ =	shalt  }
0x51: {  	_ =	shalt  }
0x52: {  	_ =	shalt  }
0x53: {  	_ =	shalt  }
0x54: {  	_ =	shalt  }
0x55: {  	_ =	shalt  }
0x56: {  	_ =	shalt  }
0x57: {  	_ =	shalt  }
0x58: {  	_ =	shalt  }
0x59: {  	_ =	shalt  }
0x5a: {  	_ =	shalt  }
0x5b: {  	_ =	shalt  }
0x5c: {  	_ =	shalt  }
0x5d: {  	_ =	shalt  }
0x5e: {  	_ =	shalt  }
0x5f: {  	_ =	shalt  }
0x60: {  	_ =	shalt  }
0x61: {  	_ =	shalt  }
0x62: {  	_ =	shalt  }
0x63: {  	_ =	shalt  }
0x64: {  	_ =	shalt  }
0x65: {  	_ =	shalt  }
0x66: {  	_ =	shalt  }
0x67: {  	_ =	shalt  }
0x68: {  	_ =	shalt  }
0x69: {  	_ =	shalt  }
0x6a: {  	_ =	shalt  }
0x6b: {  	_ =	shalt  }
0x6c: {  	_ =	shalt  }
0x6d: {  	_ =	shalt  }
0x6e: {  	_ =	shalt  }
0x6f: {  	_ =	shalt  }
0x70: {  	_ =	shalt  }
0x71: {  	_ =	shalt  }
0x72: {  	_ =	shalt  }
0x73: {  	_ =	shalt  }
0x74: {  	_ =	shalt  }
0x75: {  	_ =	shalt  }
0x76: {  	_ =	shalt  }
0x77: {  	_ =	shalt  }
0x78: {  	_ =	shalt  }
0x79: {  	_ =	shalt  }
0x7a: {  	_ =	shalt  }
0x7b: {  	_ =	shalt  }
0x7c: {  	_ =	shalt  }
0x7d: {  	_ =	shalt  }
0x7e: {  	_ =	shalt  }
0x7f: {  	_ =	shalt  }
0x80: {  	_ =	shalt  }
0x81: {  	_ =	shalt  }
0x82: {  	_ =	shalt  }
0x83: {  	_ =	shalt  }
0x84: {  	_ =	shalt  }
0x85: {  	_ =	shalt  }
0x86: {  	_ =	shalt  }
0x87: {  	_ =	shalt  }
.Lfunc_end0:
.L_simem_size_0:
called_computation.1_lowered:
.L_overlay_start_0:
0x88: {  	s2 =	sld [smem:$0x3FD9]  }
0x89: {  	s3 =	sld [smem:$0x3FFE];
	_ =	sdelay $0x1  }
0x8a: {  	s1 =	srdreg.scid  }
0x8b: {  	s0 =	sand.u32 $0x1, s1  }
0x8c: {  	s17 =	sshll.u32 s0, $0xA;
	s2 =	sadd.s32 s3, s2  }
0x8d: {  	s2 =	sadd.s32 s2, s17  }
0x8e: {  	[smem:$0x3FC1] =	sst s2  }
0x8f: {  	_ = 	snop  }
0x90: {  	s2 =	sld [smem:$0x3FD0];
	(tm) =	ssettm $0x1  }
0x91: {  	s18 =	sld [smem:$0x3FFB];
	_ =	sdelay $0x3  }
0x92: {  	_ =	strace s18  }
0x93: {  	s3 =	sld [smem:$0x3FFC];
	_ =	sdelay $0x3  }
0x94: {  	_ =	strace s3  }
0x95: {  	s3 =	sld [smem:$0x3FFD];
	_ =	sdelay $0x3  }
0x96: {  	_ =	strace s3  }
0x97: {  	_ =	strace $0x8FFFFFFF  }
0x98: {  	s19 =	sld [smem:$0x3FDB];
	_ =	sdelay $0x1  }
0x99: {  	s4 =	simm.s32 $_scs_section_size  }
0x9a: {  	s5 =	simm.s32 $_size__tile_overlayer_lowered;
	s6 =	simm.s32 $_tile_overlayer_lowered  }
0x9b: {  	s22 =	simm.s32 $0x1BFF;
	s21 =	sshll.u32 s6, $0x1;
	s3 =	sadd.s32 s4, s19  }
0x9c: {  	s7 =	simm.s32 $0x0;
	s20 =	sshll.u32 s5, $0x1;
	s5 =	sadd.s32 s21, s3  }
0x9d: {  	[timem:s7], [sflag:s22] =	dma.local [hbm:s5], s20  }
0x9e: {  	_ =	swait.ge [sflag:s22], s20  }
0x9f: {  	s4 =	ssub.s32 $0x0, s20;
	[sflag:s22] =	ssyncset.done $0x0  }
0xa0: {  	[sflag:s22] =	ssyncadd.s32 s4;
	_ =	sdelay $0x1  }
0xa1: {  	s23 =	simm.s32 $0x1B8B  }
0xa2: {  	_ =	swait.ge [sflag:s23], $0x1  }
0xa3: {  	[sflag:s23] =	ssyncset.done $0x0  }
0xa4: {  	s25 =	simm.s32 $0x1B8E;
	s24 =	sld [smem:$0x3FFE];
	[sflag:s23] =	ssyncadd.s32 $0xFFFFFFFF  }
0xa5: {  	s26 =	simm.s32 $execute0_lowered;
	[smem:$0x3FD2] =	sst s25  }
0xa6: {  	s5 =	sshll.u32 s26, $0x1;
	_ =	strace $0x80000049;
	[dreg:$0x1] =	wrdreg $0xFFFFFFFF  }
0xa7: {  	s28 =	simm.s32 $_size_execute0_lowered;
	s3 =	sadd.s32 s3, s5;
	[dreg:$0x0] =	wrdreg $0x0  }
0xa8: {  	s5 =	sshll.u32 s28, $0x1;
	[dreg:$0x2] =	wrdreg s3  }
0xa9: {  	[dreg:$0x3] =	wrdreg s5  }
0xaa: {  	[dreg:$0x4] =	wrdreg $0xC0  }
0xab: {  	_ =	task [dreg:s7], $0x5FFFF  }
0xac: {  	[dreg:$0x1] =	wrdreg $0xFFFFFFFF  }
0xad: {  	[dreg:$0x0] =	wrdreg $0x60  }
0xae: {  	[dreg:$0x2] =	wrdreg s2  }
0xaf: {  	[dreg:$0x3] =	wrdreg s24  }
0xb0: {  	[dreg:$0x4] =	wrdreg $0x0  }
0xb1: {  	[dreg:$0x5] =	wrdreg $0x9  }
0xb2: {  	_ =	task.clear_ibuf [dreg:s7], $0x6FFFF;
	_ =	strace $0x90000049  }
0xb3: {  	s29 =	simm.s32 $0x9;
	_ =	strace $0x8000004B  }
0xb4: {  	_ =	swait.ge [sflag:s29], $0x1  }
0xb5: {  	[sflag:s29] =	ssyncadd.s32 $0xFFFFFFFF  }
0xb6: {  	_ =	strace $0x9000004B  }
0xb7: {  	_ =	sfence  }
0xb8: {  	s30 =	sld [smem:$0x0];
	_ =	sdelay $0x2  }
0xb9: {  	s31 =	sshll.u32 s1, $0xD;
	s1 =	sshrl.u32 s1, $0x2  }
0xba: {  	s3 =	sand.u32 $0x4000, s31;
	s1 =	sadd.s32 s1, s30  }
0xbb: {  	s0 =	sor.u32 s3, s0;
	s1 =	sshll.u32 s1, $0x11  }
0xbc: {  	s0 =	sor.u32 s1, s0  }
0xbd: {  	s0 =	sadd.s32 $0x8F2B, s0  }
0xbe: {  	[sflag:s0] =	ssyncadd.remote.s32 $0x1  }
0xbf: {  	_ =	sfence.sel $0xFFFF  }
0xc0: {  	[dreg:$0x0] =	wrdreg $0xFFFFFFFF;
	(pc) =	sbr.abs _section_cstart, $3  }
0xc1: {  	[dreg:$0x1] =	wrdreg $0xFFFFFFFF  }
0xc2: {  	_ =	task.clear_ibuf [dreg:s7], $0x2FFFF;
	_ =	strace $0x9FFFFFFF  }
0xc3: {  	(tm) =	ssettm $0x7FFFFFFF  }
tec
execute0_lowered:
.L_overlay_start_1:
0x0: {  	(tag) =	ssettag $0x1  }
0x1: {  	s1 =	rddreg [dreg:$0x0]  }
0x2: {  	s0 =	rddreg [dreg:$0x1]  }
0x3: {  	s2 =	rddreg [dreg:$0x2]  }
0x4: {  	s3 =	simm.s32 $0x0;
	s4 =	srdreg.scid;
	s12 =	stileid.u32  }
0x5: {  	s19 =	simm.s32 $0x5;
	s20 =	simm.s32 $0x14000;
	s28 =	simm.s32 $0x14080  }
0x6: {  	s29 =	simm.s32 $0x18400;
	s30 =	simm.s32 $0x3;
	s31 =	simm.s32 $0x2  }
0x7: {  	[smem:$0x7FF] =	sst s3;
	s5 =	sadd.s32 $0xE200, s0;
	s6 =	sadd.s32 $0x9200, s0  }
0x8: {  	s7 =	sadd.s32 $0x4200, s0;
	s4 =	sand.u32 $0x1, s4;
	s9 =	smul.u32 $0x50000, s12  }
0x9: {  	s8 =	sadd.s32 $0x5E200, s0;
	s0 =	sadd.s32 $0x86200, s0;
	s11 =	smul.u32 $0x500, s12  }
0xa: {  	s10 =	smul.u32 $0x2800, s12;
	_ =	strace $0x8000004A;
	[dreg:$0x4] =	wrdreg s8  }
0xb: {  	s26 =	sshll.u32 s12, $0x6;
	s21 =	ssub.s32 $0x2, s4;
	[dreg:$0x5] =	wrdreg s0  }
0xc: {  	p0 =	seq.s32 s4, $0x0;
	s17 =	sor.u32 $0x1C05, s26;
	s26 =	simm.s32 $0x14400  }
0xd: {  	s22 =	sshrl.u32 s21, $0x1;
	s23 =	sshrl.u32 s9, $0x2;
	s13 =	sadd.s32 s6, s11  }
0xe: {  	s24 =	sor.u32 $0x20, s11;
	s11 =	sadd.s32 s7, s11;
	[dreg:$0x6] =	wrdreg s13  }
0xf: {  	s0 =	ssub.s32 s21, s22;
	s8 =	sadd.s32 s23, s2;
	[dreg:$0x7] =	wrdreg s11  }
0x10: {  	s25 =	sadd.s32 s6, s24;
	s11 =	smov.u32 s5;
	s9 =	sadd.s32 s7, s24  }
0x11: {  	s21 =	simm.s32 $0x14100;
	s22 =	simm.s32 $0x14200;
	s23 =	simm.s32 $0x14300  }
.Ltmp0:
0x12: {  	s24 =	simm.s32 $0x1;
	[dreg:$0x8] =	wrdreg s25;
	(pc) =	sbr.rel .LBB2_1-.Ltmp0, $4  }
0x13: {  	[dreg:$0x9] =	wrdreg s9;
	s11 =	smov.u32 @p0 s1;
	s0 =	smax.u32 s0, $0x1  }
0x14: {  	p0 =	sne.s32 s4, $0x0;
	s18 =	sshrl.u32 s8, $0x3;
	s25 =	simm.s32 $0x80  }
0x15: {  	s4 =	simm.s32 $0x14180;
	s8 =	simm.s32 $0x14380;
	s9 =	simm.s32 $0x0  }
0x16: {  	[dreg:$0xa] =	wrdreg s0;
	s16 =	sadd.s32 s11, s10;
	s0 =	simm.s32 $0x4  }
.LBB2_8:
0x17: {  	s11 =	rddreg [dreg:$0x5]  }
.LBB2_9:
0x18: {  	s11 =	sadd.s32 s11, s10;
	[bflag:$0x0] =	sbarrier.arrive $0xFFFF  }
0x19: {  	[hbm:s11], [sflag:s17] =	dma.local [spmem:s18], $0x2800  }
0x1a: {  	_ =	swait.ge [sflag:s19], $0x2800  }
0x1b: {  	s9 =	sadd.s32 $0x1, s9;
	s15 =	rddreg [dreg:$0xa]  }
0x1c: {  	p1 =	sne.s32 s9, s15  }
.Ltmp1:
0x1d: {  	_ = 	snop;
	(pc) =	sbr.rel @!p1 .LBB2_10-.Ltmp1, $3  }
0x1e: {  	_ =	sdelay $0x1  }
0x1f: {  	[sflag:s19] =	ssyncset.done $0x0  }
0x20: {  	[sflag:s19] =	ssyncadd.s32 $0xFFFFD800  }
.LBB2_1:
0x21: {  	[spmem:s18], [sflag:s17] =	dma.local [hbm:s16], $0x2800  }
0x22: {  	_ =	swait.ge [sflag:s19], $0x2800  }
0x23: {  	[sflag:s19] =	ssyncset.done $0x0  }
0x24: {  	s11 =	rddreg [dreg:$0x6];
	[sflag:s19] =	ssyncadd.s32 $0xFFFFD800  }
0x25: {  	[tilespmem:s20], [sflag:$0x1] =	stream.linear.gather [hbm4b:s11+s3], $0x100, $0x38;
	[tilespmem:$0x1C400] =	vst v63  }
0x26: {  	s13 =	rddreg [dreg:$0x7]  }
0x27: {  	[tilespmem:s21], [sflag:$0x1] =	stream.linear.gather [hbm4b:s13+s3], $0x100, $0x38;
	[tilespmem:$0x1C400] =	vst v63  }
0x28: {  	s14 =	rddreg [dreg:$0x8]  }
0x29: {  	[tilespmem:s22], [sflag:$0x2] =	stream.linear.gather [hbm4b:s14+s3], $0x100, $0x38;
	[tilespmem:$0x1C400] =	vst v63  }
0x2a: {  	s15 =	rddreg [dreg:$0x9]  }
0x2b: {  	[tilespmem:s23], [sflag:$0x2] =	stream.linear.gather [hbm4b:s15+s3], $0x100, $0x38;
	[tilespmem:$0x1C400] =	vst v63  }
0x2c: {  	[bflag:$0x0] =	sbarrier.arrive $0xFFFF  }
0x2d: {  	_ =	swait.ge [sflag:s24], $0x100  }
.Ltmp2:
0x2e: {  	[sflag:s24] =	ssyncset.done $0x0;
	(pc) =	sbr.rel @p0 .LBB2_6-.Ltmp2, $4  }
0x2f: {  	[sflag:s24] =	ssyncadd.s32 $0xFFFFFF00  }
0x30: {  	_ =	swait.ge [sflag:s24], $0x100  }
0x31: {  	[sflag:s24] =	ssyncset.done $0x0  }
0x32: {  	[sflag:s24] =	ssyncadd.s32 $0xFFFFFF00  }
0x33: {  	[tilespmem:s26], [sflag:$0x3] =	stream.indirect.gather [hbm4b:s1+s25], $0x80, s20, s25, $0xb8;
	[tilespmem:$0x1C400] =	vst v63  }
0x34: {  	s11 =	simm.s32 $0xFFFFDA00  }
0x35: {  	[tilespmem:s29], [sflag:$0x4] =	stream.indirect.gather [hbm4b:s1+s25], $0x80, s28, s25, $0xb8;
	[tilespmem:$0x1C400] =	vst v63  }
.LBB2_3:
0x36: {  	_ =	swait.ge [sflag:s30], $0x4000  }
0x37: {  	[sflag:s30] =	ssyncset.done $0x0  }
0x38: {  	[sflag:s30] =	ssyncadd.s32 $0xFFFFC000  }
0x39: {  	[spmem:s2] =	stream.indirect.scatter.add.f32 [tilespmem:s26], [sflag:$0x5], $0x80, s21, s25, $0xb8;
	[tilespmem:$0x1C400] =	vst v63  }
0x3a: {  	_ =	swait.ge [sflag:s19], $0x4000  }
0x3b: {  	[sflag:s19] =	ssyncset.done $0x0  }
0x3c: {  	[sflag:s19] =	ssyncadd.s32 $0xFFFFC000  }
0x3d: {  	_ =	swait.ge [sflag:s31], $0x100  }
0x3e: {  	[sflag:s31] =	ssyncset.done $0x0  }
0x3f: {  	[sflag:s31] =	ssyncadd.s32 $0xFFFFFF00  }
0x40: {  	_ =	swait.ge [sflag:s31], $0x100  }
0x41: {  	[sflag:s31] =	ssyncset.done $0x0  }
0x42: {  	[sflag:s31] =	ssyncadd.s32 $0xFFFFFF00  }
0x43: {  	[tilespmem:s26], [sflag:$0x3] =	stream.indirect.gather [hbm4b:s1+s25], $0x80, s22, s25, $0xb8;
	[tilespmem:$0x1C400] =	vst v63  }
0x44: {  	_ =	swait.ge [sflag:s0], $0x4000  }
0x45: {  	[sflag:s0] =	ssyncset.done $0x0  }
0x46: {  	[sflag:s0] =	ssyncadd.s32 $0xFFFFC000  }
0x47: {  	[spmem:s2] =	stream.indirect.scatter.add.f32 [tilespmem:s29], [sflag:$0x5], $0x80, s4, s25, $0xb8;
	[tilespmem:$0x1C400] =	vst v63  }
0x48: {  	p1 =	seq.s32 s11, $0x0;
	_ =	swait.ge [sflag:s19], $0x4000  }
0x49: {  	s12 =	simm.s32 @p1 $0x80;
	[sflag:s19] =	ssyncset.done $0x0  }
0x4a: {  	s13 =	simm.s32 @p1 $0x14280;
	s14 =	simm.s32 @p1 $0x18400;
	[sflag:s19] =	ssyncadd.s32 $0xFFFFC000  }
0x4b: {  	[tilespmem:s14], [sflag:$0x4] =	stream.indirect.gather @p1 [hbm4b:s1+s12], $0x80, s13, s12, $0xb8;
	[tilespmem:$0x1C400] =	vst v63  }
0x4c: {  	s13 =	simm.s32 @p1 $0x3  }
0x4d: {  	_ =	swait.ge @p1 [sflag:s13], $0x4000  }
0x4e: {  	[sflag:s13] =	ssyncset.done @p1 $0x0  }
0x4f: {  	s14 =	simm.s32 @p1 $0x14400;
	[sflag:s13] =	ssyncadd.s32 @p1 $0xFFFFC000;
	s13 =	simm.s32 @p1 $0x14300  }
0x50: {  	[spmem:s2] =	stream.indirect.scatter.add.f32 @p1 [tilespmem:s14], [sflag:$0x5], $0x80, s13, s12, $0xb8;
	[tilespmem:$0x1C400] =	vst v63  }
0x51: {  	s12 =	sadd.s32 @!p1 $0x2800, s11  }
0x52: {  	s14 =	sadd.s32 @!p1 s10, s12  }
0x53: {  	s13 =	simm.s32 @p1 $0x5;
	s12 =	sand.u32 @!p1 $0x200, s12;
	s14 =	sand.u32 @!p1 $0x7FC00, s14  }
0x54: {  	_ =	swait.ge @p1 [sflag:s13], $0x4000;
	s12 =	sor.u32 @!p1 s12, s14  }
0x55: {  	s15 =	simm.s32 @!p1 $0x14000;
	[sflag:s13] =	ssyncset.done @p1 $0x0;
	s12 =	sshrl.u32 @!p1 s12, $0x3  }
0x56: {  	[sflag:s13] =	ssyncadd.s32 @p1 $0xFFFFC000;
	s14 =	simm.s32 @!p1 $0x0;
	s13 =	sadd.s32 @!p1 s6, s12  }
0x57: {  	[tilespmem:s15], [sflag:$0x1] =	stream.linear.gather @!p1 [hbm4b:s13+s14], $0x100, $0x38;
	[tilespmem:$0x1C400] =	vst v63  }
0x58: {  	s12 =	sadd.s32 @!p1 s7, s12;
	s13 =	simm.s32 @!p1 $0x14100  }
0x59: {  	[tilespmem:s13], [sflag:$0x1] =	stream.linear.gather @!p1 [hbm4b:s12+s14], $0x100, $0x38;
	[tilespmem:$0x1C400] =	vst v63  }
0x5a: {  	s12 =	simm.s32 @!p1 $0x80;
	s13 =	simm.s32 @!p1 $0x14280;
	s14 =	simm.s32 @!p1 $0x18400  }
0x5b: {  	[tilespmem:s14], [sflag:$0x4] =	stream.indirect.gather @!p1 [hbm4b:s1+s12], $0x80, s13, s12, $0xb8;
	[tilespmem:$0x1C400] =	vst v63  }
0x5c: {  	s13 =	simm.s32 @!p1 $0x3  }
0x5d: {  	_ =	swait.ge @!p1 [sflag:s13], $0x4000  }
0x5e: {  	[sflag:s13] =	ssyncset.done @!p1 $0x0  }
0x5f: {  	s14 =	simm.s32 @!p1 $0x14400;
	[sflag:s13] =	ssyncadd.s32 @!p1 $0xFFFFC000;
	s13 =	simm.s32 @!p1 $0x14300  }
0x60: {  	[spmem:s2] =	stream.indirect.scatter.add.f32 @!p1 [tilespmem:s14], [sflag:$0x5], $0x80, s13, s12, $0xb8;
	[tilespmem:$0x1C400] =	vst v63  }
0x61: {  	s13 =	simm.s32 @!p1 $0x5  }
0x62: {  	_ =	swait.ge @!p1 [sflag:s13], $0x4000  }
0x63: {  	[sflag:s13] =	ssyncset.done @!p1 $0x0  }
0x64: {  	[sflag:s13] =	ssyncadd.s32 @!p1 $0xFFFFC000;
	s13 =	simm.s32 @!p1 $0x1  }
0x65: {  	_ =	swait.ge @!p1 [sflag:s13], $0x100  }
0x66: {  	[sflag:s13] =	ssyncset.done @!p1 $0x0  }
0x67: {  	[sflag:s13] =	ssyncadd.s32 @!p1 $0xFFFFFF00  }
0x68: {  	_ =	swait.ge @!p1 [sflag:s13], $0x100  }
0x69: {  	[sflag:s13] =	ssyncset.done @!p1 $0x0  }
0x6a: {  	[sflag:s13] =	ssyncadd.s32 @!p1 $0xFFFFFF00  }
0x6b: {  	[tilespmem:s14], [sflag:$0x3] =	stream.indirect.gather @!p1 [hbm4b:s1+s12], $0x80, s15, s12, $0xb8;
	[tilespmem:$0x1C400] =	vst v63  }
0x6c: {  	_ =	swait.ge [sflag:s0], $0x4000  }
0x6d: {  	[sflag:s0] =	ssyncset.done $0x0  }
.Ltmp3:
0x6e: {  	[sflag:s0] =	ssyncadd.s32 $0xFFFFC000;
	(pc) =	sbr.rel @p1 .LBB2_4-.Ltmp3, $4  }
0x6f: {  	[spmem:s2] =	stream.indirect.scatter.add.f32 [tilespmem:s29], [sflag:$0x5], $0x80, s8, s25, $0xb8;
	[tilespmem:$0x1C400] =	vst v63  }
0x70: {  	_ =	swait.ge [sflag:s19], $0x4000  }
0x71: {  	[sflag:s19] =	ssyncset.done $0x0  }
0x72: {  	[sflag:s19] =	ssyncadd.s32 $0xFFFFC000  }
0x73: {  	s12 =	sadd.s32 $0x2900, s11  }
0x74: {  	s13 =	sadd.s32 s10, s12  }
0x75: {  	s12 =	sand.u32 $0x300, s12;
	s13 =	sand.u32 $0x7FC00, s13  }
0x76: {  	s12 =	sor.u32 s12, s13  }
0x77: {  	s12 =	sshrl.u32 s12, $0x3  }
0x78: {  	s15 =	sadd.s32 s6, s12  }
0x79: {  	[tilespmem:s22], [sflag:$0x2] =	stream.linear.gather [hbm4b:s15+s3], $0x100, $0x38;
	[tilespmem:$0x1C400] =	vst v63  }
.Ltmp4:
0x7a: {  	_ = 	snop;
	(pc) =	sbr.rel .LBB2_3-.Ltmp4, $4  }
0x7b: {  	s12 =	sadd.s32 s7, s12  }
0x7c: {  	[tilespmem:s23], [sflag:$0x2] =	stream.linear.gather [hbm4b:s12+s3], $0x100, $0x38;
	[tilespmem:$0x1C400] =	vst v63  }
0x7d: {  	s11 =	sadd.s32 $0x200, s11  }
0x7e: {  	[tilespmem:s29], [sflag:$0x4] =	stream.indirect.gather [hbm4b:s1+s25], $0x80, s28, s25, $0xb8;
	[tilespmem:$0x1C400] =	vst v63  }
.LBB2_6:
0x7f: {  	[tilespmem:s26], [sflag:$0x3] =	stream.indirect.gather [hbm4b:s5+s25], $0x80, s20, s25, $0xb8;
	[tilespmem:$0x1C400] =	vst v63  }
0x80: {  	s11 =	simm.s32 $0xFFFFDA00  }
0x81: {  	[tilespmem:s29], [sflag:$0x4] =	stream.indirect.gather [hbm4b:s5+s25], $0x80, s28, s25, $0xb8;
	[tilespmem:$0x1C400] =	vst v63  }
.LBB2_7:
0x82: {  	_ =	swait.ge [sflag:s30], $0x4000  }
0x83: {  	[sflag:s30] =	ssyncset.done $0x0  }
0x84: {  	[sflag:s30] =	ssyncadd.s32 $0xFFFFC000  }
0x85: {  	[spmem:s2] =	stream.indirect.scatter.add.f32 [tilespmem:s26], [sflag:$0x5], $0x80, s21, s25, $0xb8;
	[tilespmem:$0x1C400] =	vst v63  }
0x86: {  	_ =	swait.ge [sflag:s19], $0x4000  }
0x87: {  	[sflag:s19] =	ssyncset.done $0x0  }
0x88: {  	[sflag:s19] =	ssyncadd.s32 $0xFFFFC000  }
0x89: {  	_ =	swait.ge [sflag:s31], $0x100  }
0x8a: {  	[sflag:s31] =	ssyncset.done $0x0  }
0x8b: {  	[sflag:s31] =	ssyncadd.s32 $0xFFFFFF00  }
0x8c: {  	_ =	swait.ge [sflag:s31], $0x100  }
0x8d: {  	[sflag:s31] =	ssyncset.done $0x0  }
0x8e: {  	[sflag:s31] =	ssyncadd.s32 $0xFFFFFF00  }
0x8f: {  	[tilespmem:s26], [sflag:$0x3] =	stream.indirect.gather [hbm4b:s5+s25], $0x80, s22, s25, $0xb8;
	[tilespmem:$0x1C400] =	vst v63  }
0x90: {  	_ =	swait.ge [sflag:s0], $0x4000  }
0x91: {  	[sflag:s0] =	ssyncset.done $0x0  }
0x92: {  	[sflag:s0] =	ssyncadd.s32 $0xFFFFC000  }
0x93: {  	[spmem:s2] =	stream.indirect.scatter.add.f32 [tilespmem:s29], [sflag:$0x5], $0x80, s4, s25, $0xb8;
	[tilespmem:$0x1C400] =	vst v63  }
0x94: {  	p1 =	seq.s32 s11, $0x0;
	_ =	swait.ge [sflag:s19], $0x4000  }
0x95: {  	s12 =	simm.s32 @p1 $0x80;
	[sflag:s19] =	ssyncset.done $0x0  }
0x96: {  	s13 =	simm.s32 @p1 $0x14280;
	s14 =	simm.s32 @p1 $0x18400;
	[sflag:s19] =	ssyncadd.s32 $0xFFFFC000  }
0x97: {  	[tilespmem:s14], [sflag:$0x4] =	stream.indirect.gather @p1 [hbm4b:s5+s12], $0x80, s13, s12, $0xb8;
	[tilespmem:$0x1C400] =	vst v63  }
0x98: {  	s13 =	simm.s32 @p1 $0x3  }
0x99: {  	_ =	swait.ge @p1 [sflag:s13], $0x4000  }
0x9a: {  	[sflag:s13] =	ssyncset.done @p1 $0x0  }
0x9b: {  	s14 =	simm.s32 @p1 $0x14400;
	[sflag:s13] =	ssyncadd.s32 @p1 $0xFFFFC000;
	s13 =	simm.s32 @p1 $0x14300  }
0x9c: {  	[spmem:s2] =	stream.indirect.scatter.add.f32 @p1 [tilespmem:s14], [sflag:$0x5], $0x80, s13, s12, $0xb8;
	[tilespmem:$0x1C400] =	vst v63  }
0x9d: {  	s12 =	sadd.s32 @!p1 $0x2800, s11  }
0x9e: {  	s14 =	sadd.s32 @!p1 s10, s12  }
0x9f: {  	s13 =	simm.s32 @p1 $0x5;
	s12 =	sand.u32 @!p1 $0x200, s12;
	s14 =	sand.u32 @!p1 $0x7FC00, s14  }
0xa0: {  	_ =	swait.ge @p1 [sflag:s13], $0x4000;
	s12 =	sor.u32 @!p1 s12, s14  }
0xa1: {  	s15 =	simm.s32 @!p1 $0x14000;
	[sflag:s13] =	ssyncset.done @p1 $0x0;
	s12 =	sshrl.u32 @!p1 s12, $0x3  }
0xa2: {  	[sflag:s13] =	ssyncadd.s32 @p1 $0xFFFFC000;
	s14 =	simm.s32 @!p1 $0x0;
	s13 =	sadd.s32 @!p1 s6, s12  }
0xa3: {  	[tilespmem:s15], [sflag:$0x1] =	stream.linear.gather @!p1 [hbm4b:s13+s14], $0x100, $0x38;
	[tilespmem:$0x1C400] =	vst v63  }
0xa4: {  	s12 =	sadd.s32 @!p1 s7, s12;
	s13 =	simm.s32 @!p1 $0x14100  }
0xa5: {  	[tilespmem:s13], [sflag:$0x1] =	stream.linear.gather @!p1 [hbm4b:s12+s14], $0x100, $0x38;
	[tilespmem:$0x1C400] =	vst v63  }
0xa6: {  	s12 =	simm.s32 @!p1 $0x80;
	s13 =	simm.s32 @!p1 $0x14280;
	s14 =	simm.s32 @!p1 $0x18400  }
0xa7: {  	[tilespmem:s14], [sflag:$0x4] =	stream.indirect.gather @!p1 [hbm4b:s5+s12], $0x80, s13, s12, $0xb8;
	[tilespmem:$0x1C400] =	vst v63  }
0xa8: {  	s13 =	simm.s32 @!p1 $0x3  }
0xa9: {  	_ =	swait.ge @!p1 [sflag:s13], $0x4000  }
0xaa: {  	[sflag:s13] =	ssyncset.done @!p1 $0x0  }
0xab: {  	s14 =	simm.s32 @!p1 $0x14400;
	[sflag:s13] =	ssyncadd.s32 @!p1 $0xFFFFC000;
	s13 =	simm.s32 @!p1 $0x14300  }
0xac: {  	[spmem:s2] =	stream.indirect.scatter.add.f32 @!p1 [tilespmem:s14], [sflag:$0x5], $0x80, s13, s12, $0xb8;
	[tilespmem:$0x1C400] =	vst v63  }
0xad: {  	s13 =	simm.s32 @!p1 $0x5  }
0xae: {  	_ =	swait.ge @!p1 [sflag:s13], $0x4000  }
0xaf: {  	[sflag:s13] =	ssyncset.done @!p1 $0x0  }
0xb0: {  	[sflag:s13] =	ssyncadd.s32 @!p1 $0xFFFFC000;
	s13 =	simm.s32 @!p1 $0x1  }
0xb1: {  	_ =	swait.ge @!p1 [sflag:s13], $0x100  }
0xb2: {  	[sflag:s13] =	ssyncset.done @!p1 $0x0  }
0xb3: {  	[sflag:s13] =	ssyncadd.s32 @!p1 $0xFFFFFF00  }
0xb4: {  	_ =	swait.ge @!p1 [sflag:s13], $0x100  }
0xb5: {  	[sflag:s13] =	ssyncset.done @!p1 $0x0  }
0xb6: {  	[sflag:s13] =	ssyncadd.s32 @!p1 $0xFFFFFF00  }
0xb7: {  	[tilespmem:s14], [sflag:$0x3] =	stream.indirect.gather @!p1 [hbm4b:s5+s12], $0x80, s15, s12, $0xb8;
	[tilespmem:$0x1C400] =	vst v63  }
0xb8: {  	_ =	swait.ge [sflag:s0], $0x4000  }
0xb9: {  	[sflag:s0] =	ssyncset.done $0x0  }
.Ltmp5:
0xba: {  	[sflag:s0] =	ssyncadd.s32 $0xFFFFC000;
	(pc) =	sbr.rel @p1 .LBB2_8-.Ltmp5, $4  }
0xbb: {  	[spmem:s2] =	stream.indirect.scatter.add.f32 [tilespmem:s29], [sflag:$0x5], $0x80, s8, s25, $0xb8;
	[tilespmem:$0x1C400] =	vst v63  }
0xbc: {  	_ =	swait.ge [sflag:s19], $0x4000  }
0xbd: {  	[sflag:s19] =	ssyncset.done $0x0  }
0xbe: {  	[sflag:s19] =	ssyncadd.s32 $0xFFFFC000  }
0xbf: {  	s12 =	sadd.s32 $0x2900, s11  }
0xc0: {  	s13 =	sadd.s32 s10, s12  }
0xc1: {  	s12 =	sand.u32 $0x300, s12;
	s13 =	sand.u32 $0x7FC00, s13  }
0xc2: {  	s12 =	sor.u32 s12, s13  }
0xc3: {  	s12 =	sshrl.u32 s12, $0x3  }
0xc4: {  	s15 =	sadd.s32 s6, s12  }
0xc5: {  	[tilespmem:s22], [sflag:$0x2] =	stream.linear.gather [hbm4b:s15+s3], $0x100, $0x38;
	[tilespmem:$0x1C400] =	vst v63  }
.Ltmp6:
0xc6: {  	_ = 	snop;
	(pc) =	sbr.rel .LBB2_7-.Ltmp6, $4  }
0xc7: {  	s12 =	sadd.s32 s7, s12  }
0xc8: {  	[tilespmem:s23], [sflag:$0x2] =	stream.linear.gather [hbm4b:s12+s3], $0x100, $0x38;
	[tilespmem:$0x1C400] =	vst v63  }
0xc9: {  	s11 =	sadd.s32 $0x200, s11  }
0xca: {  	[tilespmem:s29], [sflag:$0x4] =	stream.indirect.gather [hbm4b:s5+s25], $0x80, s28, s25, $0xb8;
	[tilespmem:$0x1C400] =	vst v63  }
.LBB2_4:
.Ltmp7:
0xcb: {  	(pc) =	sbr.rel .LBB2_9-.Ltmp7, $2  }
0xcc: {  	_ =	sdelay $0x2  }
0xcd: {  	s11 =	rddreg [dreg:$0x4]  }
.LBB2_10:
0xce: {  	_ =	sfence.sel $0x180000  }
0xcf: {  	[bflag:$0x0] =	sbarrier.arrive $0xFFFF  }
0xd0: {  	_ =	strace $0x9000004A  }
0xd1: {  	s0 =	stileid.u32;
	[bflag:$0x2] =	sbarrier.arrive $0xFFFF  }
0xd2: {  	p0 =	sne.s32 s0, $0x0;
	s0 =	rddreg [dreg:$0x3]  }
0xd3: {  	s0 =	sadd.s32 @!p0 $0x100000, s0  }
0xd4: {  	[sflag:s0] =	ssyncadd.tile.s32 @!p0 $0x1;
	_ =	shalt  }
.Lfunc_end2:
_tile_overlayer_lowered:
.L_overlay_start_2:
0xd5: {  	(tag) =	ssettag $0x2  }
0xd6: {  	s0 =	rddreg [dreg:$0x0];
	s2 =	stileid.u32  }
0xd7: {  	s1 =	rddreg [dreg:$0x1];
	p0 =	sne.s32 s2, $0x0  }
0xd8: {  	s3 =	rddreg [dreg:$0x2];
	[bflag:$0x3] =	sbarrier.arrive $0xFFFF;
	s2 =	simm.s32 @!p0 $0x1C05  }
0xd9: {  	[timem:s3], [sflag:s2] =	dma.local @!p0 [hbm:s0], s1  }
0xda: {  	s0 =	simm.s32 @!p0 $0x5  }
0xdb: {  	_ =	swait.ge @!p0 [sflag:s0], s1  }
0xdc: {  	s1 =	ssub.s32 @!p0 $0x0, s1;
	[sflag:s0] =	ssyncset.done @!p0 $0x0  }
0xdd: {  	[sflag:s0] =	ssyncadd.s32 @!p0 s1  }
0xde: {  	[bflag:$0x3] =	sbarrier.arrive $0xFFFF  }
0xdf: {  	_ =	shalt  }

// kernel: kernel.14.cloned.1.call-start
scs
__scs_entry_jumppad:
0x0: {  	(pc) =	sbr.rel $0x88, $3  }
0x1: {  	(tag) =	ssettag $0x0;
	lr =	simm.s32 $0x1  }
0x2: {  	[smem:$0x3F9A] =	sst lr;
	_ =	strace $0xD0000000  }
0x3: {  	_ = 	snop  }
0x4: {  	_ = 	snop  }
0x5: {  	_ = 	snop  }
0x6: {  	_ = 	snop  }
0x7: {  	_ = 	snop  }
__scs_overlays_trampoline_lowered:
0x8: {  	[smem:$0x3FA9] =	sst s0  }
0x9: {  	[smem:$0x3FAA] =	sst s1  }
0xa: {  	[smem:$0x3FAB] =	sst s2  }
0xb: {  	[smem:$0x3FAC] =	sst s3  }
0xc: {  	[smem:$0x3FAD] =	sst s4  }
0xd: {  	[smem:$0x3FAE] =	sst s5  }
0xe: {  	[smem:$0x3FAF] =	sst s6  }
0xf: {  	[smem:$0x3FB0] =	sst s7  }
0x10: {  	[smem:$0x3FB1] =	sst s8  }
0x11: {  	[smem:$0x3FB2] =	sst s9;
	s0 =	simm.s32 @!p0 $0x0  }
0x12: {  	s1 =	sld [smem:$0x3F98];
	s0 =	simm.s32 @p0 $0x1  }
0x13: {  	[smem:$0x3FB3] =	sst s0;
	s0 =	simm.s32 @!p1 $0x0  }
0x14: {  	s2 =	sld [smem:$0x3F97];
	s0 =	simm.s32 @p1 $0x1  }
0x15: {  	[smem:$0x3FB4] =	sst s0;
	s0 =	simm.s32 @!p2 $0x0  }
0x16: {  	s3 =	sld [smem:$0x3FDB];
	s0 =	simm.s32 @p2 $0x1  }
0x17: {  	s4 =	simm.s32 $0x1BF5;
	[smem:$0x3FB6] =	sst s0  }
0x18: {  	s0 =	sld [smem:$0x3F99];
	_ =	swait.ge [sflag:s4], $0x0  }
0x19: {  	s7 =	sld [smem:$0x3F9A]  }
0x1a: {  	s8 =	sadd.s32 $0xFFFFE003, lr  }
0x1b: {  	s9 =	sadd.s32 $0xFFFFFEF7, lr;
	s5 =	simm.s32 $0xFFFFFFFF;
	p2 =	slt.u32 s8, $0xFFFFF086  }
0x1c: {  	p1 =	slt.u32 s9, $0xF7A;
	s5 =	simm.s32 @!p2 $0x0  }
0x1d: {  	s5 =	simm.s32 @p1 $0x1;
	p0 =	seq.s32 s7, s2  }
0x1e: {  	s7 =	smul.u32 @!p0 $0xF7A, s2;
	p2 =	seq.s32 @!p0 s5, $0x0  }
0x1f: {  	s9 =	smul.u32 $0xF7A, s1;
	s8 =	simm.s32 @!p0 $0x1BF5;
	p2 =	por !p2, p0  }
0x20: {  	[sflag:s8] =	ssyncset.s32 @!p0 $0xFFFFF086;
	s6 =	sadd.s32 @!p0 s3, s7;
	s7 =	simm.s32 @!p0 $0x108  }
0x21: {  	s3 =	sadd.s32 s3, s9;
	s6 =	sadd.s32 @!p0 $0x88, s6;
	s7 =	simm.s32 @p2 $0x1082  }
0x22: {  	[simem:s7], [sflag:s8] =	dma.local @!p0 [hbm:s6], $0xF7A  }
0x23: {  	s9 =	sor.u32 $0xD0000000, s2;
	s6 =	simm.s32 $0x108;
	_ =	swait.ge @!p0 [sflag:s8], $0x0  }
0x24: {  	s3 =	sadd.s32 $0x88, s3;
	s6 =	simm.s32 @!p1 $0x1082;
	[sflag:s4] =	ssyncset.s32 $0xFFFFF086  }
0x25: {  	[simem:s6], [sflag:s4] =	dma.local [hbm:s3], $0xF7A  }
0x26: {  	[smem:$0x3F9A] =	sst s1;
	(tag) =	ssettag s2;
	_ =	strace s9  }
0x27: {  	s1 =	sld [smem:$0x3FAA]  }
0x28: {  	s2 =	sld [smem:$0x3FAB]  }
0x29: {  	s4 =	sld [smem:$0x3FAD]  }
0x2a: {  	p0 =	seq.s32 s5, $0x0;
	s5 =	sld [smem:$0x3FAE]  }
0x2b: {  	s6 =	sld [smem:$0x3FAF]  }
0x2c: {  	s7 =	sld [smem:$0x3FB0]  }
0x2d: {  	s3 =	simm.s32 $0x108;
	s8 =	sld [smem:$0x3FB1]  }
0x2e: {  	s3 =	simm.s32 @!p0 $0x1082;
	s9 =	sld [smem:$0x3FB2]  }
0x2f: {  	lr =	sadd.s32 s0, s3;
	s0 =	sld [smem:$0x3FA9]  }
0x30: {  	s3 =	sld [smem:$0x3FAC]  }
0x31: {  	[smem:$0x3FB5] =	sst s10  }
0x32: {  	s10 =	sld [smem:$0x3FB3];
	_ =	sdelay $0x3  }
0x33: {  	p0 =	seq.s32 s10, $0x1;
	s10 =	sld [smem:$0x3FB5];
	_ =	sdelay $0x3  }
0x34: {  	[smem:$0x3FB5] =	sst s10  }
0x35: {  	s10 =	sld [smem:$0x3FB4];
	_ =	sdelay $0x3  }
0x36: {  	p1 =	seq.s32 s10, $0x1;
	s10 =	sld [smem:$0x3FB5];
	_ =	sdelay $0x3  }
0x37: {  	[smem:$0x3FB5] =	sst s10  }
0x38: {  	s10 =	sld [smem:$0x3FB6]  }
0x39: {  	_ = 	snop;
	(pc) =	sbr.ind lr, $3  }
0x3a: {  	_ = 	snop  }
0x3b: {  	_ = 	snop  }
0x3c: {  	p2 =	seq.s32 s10, $0x1;
	s10 =	sld [smem:$0x3FB5]  }
0x3d: {  	_ =	shalt  }
0x3e: {  	_ =	shalt  }
0x3f: {  	_ =	shalt  }
0x40: {  	_ =	shalt  }
0x41: {  	_ =	shalt  }
0x42: {  	_ =	shalt  }
0x43: {  	_ =	shalt  }
0x44: {  	_ =	shalt  }
0x45: {  	_ =	shalt  }
0x46: {  	_ =	shalt  }
0x47: {  	_ =	shalt  }
0x48: {  	_ =	shalt  }
0x49: {  	_ =	shalt  }
0x4a: {  	_ =	shalt  }
0x4b: {  	_ =	shalt  }
0x4c: {  	_ =	shalt  }
0x4d: {  	_ =	shalt  }
0x4e: {  	_ =	shalt  }
0x4f: {  	_ =	shalt  }
0x50: {  	_ =	shalt  }
0x51: {  	_ =	shalt  }
0x52: {  	_ =	shalt  }
0x53: {  	_ =	shalt  }
0x54: {  	_ =	shalt  }
0x55: {  	_ =	shalt  }
0x56: {  	_ =	shalt  }
0x57: {  	_ =	shalt  }
0x58: {  	_ =	shalt  }
0x59: {  	_ =	shalt  }
0x5a: {  	_ =	shalt  }
0x5b: {  	_ =	shalt  }
0x5c: {  	_ =	shalt  }
0x5d: {  	_ =	shalt  }
0x5e: {  	_ =	shalt  }
0x5f: {  	_ =	shalt  }
0x60: {  	_ =	shalt  }
0x61: {  	_ =	shalt  }
0x62: {  	_ =	shalt  }
0x63: {  	_ =	shalt  }
0x64: {  	_ =	shalt  }
0x65: {  	_ =	shalt  }
0x66: {  	_ =	shalt  }
0x67: {  	_ =	shalt  }
0x68: {  	_ =	shalt  }
0x69: {  	_ =	shalt  }
0x6a: {  	_ =	shalt  }
0x6b: {  	_ =	shalt  }
0x6c: {  	_ =	shalt  }
0x6d: {  	_ =	shalt  }
0x6e: {  	_ =	shalt  }
0x6f: {  	_ =	shalt  }
0x70: {  	_ =	shalt  }
0x71: {  	_ =	shalt  }
0x72: {  	_ =	shalt  }
0x73: {  	_ =	shalt  }
0x74: {  	_ =	shalt  }
0x75: {  	_ =	shalt  }
0x76: {  	_ =	shalt  }
0x77: {  	_ =	shalt  }
0x78: {  	_ =	shalt  }
0x79: {  	_ =	shalt  }
0x7a: {  	_ =	shalt  }
0x7b: {  	_ =	shalt  }
0x7c: {  	_ =	shalt  }
0x7d: {  	_ =	shalt  }
0x7e: {  	_ =	shalt  }
0x7f: {  	_ =	shalt  }
0x80: {  	_ =	shalt  }
0x81: {  	_ =	shalt  }
0x82: {  	_ =	shalt  }
0x83: {  	_ =	shalt  }
0x84: {  	_ =	shalt  }
0x85: {  	_ =	shalt  }
0x86: {  	_ =	shalt  }
0x87: {  	_ =	shalt  }
.Lfunc_end0:
.L_simem_size_0:
called_computation.2_lowered:
.L_overlay_start_0:
0x88: {  	s2 =	sld [smem:$0x3FD9]  }
0x89: {  	s3 =	sld [smem:$0x3FFE];
	_ =	sdelay $0x1  }
0x8a: {  	s1 =	srdreg.scid  }
0x8b: {  	s0 =	sand.u32 $0x1, s1  }
0x8c: {  	s17 =	sshll.u32 s0, $0xA;
	s2 =	sadd.s32 s3, s2  }
0x8d: {  	s2 =	sadd.s32 s2, s17  }
0x8e: {  	[smem:$0x3FC1] =	sst s2  }
0x8f: {  	_ = 	snop  }
0x90: {  	s2 =	sld [smem:$0x3FD0];
	(tm) =	ssettm $0x1  }
0x91: {  	s18 =	sld [smem:$0x3FFB];
	_ =	sdelay $0x3  }
0x92: {  	_ =	strace s18  }
0x93: {  	s3 =	sld [smem:$0x3FFC];
	_ =	sdelay $0x3  }
0x94: {  	_ =	strace s3  }
0x95: {  	s3 =	sld [smem:$0x3FFD];
	_ =	sdelay $0x3  }
0x96: {  	_ =	strace s3  }
0x97: {  	_ =	strace $0x8FFFFFFF  }
0x98: {  	s19 =	sld [smem:$0x3FDB];
	_ =	sdelay $0x1  }
0x99: {  	s4 =	simm.s32 $_scs_section_size  }
0x9a: {  	s5 =	simm.s32 $_size__tile_overlayer_lowered;
	s6 =	simm.s32 $_tile_overlayer_lowered  }
0x9b: {  	s22 =	simm.s32 $0x1BFF;
	s21 =	sshll.u32 s6, $0x1;
	s3 =	sadd.s32 s4, s19  }
0x9c: {  	s7 =	simm.s32 $0x0;
	s20 =	sshll.u32 s5, $0x1;
	s5 =	sadd.s32 s21, s3  }
0x9d: {  	[timem:s7], [sflag:s22] =	dma.local [hbm:s5], s20  }
0x9e: {  	_ =	swait.ge [sflag:s22], s20  }
0x9f: {  	s4 =	ssub.s32 $0x0, s20;
	[sflag:s22] =	ssyncset.done $0x0  }
0xa0: {  	[sflag:s22] =	ssyncadd.s32 s4;
	_ =	sdelay $0x1  }
0xa1: {  	s23 =	simm.s32 $0x1B8B  }
0xa2: {  	_ =	swait.ge [sflag:s23], $0x1  }
0xa3: {  	[sflag:s23] =	ssyncset.done $0x0  }
0xa4: {  	s25 =	simm.s32 $0x1B8E;
	s24 =	sld [smem:$0x3FFE];
	[sflag:s23] =	ssyncadd.s32 $0xFFFFFFFF  }
0xa5: {  	s26 =	simm.s32 $execute0_lowered;
	[smem:$0x3FD2] =	sst s25  }
0xa6: {  	s5 =	sshll.u32 s26, $0x1;
	_ =	strace $0x8000004C;
	[dreg:$0x1] =	wrdreg $0xFFFFFFFF  }
0xa7: {  	s28 =	simm.s32 $_size_execute0_lowered;
	s3 =	sadd.s32 s3, s5;
	[dreg:$0x0] =	wrdreg $0x0  }
0xa8: {  	s5 =	sshll.u32 s28, $0x1;
	[dreg:$0x2] =	wrdreg s3  }
0xa9: {  	[dreg:$0x3] =	wrdreg s5  }
0xaa: {  	[dreg:$0x4] =	wrdreg $0xC0  }
0xab: {  	_ =	task [dreg:s7], $0x5FFFF  }
0xac: {  	[dreg:$0x1] =	wrdreg $0xFFFFFFFF  }
0xad: {  	[dreg:$0x0] =	wrdreg $0x60  }
0xae: {  	[dreg:$0x2] =	wrdreg s2  }
0xaf: {  	[dreg:$0x3] =	wrdreg s24  }
0xb0: {  	[dreg:$0x4] =	wrdreg $0x0  }
0xb1: {  	[dreg:$0x5] =	wrdreg $0x9  }
0xb2: {  	_ =	task.clear_ibuf [dreg:s7], $0x6FFFF;
	_ =	strace $0x9000004C  }
0xb3: {  	s29 =	simm.s32 $0x9;
	_ =	strace $0x8000004E  }
0xb4: {  	_ =	swait.ge [sflag:s29], $0x1  }
0xb5: {  	[sflag:s29] =	ssyncadd.s32 $0xFFFFFFFF  }
0xb6: {  	_ =	strace $0x9000004E  }
0xb7: {  	_ =	sfence  }
0xb8: {  	s30 =	sld [smem:$0x0];
	_ =	sdelay $0x2  }
0xb9: {  	s31 =	sshll.u32 s1, $0xD;
	s1 =	sshrl.u32 s1, $0x2  }
0xba: {  	s3 =	sand.u32 $0x4000, s31;
	s1 =	sadd.s32 s1, s30  }
0xbb: {  	s0 =	sor.u32 s3, s0;
	s1 =	sshll.u32 s1, $0x11  }
0xbc: {  	s0 =	sor.u32 s1, s0  }
0xbd: {  	s0 =	sadd.s32 $0x8F2B, s0  }
0xbe: {  	[sflag:s0] =	ssyncadd.remote.s32 $0x1  }
0xbf: {  	_ =	sfence.sel $0xFFFF  }
0xc0: {  	[dreg:$0x0] =	wrdreg $0xFFFFFFFF;
	(pc) =	sbr.abs _section_cstart, $3  }
0xc1: {  	[dreg:$0x1] =	wrdreg $0xFFFFFFFF  }
0xc2: {  	_ =	task.clear_ibuf [dreg:s7], $0x2FFFF;
	_ =	strace $0x9FFFFFFF  }
0xc3: {  	(tm) =	ssettm $0x7FFFFFFF  }
tec
execute0_lowered:
.L_overlay_start_1:
0x0: {  	(tag) =	ssettag $0x1  }
0x1: {  	s1 =	rddreg [dreg:$0x0]  }
0x2: {  	s0 =	rddreg [dreg:$0x1]  }
0x3: {  	s2 =	rddreg [dreg:$0x2]  }
0x4: {  	s3 =	simm.s32 $0x0;
	s4 =	srdreg.scid;
	s12 =	stileid.u32  }
0x5: {  	s19 =	simm.s32 $0x5;
	s20 =	simm.s32 $0x14000;
	s28 =	simm.s32 $0x14080  }
0x6: {  	s29 =	simm.s32 $0x18400;
	s30 =	simm.s32 $0x3;
	s31 =	simm.s32 $0x2  }
0x7: {  	[smem:$0x7FF] =	sst s3;
	s5 =	sadd.s32 $0xE200, s0;
	s6 =	sadd.s32 $0x9200, s0  }
0x8: {  	s7 =	sadd.s32 $0x4200, s0;
	s4 =	sand.u32 $0x1, s4;
	s9 =	smul.u32 $0x50000, s12  }
0x9: {  	s8 =	sadd.s32 $0x5E200, s0;
	s0 =	sadd.s32 $0x86200, s0;
	s11 =	smul.u32 $0x500, s12  }
0xa: {  	s10 =	smul.u32 $0x2800, s12;
	_ =	strace $0x8000004D;
	[dreg:$0x4] =	wrdreg s8  }
0xb: {  	s26 =	sshll.u32 s12, $0x6;
	s21 =	ssub.s32 $0x2, s4;
	[dreg:$0x5] =	wrdreg s0  }
0xc: {  	p0 =	seq.s32 s4, $0x0;
	s17 =	sor.u32 $0x1C05, s26;
	s26 =	simm.s32 $0x14400  }
0xd: {  	s22 =	sshrl.u32 s21, $0x1;
	s23 =	sshrl.u32 s9, $0x2;
	s13 =	sadd.s32 s6, s11  }
0xe: {  	s24 =	sor.u32 $0x20, s11;
	s11 =	sadd.s32 s7, s11;
	[dreg:$0x6] =	wrdreg s13  }
0xf: {  	s0 =	ssub.s32 s21, s22;
	s8 =	sadd.s32 s23, s2;
	[dreg:$0x7] =	wrdreg s11  }
0x10: {  	s25 =	sadd.s32 s6, s24;
	s11 =	smov.u32 s5;
	s9 =	sadd.s32 s7, s24  }
0x11: {  	s21 =	simm.s32 $0x14100;
	s22 =	simm.s32 $0x14200;
	s23 =	simm.s32 $0x14300  }
.Ltmp0:
0x12: {  	s24 =	simm.s32 $0x1;
	[dreg:$0x8] =	wrdreg s25;
	(pc) =	sbr.rel .LBB2_1-.Ltmp0, $4  }
0x13: {  	[dreg:$0x9] =	wrdreg s9;
	s11 =	smov.u32 @p0 s1;
	s0 =	smax.u32 s0, $0x1  }
0x14: {  	p0 =	sne.s32 s4, $0x0;
	s18 =	sshrl.u32 s8, $0x3;
	s25 =	simm.s32 $0x80  }
0x15: {  	s4 =	simm.s32 $0x14180;
	s8 =	simm.s32 $0x14380;
	s9 =	simm.s32 $0x0  }
0x16: {  	[dreg:$0xa] =	wrdreg s0;
	s16 =	sadd.s32 s11, s10;
	s0 =	simm.s32 $0x4  }
.LBB2_8:
0x17: {  	s11 =	rddreg [dreg:$0x5]  }
.LBB2_9:
0x18: {  	s11 =	sadd.s32 s11, s10;
	[bflag:$0x0] =	sbarrier.arrive $0xFFFF  }
0x19: {  	[hbm:s11], [sflag:s17] =	dma.local [spmem:s18], $0x2800  }
0x1a: {  	_ =	swait.ge [sflag:s19], $0x2800  }
0x1b: {  	s9 =	sadd.s32 $0x1, s9;
	s15 =	rddreg [dreg:$0xa]  }
0x1c: {  	p1 =	sne.s32 s9, s15  }
.Ltmp1:
0x1d: {  	_ = 	snop;
	(pc) =	sbr.rel @!p1 .LBB2_10-.Ltmp1, $3  }
0x1e: {  	_ =	sdelay $0x1  }
0x1f: {  	[sflag:s19] =	ssyncset.done $0x0  }
0x20: {  	[sflag:s19] =	ssyncadd.s32 $0xFFFFD800  }
.LBB2_1:
0x21: {  	[spmem:s18], [sflag:s17] =	dma.local [hbm:s16], $0x2800  }
0x22: {  	_ =	swait.ge [sflag:s19], $0x2800  }
0x23: {  	[sflag:s19] =	ssyncset.done $0x0  }
0x24: {  	s11 =	rddreg [dreg:$0x6];
	[sflag:s19] =	ssyncadd.s32 $0xFFFFD800  }
0x25: {  	[tilespmem:s20], [sflag:$0x1] =	stream.linear.gather [hbm4b:s11+s3], $0x100, $0x38;
	[tilespmem:$0x1C400] =	vst v63  }
0x26: {  	s13 =	rddreg [dreg:$0x7]  }
0x27: {  	[tilespmem:s21], [sflag:$0x1] =	stream.linear.gather [hbm4b:s13+s3], $0x100, $0x38;
	[tilespmem:$0x1C400] =	vst v63  }
0x28: {  	s14 =	rddreg [dreg:$0x8]  }
0x29: {  	[tilespmem:s22], [sflag:$0x2] =	stream.linear.gather [hbm4b:s14+s3], $0x100, $0x38;
	[tilespmem:$0x1C400] =	vst v63  }
0x2a: {  	s15 =	rddreg [dreg:$0x9]  }
0x2b: {  	[tilespmem:s23], [sflag:$0x2] =	stream.linear.gather [hbm4b:s15+s3], $0x100, $0x38;
	[tilespmem:$0x1C400] =	vst v63  }
0x2c: {  	[bflag:$0x0] =	sbarrier.arrive $0xFFFF  }
0x2d: {  	_ =	swait.ge [sflag:s24], $0x100  }
.Ltmp2:
0x2e: {  	[sflag:s24] =	ssyncset.done $0x0;
	(pc) =	sbr.rel @p0 .LBB2_6-.Ltmp2, $4  }
0x2f: {  	[sflag:s24] =	ssyncadd.s32 $0xFFFFFF00  }
0x30: {  	_ =	swait.ge [sflag:s24], $0x100  }
0x31: {  	[sflag:s24] =	ssyncset.done $0x0  }
0x32: {  	[sflag:s24] =	ssyncadd.s32 $0xFFFFFF00  }
0x33: {  	[tilespmem:s26], [sflag:$0x3] =	stream.indirect.gather [hbm4b:s1+s25], $0x80, s20, s25, $0xb8;
	[tilespmem:$0x1C400] =	vst v63  }
0x34: {  	s11 =	simm.s32 $0xFFFFDA00  }
0x35: {  	[tilespmem:s29], [sflag:$0x4] =	stream.indirect.gather [hbm4b:s1+s25], $0x80, s28, s25, $0xb8;
	[tilespmem:$0x1C400] =	vst v63  }
.LBB2_3:
0x36: {  	_ =	swait.ge [sflag:s30], $0x4000  }
0x37: {  	[sflag:s30] =	ssyncset.done $0x0  }
0x38: {  	[sflag:s30] =	ssyncadd.s32 $0xFFFFC000  }
0x39: {  	[spmem:s2] =	stream.indirect.scatter.add.f32 [tilespmem:s26], [sflag:$0x5], $0x80, s21, s25, $0xb8;
	[tilespmem:$0x1C400] =	vst v63  }
0x3a: {  	_ =	swait.ge [sflag:s19], $0x4000  }
0x3b: {  	[sflag:s19] =	ssyncset.done $0x0  }
0x3c: {  	[sflag:s19] =	ssyncadd.s32 $0xFFFFC000  }
0x3d: {  	_ =	swait.ge [sflag:s31], $0x100  }
0x3e: {  	[sflag:s31] =	ssyncset.done $0x0  }
0x3f: {  	[sflag:s31] =	ssyncadd.s32 $0xFFFFFF00  }
0x40: {  	_ =	swait.ge [sflag:s31], $0x100  }
0x41: {  	[sflag:s31] =	ssyncset.done $0x0  }
0x42: {  	[sflag:s31] =	ssyncadd.s32 $0xFFFFFF00  }
0x43: {  	[tilespmem:s26], [sflag:$0x3] =	stream.indirect.gather [hbm4b:s1+s25], $0x80, s22, s25, $0xb8;
	[tilespmem:$0x1C400] =	vst v63  }
0x44: {  	_ =	swait.ge [sflag:s0], $0x4000  }
0x45: {  	[sflag:s0] =	ssyncset.done $0x0  }
0x46: {  	[sflag:s0] =	ssyncadd.s32 $0xFFFFC000  }
0x47: {  	[spmem:s2] =	stream.indirect.scatter.add.f32 [tilespmem:s29], [sflag:$0x5], $0x80, s4, s25, $0xb8;
	[tilespmem:$0x1C400] =	vst v63  }
0x48: {  	p1 =	seq.s32 s11, $0x0;
	_ =	swait.ge [sflag:s19], $0x4000  }
0x49: {  	s12 =	simm.s32 @p1 $0x80;
	[sflag:s19] =	ssyncset.done $0x0  }
0x4a: {  	s13 =	simm.s32 @p1 $0x14280;
	s14 =	simm.s32 @p1 $0x18400;
	[sflag:s19] =	ssyncadd.s32 $0xFFFFC000  }
0x4b: {  	[tilespmem:s14], [sflag:$0x4] =	stream.indirect.gather @p1 [hbm4b:s1+s12], $0x80, s13, s12, $0xb8;
	[tilespmem:$0x1C400] =	vst v63  }
0x4c: {  	s13 =	simm.s32 @p1 $0x3  }
0x4d: {  	_ =	swait.ge @p1 [sflag:s13], $0x4000  }
0x4e: {  	[sflag:s13] =	ssyncset.done @p1 $0x0  }
0x4f: {  	s14 =	simm.s32 @p1 $0x14400;
	[sflag:s13] =	ssyncadd.s32 @p1 $0xFFFFC000;
	s13 =	simm.s32 @p1 $0x14300  }
0x50: {  	[spmem:s2] =	stream.indirect.scatter.add.f32 @p1 [tilespmem:s14], [sflag:$0x5], $0x80, s13, s12, $0xb8;
	[tilespmem:$0x1C400] =	vst v63  }
0x51: {  	s12 =	sadd.s32 @!p1 $0x2800, s11  }
0x52: {  	s14 =	sadd.s32 @!p1 s10, s12  }
0x53: {  	s13 =	simm.s32 @p1 $0x5;
	s12 =	sand.u32 @!p1 $0x200, s12;
	s14 =	sand.u32 @!p1 $0x7FC00, s14  }
0x54: {  	_ =	swait.ge @p1 [sflag:s13], $0x4000;
	s12 =	sor.u32 @!p1 s12, s14  }
0x55: {  	s15 =	simm.s32 @!p1 $0x14000;
	[sflag:s13] =	ssyncset.done @p1 $0x0;
	s12 =	sshrl.u32 @!p1 s12, $0x3  }
0x56: {  	[sflag:s13] =	ssyncadd.s32 @p1 $0xFFFFC000;
	s14 =	simm.s32 @!p1 $0x0;
	s13 =	sadd.s32 @!p1 s6, s12  }
0x57: {  	[tilespmem:s15], [sflag:$0x1] =	stream.linear.gather @!p1 [hbm4b:s13+s14], $0x100, $0x38;
	[tilespmem:$0x1C400] =	vst v63  }
0x58: {  	s12 =	sadd.s32 @!p1 s7, s12;
	s13 =	simm.s32 @!p1 $0x14100  }
0x59: {  	[tilespmem:s13], [sflag:$0x1] =	stream.linear.gather @!p1 [hbm4b:s12+s14], $0x100, $0x38;
	[tilespmem:$0x1C400] =	vst v63  }
0x5a: {  	s12 =	simm.s32 @!p1 $0x80;
	s13 =	simm.s32 @!p1 $0x14280;
	s14 =	simm.s32 @!p1 $0x18400  }
0x5b: {  	[tilespmem:s14], [sflag:$0x4] =	stream.indirect.gather @!p1 [hbm4b:s1+s12], $0x80, s13, s12, $0xb8;
	[tilespmem:$0x1C400] =	vst v63  }
0x5c: {  	s13 =	simm.s32 @!p1 $0x3  }
0x5d: {  	_ =	swait.ge @!p1 [sflag:s13], $0x4000  }
0x5e: {  	[sflag:s13] =	ssyncset.done @!p1 $0x0  }
0x5f: {  	s14 =	simm.s32 @!p1 $0x14400;
	[sflag:s13] =	ssyncadd.s32 @!p1 $0xFFFFC000;
	s13 =	simm.s32 @!p1 $0x14300  }
0x60: {  	[spmem:s2] =	stream.indirect.scatter.add.f32 @!p1 [tilespmem:s14], [sflag:$0x5], $0x80, s13, s12, $0xb8;
	[tilespmem:$0x1C400] =	vst v63  }
0x61: {  	s13 =	simm.s32 @!p1 $0x5  }
0x62: {  	_ =	swait.ge @!p1 [sflag:s13], $0x4000  }
0x63: {  	[sflag:s13] =	ssyncset.done @!p1 $0x0  }
0x64: {  	[sflag:s13] =	ssyncadd.s32 @!p1 $0xFFFFC000;
	s13 =	simm.s32 @!p1 $0x1  }
0x65: {  	_ =	swait.ge @!p1 [sflag:s13], $0x100  }
0x66: {  	[sflag:s13] =	ssyncset.done @!p1 $0x0  }
0x67: {  	[sflag:s13] =	ssyncadd.s32 @!p1 $0xFFFFFF00  }
0x68: {  	_ =	swait.ge @!p1 [sflag:s13], $0x100  }
0x69: {  	[sflag:s13] =	ssyncset.done @!p1 $0x0  }
0x6a: {  	[sflag:s13] =	ssyncadd.s32 @!p1 $0xFFFFFF00  }
0x6b: {  	[tilespmem:s14], [sflag:$0x3] =	stream.indirect.gather @!p1 [hbm4b:s1+s12], $0x80, s15, s12, $0xb8;
	[tilespmem:$0x1C400] =	vst v63  }
0x6c: {  	_ =	swait.ge [sflag:s0], $0x4000  }
0x6d: {  	[sflag:s0] =	ssyncset.done $0x0  }
.Ltmp3:
0x6e: {  	[sflag:s0] =	ssyncadd.s32 $0xFFFFC000;
	(pc) =	sbr.rel @p1 .LBB2_4-.Ltmp3, $4  }
0x6f: {  	[spmem:s2] =	stream.indirect.scatter.add.f32 [tilespmem:s29], [sflag:$0x5], $0x80, s8, s25, $0xb8;
	[tilespmem:$0x1C400] =	vst v63  }
0x70: {  	_ =	swait.ge [sflag:s19], $0x4000  }
0x71: {  	[sflag:s19] =	ssyncset.done $0x0  }
0x72: {  	[sflag:s19] =	ssyncadd.s32 $0xFFFFC000  }
0x73: {  	s12 =	sadd.s32 $0x2900, s11  }
0x74: {  	s13 =	sadd.s32 s10, s12  }
0x75: {  	s12 =	sand.u32 $0x300, s12;
	s13 =	sand.u32 $0x7FC00, s13  }
0x76: {  	s12 =	sor.u32 s12, s13  }
0x77: {  	s12 =	sshrl.u32 s12, $0x3  }
0x78: {  	s15 =	sadd.s32 s6, s12  }
0x79: {  	[tilespmem:s22], [sflag:$0x2] =	stream.linear.gather [hbm4b:s15+s3], $0x100, $0x38;
	[tilespmem:$0x1C400] =	vst v63  }
.Ltmp4:
0x7a: {  	_ = 	snop;
	(pc) =	sbr.rel .LBB2_3-.Ltmp4, $4  }
0x7b: {  	s12 =	sadd.s32 s7, s12  }
0x7c: {  	[tilespmem:s23], [sflag:$0x2] =	stream.linear.gather [hbm4b:s12+s3], $0x100, $0x38;
	[tilespmem:$0x1C400] =	vst v63  }
0x7d: {  	s11 =	sadd.s32 $0x200, s11  }
0x7e: {  	[tilespmem:s29], [sflag:$0x4] =	stream.indirect.gather [hbm4b:s1+s25], $0x80, s28, s25, $0xb8;
	[tilespmem:$0x1C400] =	vst v63  }
.LBB2_6:
0x7f: {  	[tilespmem:s26], [sflag:$0x3] =	stream.indirect.gather [hbm4b:s5+s25], $0x80, s20, s25, $0xb8;
	[tilespmem:$0x1C400] =	vst v63  }
0x80: {  	s11 =	simm.s32 $0xFFFFDA00  }
0x81: {  	[tilespmem:s29], [sflag:$0x4] =	stream.indirect.gather [hbm4b:s5+s25], $0x80, s28, s25, $0xb8;
	[tilespmem:$0x1C400] =	vst v63  }
.LBB2_7:
0x82: {  	_ =	swait.ge [sflag:s30], $0x4000  }
0x83: {  	[sflag:s30] =	ssyncset.done $0x0  }
0x84: {  	[sflag:s30] =	ssyncadd.s32 $0xFFFFC000  }
0x85: {  	[spmem:s2] =	stream.indirect.scatter.add.f32 [tilespmem:s26], [sflag:$0x5], $0x80, s21, s25, $0xb8;
	[tilespmem:$0x1C400] =	vst v63  }
0x86: {  	_ =	swait.ge [sflag:s19], $0x4000  }
0x87: {  	[sflag:s19] =	ssyncset.done $0x0  }
0x88: {  	[sflag:s19] =	ssyncadd.s32 $0xFFFFC000  }
0x89: {  	_ =	swait.ge [sflag:s31], $0x100  }
0x8a: {  	[sflag:s31] =	ssyncset.done $0x0  }
0x8b: {  	[sflag:s31] =	ssyncadd.s32 $0xFFFFFF00  }
0x8c: {  	_ =	swait.ge [sflag:s31], $0x100  }
0x8d: {  	[sflag:s31] =	ssyncset.done $0x0  }
0x8e: {  	[sflag:s31] =	ssyncadd.s32 $0xFFFFFF00  }
0x8f: {  	[tilespmem:s26], [sflag:$0x3] =	stream.indirect.gather [hbm4b:s5+s25], $0x80, s22, s25, $0xb8;
	[tilespmem:$0x1C400] =	vst v63  }
0x90: {  	_ =	swait.ge [sflag:s0], $0x4000  }
0x91: {  	[sflag:s0] =	ssyncset.done $0x0  }
0x92: {  	[sflag:s0] =	ssyncadd.s32 $0xFFFFC000  }
0x93: {  	[spmem:s2] =	stream.indirect.scatter.add.f32 [tilespmem:s29], [sflag:$0x5], $0x80, s4, s25, $0xb8;
	[tilespmem:$0x1C400] =	vst v63  }
0x94: {  	p1 =	seq.s32 s11, $0x0;
	_ =	swait.ge [sflag:s19], $0x4000  }
0x95: {  	s12 =	simm.s32 @p1 $0x80;
	[sflag:s19] =	ssyncset.done $0x0  }
0x96: {  	s13 =	simm.s32 @p1 $0x14280;
	s14 =	simm.s32 @p1 $0x18400;
	[sflag:s19] =	ssyncadd.s32 $0xFFFFC000  }
0x97: {  	[tilespmem:s14], [sflag:$0x4] =	stream.indirect.gather @p1 [hbm4b:s5+s12], $0x80, s13, s12, $0xb8;
	[tilespmem:$0x1C400] =	vst v63  }
0x98: {  	s13 =	simm.s32 @p1 $0x3  }
0x99: {  	_ =	swait.ge @p1 [sflag:s13], $0x4000  }
0x9a: {  	[sflag:s13] =	ssyncset.done @p1 $0x0  }
0x9b: {  	s14 =	simm.s32 @p1 $0x14400;
	[sflag:s13] =	ssyncadd.s32 @p1 $0xFFFFC000;
	s13 =	simm.s32 @p1 $0x14300  }
0x9c: {  	[spmem:s2] =	stream.indirect.scatter.add.f32 @p1 [tilespmem:s14], [sflag:$0x5], $0x80, s13, s12, $0xb8;
	[tilespmem:$0x1C400] =	vst v63  }
0x9d: {  	s12 =	sadd.s32 @!p1 $0x2800, s11  }
0x9e: {  	s14 =	sadd.s32 @!p1 s10, s12  }
0x9f: {  	s13 =	simm.s32 @p1 $0x5;
	s12 =	sand.u32 @!p1 $0x200, s12;
	s14 =	sand.u32 @!p1 $0x7FC00, s14  }
0xa0: {  	_ =	swait.ge @p1 [sflag:s13], $0x4000;
	s12 =	sor.u32 @!p1 s12, s14  }
0xa1: {  	s15 =	simm.s32 @!p1 $0x14000;
	[sflag:s13] =	ssyncset.done @p1 $0x0;
	s12 =	sshrl.u32 @!p1 s12, $0x3  }
0xa2: {  	[sflag:s13] =	ssyncadd.s32 @p1 $0xFFFFC000;
	s14 =	simm.s32 @!p1 $0x0;
	s13 =	sadd.s32 @!p1 s6, s12  }
0xa3: {  	[tilespmem:s15], [sflag:$0x1] =	stream.linear.gather @!p1 [hbm4b:s13+s14], $0x100, $0x38;
	[tilespmem:$0x1C400] =	vst v63  }
0xa4: {  	s12 =	sadd.s32 @!p1 s7, s12;
	s13 =	simm.s32 @!p1 $0x14100  }
0xa5: {  	[tilespmem:s13], [sflag:$0x1] =	stream.linear.gather @!p1 [hbm4b:s12+s14], $0x100, $0x38;
	[tilespmem:$0x1C400] =	vst v63  }
0xa6: {  	s12 =	simm.s32 @!p1 $0x80;
	s13 =	simm.s32 @!p1 $0x14280;
	s14 =	simm.s32 @!p1 $0x18400  }
0xa7: {  	[tilespmem:s14], [sflag:$0x4] =	stream.indirect.gather @!p1 [hbm4b:s5+s12], $0x80, s13, s12, $0xb8;
	[tilespmem:$0x1C400] =	vst v63  }
0xa8: {  	s13 =	simm.s32 @!p1 $0x3  }
0xa9: {  	_ =	swait.ge @!p1 [sflag:s13], $0x4000  }
0xaa: {  	[sflag:s13] =	ssyncset.done @!p1 $0x0  }
0xab: {  	s14 =	simm.s32 @!p1 $0x14400;
	[sflag:s13] =	ssyncadd.s32 @!p1 $0xFFFFC000;
	s13 =	simm.s32 @!p1 $0x14300  }
0xac: {  	[spmem:s2] =	stream.indirect.scatter.add.f32 @!p1 [tilespmem:s14], [sflag:$0x5], $0x80, s13, s12, $0xb8;
	[tilespmem:$0x1C400] =	vst v63  }
0xad: {  	s13 =	simm.s32 @!p1 $0x5  }
0xae: {  	_ =	swait.ge @!p1 [sflag:s13], $0x4000  }
0xaf: {  	[sflag:s13] =	ssyncset.done @!p1 $0x0  }
0xb0: {  	[sflag:s13] =	ssyncadd.s32 @!p1 $0xFFFFC000;
	s13 =	simm.s32 @!p1 $0x1  }
0xb1: {  	_ =	swait.ge @!p1 [sflag:s13], $0x100  }
0xb2: {  	[sflag:s13] =	ssyncset.done @!p1 $0x0  }
0xb3: {  	[sflag:s13] =	ssyncadd.s32 @!p1 $0xFFFFFF00  }
0xb4: {  	_ =	swait.ge @!p1 [sflag:s13], $0x100  }
0xb5: {  	[sflag:s13] =	ssyncset.done @!p1 $0x0  }
0xb6: {  	[sflag:s13] =	ssyncadd.s32 @!p1 $0xFFFFFF00  }
0xb7: {  	[tilespmem:s14], [sflag:$0x3] =	stream.indirect.gather @!p1 [hbm4b:s5+s12], $0x80, s15, s12, $0xb8;
	[tilespmem:$0x1C400] =	vst v63  }
0xb8: {  	_ =	swait.ge [sflag:s0], $0x4000  }
0xb9: {  	[sflag:s0] =	ssyncset.done $0x0  }
.Ltmp5:
0xba: {  	[sflag:s0] =	ssyncadd.s32 $0xFFFFC000;
	(pc) =	sbr.rel @p1 .LBB2_8-.Ltmp5, $4  }
0xbb: {  	[spmem:s2] =	stream.indirect.scatter.add.f32 [tilespmem:s29], [sflag:$0x5], $0x80, s8, s25, $0xb8;
	[tilespmem:$0x1C400] =	vst v63  }
0xbc: {  	_ =	swait.ge [sflag:s19], $0x4000  }
0xbd: {  	[sflag:s19] =	ssyncset.done $0x0  }
0xbe: {  	[sflag:s19] =	ssyncadd.s32 $0xFFFFC000  }
0xbf: {  	s12 =	sadd.s32 $0x2900, s11  }
0xc0: {  	s13 =	sadd.s32 s10, s12  }
0xc1: {  	s12 =	sand.u32 $0x300, s12;
	s13 =	sand.u32 $0x7FC00, s13  }
0xc2: {  	s12 =	sor.u32 s12, s13  }
0xc3: {  	s12 =	sshrl.u32 s12, $0x3  }
0xc4: {  	s15 =	sadd.s32 s6, s12  }
0xc5: {  	[tilespmem:s22], [sflag:$0x2] =	stream.linear.gather [hbm4b:s15+s3], $0x100, $0x38;
	[tilespmem:$0x1C400] =	vst v63  }
.Ltmp6:
0xc6: {  	_ = 	snop;
	(pc) =	sbr.rel .LBB2_7-.Ltmp6, $4  }
0xc7: {  	s12 =	sadd.s32 s7, s12  }
0xc8: {  	[tilespmem:s23], [sflag:$0x2] =	stream.linear.gather [hbm4b:s12+s3], $0x100, $0x38;
	[tilespmem:$0x1C400] =	vst v63  }
0xc9: {  	s11 =	sadd.s32 $0x200, s11  }
0xca: {  	[tilespmem:s29], [sflag:$0x4] =	stream.indirect.gather [hbm4b:s5+s25], $0x80, s28, s25, $0xb8;
	[tilespmem:$0x1C400] =	vst v63  }
.LBB2_4:
.Ltmp7:
0xcb: {  	(pc) =	sbr.rel .LBB2_9-.Ltmp7, $2  }
0xcc: {  	_ =	sdelay $0x2  }
0xcd: {  	s11 =	rddreg [dreg:$0x4]  }
.LBB2_10:
0xce: {  	_ =	sfence.sel $0x180000  }
0xcf: {  	[bflag:$0x0] =	sbarrier.arrive $0xFFFF  }
0xd0: {  	_ =	strace $0x9000004D  }
0xd1: {  	s0 =	stileid.u32;
	[bflag:$0x2] =	sbarrier.arrive $0xFFFF  }
0xd2: {  	p0 =	sne.s32 s0, $0x0;
	s0 =	rddreg [dreg:$0x3]  }
0xd3: {  	s0 =	sadd.s32 @!p0 $0x100000, s0  }
0xd4: {  	[sflag:s0] =	ssyncadd.tile.s32 @!p0 $0x1;
	_ =	shalt  }
.Lfunc_end2:
_tile_overlayer_lowered:
.L_overlay_start_2:
0xd5: {  	(tag) =	ssettag $0x2  }
0xd6: {  	s0 =	rddreg [dreg:$0x0];
	s2 =	stileid.u32  }
0xd7: {  	s1 =	rddreg [dreg:$0x1];
	p0 =	sne.s32 s2, $0x0  }
0xd8: {  	s3 =	rddreg [dreg:$0x2];
	[bflag:$0x3] =	sbarrier.arrive $0xFFFF;
	s2 =	simm.s32 @!p0 $0x1C05  }
0xd9: {  	[timem:s3], [sflag:s2] =	dma.local @!p0 [hbm:s0], s1  }
0xda: {  	s0 =	simm.s32 @!p0 $0x5  }
0xdb: {  	_ =	swait.ge @!p0 [sflag:s0], s1  }
0xdc: {  	s1 =	ssub.s32 @!p0 $0x0, s1;
	[sflag:s0] =	ssyncset.done @!p0 $0x0  }
0xdd: {  	[sflag:s0] =	ssyncadd.s32 @!p0 s1  }
0xde: {  	[bflag:$0x3] =	sbarrier.arrive $0xFFFF  }
0xdf: {  	_ =	shalt  }

// kernel: kernel.8.cloned.1.call-start
scs
__scs_entry_jumppad:
0x0: {  	(pc) =	sbr.rel $0x88, $3  }
0x1: {  	(tag) =	ssettag $0x0;
	lr =	simm.s32 $0x1  }
0x2: {  	[smem:$0x3F9A] =	sst lr;
	_ =	strace $0xD0000000  }
0x3: {  	_ = 	snop  }
0x4: {  	_ = 	snop  }
0x5: {  	_ = 	snop  }
0x6: {  	_ = 	snop  }
0x7: {  	_ = 	snop  }
__scs_overlays_trampoline_lowered:
0x8: {  	[smem:$0x3FA9] =	sst s0  }
0x9: {  	[smem:$0x3FAA] =	sst s1  }
0xa: {  	[smem:$0x3FAB] =	sst s2  }
0xb: {  	[smem:$0x3FAC] =	sst s3  }
0xc: {  	[smem:$0x3FAD] =	sst s4  }
0xd: {  	[smem:$0x3FAE] =	sst s5  }
0xe: {  	[smem:$0x3FAF] =	sst s6  }
0xf: {  	[smem:$0x3FB0] =	sst s7  }
0x10: {  	[smem:$0x3FB1] =	sst s8  }
0x11: {  	[smem:$0x3FB2] =	sst s9;
	s0 =	simm.s32 @!p0 $0x0  }
0x12: {  	s1 =	sld [smem:$0x3F98];
	s0 =	simm.s32 @p0 $0x1  }
0x13: {  	[smem:$0x3FB3] =	sst s0;
	s0 =	simm.s32 @!p1 $0x0  }
0x14: {  	s2 =	sld [smem:$0x3F97];
	s0 =	simm.s32 @p1 $0x1  }
0x15: {  	[smem:$0x3FB4] =	sst s0;
	s0 =	simm.s32 @!p2 $0x0  }
0x16: {  	s3 =	sld [smem:$0x3FDB];
	s0 =	simm.s32 @p2 $0x1  }
0x17: {  	s4 =	simm.s32 $0x1BF5;
	[smem:$0x3FB6] =	sst s0  }
0x18: {  	s0 =	sld [smem:$0x3F99];
	_ =	swait.ge [sflag:s4], $0x0  }
0x19: {  	s7 =	sld [smem:$0x3F9A]  }
0x1a: {  	s8 =	sadd.s32 $0xFFFFE003, lr  }
0x1b: {  	s9 =	sadd.s32 $0xFFFFFEF7, lr;
	s5 =	simm.s32 $0xFFFFFFFF;
	p2 =	slt.u32 s8, $0xFFFFF086  }
0x1c: {  	p1 =	slt.u32 s9, $0xF7A;
	s5 =	simm.s32 @!p2 $0x0  }
0x1d: {  	s5 =	simm.s32 @p1 $0x1;
	p0 =	seq.s32 s7, s2  }
0x1e: {  	s7 =	smul.u32 @!p0 $0xF7A, s2;
	p2 =	seq.s32 @!p0 s5, $0x0  }
0x1f: {  	s9 =	smul.u32 $0xF7A, s1;
	s8 =	simm.s32 @!p0 $0x1BF5;
	p2 =	por !p2, p0  }
0x20: {  	[sflag:s8] =	ssyncset.s32 @!p0 $0xFFFFF086;
	s6 =	sadd.s32 @!p0 s3, s7;
	s7 =	simm.s32 @!p0 $0x108  }
0x21: {  	s3 =	sadd.s32 s3, s9;
	s6 =	sadd.s32 @!p0 $0x88, s6;
	s7 =	simm.s32 @p2 $0x1082  }
0x22: {  	[simem:s7], [sflag:s8] =	dma.local @!p0 [hbm:s6], $0xF7A  }
0x23: {  	s9 =	sor.u32 $0xD0000000, s2;
	s6 =	simm.s32 $0x108;
	_ =	swait.ge @!p0 [sflag:s8], $0x0  }
0x24: {  	s3 =	sadd.s32 $0x88, s3;
	s6 =	simm.s32 @!p1 $0x1082;
	[sflag:s4] =	ssyncset.s32 $0xFFFFF086  }
0x25: {  	[simem:s6], [sflag:s4] =	dma.local [hbm:s3], $0xF7A  }
0x26: {  	[smem:$0x3F9A] =	sst s1;
	(tag) =	ssettag s2;
	_ =	strace s9  }
0x27: {  	s1 =	sld [smem:$0x3FAA]  }
0x28: {  	s2 =	sld [smem:$0x3FAB]  }
0x29: {  	s4 =	sld [smem:$0x3FAD]  }
0x2a: {  	p0 =	seq.s32 s5, $0x0;
	s5 =	sld [smem:$0x3FAE]  }
0x2b: {  	s6 =	sld [smem:$0x3FAF]  }
0x2c: {  	s7 =	sld [smem:$0x3FB0]  }
0x2d: {  	s3 =	simm.s32 $0x108;
	s8 =	sld [smem:$0x3FB1]  }
0x2e: {  	s3 =	simm.s32 @!p0 $0x1082;
	s9 =	sld [smem:$0x3FB2]  }
0x2f: {  	lr =	sadd.s32 s0, s3;
	s0 =	sld [smem:$0x3FA9]  }
0x30: {  	s3 =	sld [smem:$0x3FAC]  }
0x31: {  	[smem:$0x3FB5] =	sst s10  }
0x32: {  	s10 =	sld [smem:$0x3FB3];
	_ =	sdelay $0x3  }
0x33: {  	p0 =	seq.s32 s10, $0x1;
	s10 =	sld [smem:$0x3FB5];
	_ =	sdelay $0x3  }
0x34: {  	[smem:$0x3FB5] =	sst s10  }
0x35: {  	s10 =	sld [smem:$0x3FB4];
	_ =	sdelay $0x3  }
0x36: {  	p1 =	seq.s32 s10, $0x1;
	s10 =	sld [smem:$0x3FB5];
	_ =	sdelay $0x3  }
0x37: {  	[smem:$0x3FB5] =	sst s10  }
0x38: {  	s10 =	sld [smem:$0x3FB6]  }
0x39: {  	_ = 	snop;
	(pc) =	sbr.ind lr, $3  }
0x3a: {  	_ = 	snop  }
0x3b: {  	_ = 	snop  }
0x3c: {  	p2 =	seq.s32 s10, $0x1;
	s10 =	sld [smem:$0x3FB5]  }
0x3d: {  	_ =	shalt  }
0x3e: {  	_ =	shalt  }
0x3f: {  	_ =	shalt  }
0x40: {  	_ =	shalt  }
0x41: {  	_ =	shalt  }
0x42: {  	_ =	shalt  }
0x43: {  	_ =	shalt  }
0x44: {  	_ =	shalt  }
0x45: {  	_ =	shalt  }
0x46: {  	_ =	shalt  }
0x47: {  	_ =	shalt  }
0x48: {  	_ =	shalt  }
0x49: {  	_ =	shalt  }
0x4a: {  	_ =	shalt  }
0x4b: {  	_ =	shalt  }
0x4c: {  	_ =	shalt  }
0x4d: {  	_ =	shalt  }
0x4e: {  	_ =	shalt  }
0x4f: {  	_ =	shalt  }
0x50: {  	_ =	shalt  }
0x51: {  	_ =	shalt  }
0x52: {  	_ =	shalt  }
0x53: {  	_ =	shalt  }
0x54: {  	_ =	shalt  }
0x55: {  	_ =	shalt  }
0x56: {  	_ =	shalt  }
0x57: {  	_ =	shalt  }
0x58: {  	_ =	shalt  }
0x59: {  	_ =	shalt  }
0x5a: {  	_ =	shalt  }
0x5b: {  	_ =	shalt  }
0x5c: {  	_ =	shalt  }
0x5d: {  	_ =	shalt  }
0x5e: {  	_ =	shalt  }
0x5f: {  	_ =	shalt  }
0x60: {  	_ =	shalt  }
0x61: {  	_ =	shalt  }
0x62: {  	_ =	shalt  }
0x63: {  	_ =	shalt  }
0x64: {  	_ =	shalt  }
0x65: {  	_ =	shalt  }
0x66: {  	_ =	shalt  }
0x67: {  	_ =	shalt  }
0x68: {  	_ =	shalt  }
0x69: {  	_ =	shalt  }
0x6a: {  	_ =	shalt  }
0x6b: {  	_ =	shalt  }
0x6c: {  	_ =	shalt  }
0x6d: {  	_ =	shalt  }
0x6e: {  	_ =	shalt  }
0x6f: {  	_ =	shalt  }
0x70: {  	_ =	shalt  }
0x71: {  	_ =	shalt  }
0x72: {  	_ =	shalt  }
0x73: {  	_ =	shalt  }
0x74: {  	_ =	shalt  }
0x75: {  	_ =	shalt  }
0x76: {  	_ =	shalt  }
0x77: {  	_ =	shalt  }
0x78: {  	_ =	shalt  }
0x79: {  	_ =	shalt  }
0x7a: {  	_ =	shalt  }
0x7b: {  	_ =	shalt  }
0x7c: {  	_ =	shalt  }
0x7d: {  	_ =	shalt  }
0x7e: {  	_ =	shalt  }
0x7f: {  	_ =	shalt  }
0x80: {  	_ =	shalt  }
0x81: {  	_ =	shalt  }
0x82: {  	_ =	shalt  }
0x83: {  	_ =	shalt  }
0x84: {  	_ =	shalt  }
0x85: {  	_ =	shalt  }
0x86: {  	_ =	shalt  }
0x87: {  	_ =	shalt  }
.Lfunc_end0:
.L_simem_size_0:
called_computation_lowered:
.L_overlay_start_0:
0x88: {  	s2 =	sld [smem:$0x3FD9]  }
0x89: {  	s3 =	sld [smem:$0x3FFE];
	_ =	sdelay $0x1  }
0x8a: {  	s1 =	srdreg.scid  }
0x8b: {  	s0 =	sand.u32 $0x1, s1  }
0x8c: {  	s16 =	sshll.u32 s0, $0xA;
	s2 =	sadd.s32 s3, s2  }
0x8d: {  	s2 =	sadd.s32 s2, s16  }
0x8e: {  	[smem:$0x3FC1] =	sst s2  }
0x8f: {  	_ = 	snop  }
0x90: {  	(tm) =	ssettm $0x1  }
0x91: {  	s17 =	sld [smem:$0x3FFB];
	_ =	sdelay $0x3  }
0x92: {  	_ =	strace s17  }
0x93: {  	s2 =	sld [smem:$0x3FFC];
	_ =	sdelay $0x3  }
0x94: {  	_ =	strace s2  }
0x95: {  	s2 =	sld [smem:$0x3FFD];
	_ =	sdelay $0x3  }
0x96: {  	_ =	strace s2  }
0x97: {  	_ =	strace $0x8FFFFFFF  }
0x98: {  	s18 =	sld [smem:$0x3FDB];
	_ =	sdelay $0x1  }
0x99: {  	s19 =	simm.s32 $_scs_section_size  }
0x9a: {  	s4 =	simm.s32 $_size__tile_overlayer_lowered;
	s5 =	simm.s32 $_tile_overlayer_lowered  }
0x9b: {  	s22 =	simm.s32 $0x1BFF;
	s21 =	sshll.u32 s5, $0x1;
	s2 =	sadd.s32 s19, s18  }
0x9c: {  	s6 =	simm.s32 $0x0;
	s20 =	sshll.u32 s4, $0x1;
	s4 =	sadd.s32 s21, s2  }
0x9d: {  	[timem:s6], [sflag:s22] =	dma.local [hbm:s4], s20  }
0x9e: {  	_ =	swait.ge [sflag:s22], s20  }
0x9f: {  	s3 =	ssub.s32 $0x0, s20;
	[sflag:s22] =	ssyncset.done $0x0  }
0xa0: {  	[sflag:s22] =	ssyncadd.s32 s3;
	_ =	sdelay $0x1  }
0xa1: {  	s23 =	simm.s32 $0x1B8B  }
0xa2: {  	_ =	swait.ge [sflag:s23], $0x1  }
0xa3: {  	[sflag:s23] =	ssyncset.done $0x0  }
0xa4: {  	s25 =	simm.s32 $0x1B8E;
	s24 =	sld [smem:$0x3FFE];
	[sflag:s23] =	ssyncadd.s32 $0xFFFFFFFF  }
0xa5: {  	s26 =	simm.s32 $execute0_lowered;
	[smem:$0x3FD2] =	sst s25  }
0xa6: {  	s4 =	sshll.u32 s26, $0x1;
	_ =	strace $0x80000046;
	[dreg:$0x1] =	wrdreg $0xFFFFFFFF  }
0xa7: {  	s28 =	simm.s32 $_size_execute0_lowered;
	s2 =	sadd.s32 s2, s4;
	[dreg:$0x0] =	wrdreg $0x0  }
0xa8: {  	s4 =	sshll.u32 s28, $0x1;
	[dreg:$0x2] =	wrdreg s2  }
0xa9: {  	[dreg:$0x3] =	wrdreg s4  }
0xaa: {  	[dreg:$0x4] =	wrdreg $0xC0  }
0xab: {  	_ =	task [dreg:s6], $0x5FFFF  }
0xac: {  	[dreg:$0x1] =	wrdreg $0xFFFFFFFF  }
0xad: {  	[dreg:$0x0] =	wrdreg $0x60  }
0xae: {  	[dreg:$0x2] =	wrdreg s24  }
0xaf: {  	[dreg:$0x3] =	wrdreg $0x0  }
0xb0: {  	[dreg:$0x4] =	wrdreg $0x9  }
0xb1: {  	_ =	task.clear_ibuf [dreg:s6], $0x5FFFF;
	_ =	strace $0x90000046  }
0xb2: {  	s29 =	simm.s32 $0x9;
	_ =	strace $0x80000048  }
0xb3: {  	_ =	swait.ge [sflag:s29], $0x1  }
0xb4: {  	[sflag:s29] =	ssyncadd.s32 $0xFFFFFFFF  }
0xb5: {  	_ =	strace $0x90000048  }
0xb6: {  	_ =	sfence  }
0xb7: {  	s30 =	sld [smem:$0x0];
	_ =	sdelay $0x2  }
0xb8: {  	s31 =	sshll.u32 s1, $0xD;
	s1 =	sshrl.u32 s1, $0x2  }
0xb9: {  	s3 =	sand.u32 $0x4000, s31;
	s1 =	sadd.s32 s1, s30  }
0xba: {  	s0 =	sor.u32 s3, s0;
	s1 =	sshll.u32 s1, $0x11  }
0xbb: {  	s0 =	sor.u32 s1, s0  }
0xbc: {  	s0 =	sadd.s32 $0x8F2B, s0  }
0xbd: {  	[sflag:s0] =	ssyncadd.remote.s32 $0x1  }
0xbe: {  	_ =	sfence.sel $0xFFFF  }
0xbf: {  	[dreg:$0x0] =	wrdreg $0xFFFFFFFF;
	(pc) =	sbr.abs _section_cstart, $3  }
0xc0: {  	[dreg:$0x1] =	wrdreg $0xFFFFFFFF  }
0xc1: {  	_ =	task.clear_ibuf [dreg:s6], $0x2FFFF;
	_ =	strace $0x9FFFFFFF  }
0xc2: {  	(tm) =	ssettm $0x7FFFFFFF  }
0xc3: {  	_ =	shalt  }
tec
execute0_lowered:
.L_overlay_start_1:
0x0: {  	(tag) =	ssettag $0x1  }
0x1: {  	s5 =	rddreg [dreg:$0x0]  }
0x2: {  	s1 =	rddreg [dreg:$0x1]  }
0x3: {  	s2 =	srdreg.scid;
	s0 =	rddreg [dreg:$0x2];
	s3 =	simm.s32 $0x0  }
0x4: {  	s10 =	simm.s32 $0xE200;
	s11 =	simm.s32 $0x80;
	s12 =	simm.s32 $0x1680  }
0x5: {  	s15 =	simm.s32 $0x0;
	s4 =	sand.u32 $0x1, s2;
	s2 =	stileid.u32  }
0x6: {  	[smem:$0x7FF] =	sst s3;
	s6 =	sshll.u32 s4, $0x4;
	s7 =	ssub.s32 $0x2, s4  }
0x7: {  	_ =	strace $0x80000047;
	s9 =	smul.u32 $0x280, s2;
	p0 =	seq.s32 s4, $0x1  }
0x8: {  	s13 =	sshll.u32 s2, $0x6;
	s6 =	sor.u32 s2, s6;
	s8 =	sshrl.u32 s7, $0x1  }
0x9: {  	s10 =	simm.s32 @!p0 $0xE800;
	s13 =	sor.u32 $0x1C01, s13;
	s6 =	smul.u32 $0x280, s6  }
0xa: {  	s7 =	ssub.s32 s7, s8;
	s4 =	sadd.s32 s9, s1;
	s30 =	sshrl.u32 s9, $0x3  }
0xb: {  	s31 =	sadd.s32 s10, s5;
	s8 =	simm.s32 $0x1700;
	s9 =	simm.s32 $0x1  }
0xc: {  	s10 =	simm.s32 $0x280;
	s14 =	sshrl.u32 s4, $0x3;
	s6 =	sadd.s32 s6, s5  }
0xd: {  	v0 =	vimm.f32 $0.0e+00;
	v1 =	vimm.f32 $1.000000000e+00;
	s5 =	sadd.s32 $0x4200, s6;
	s6 =	smax.u32 s7, $0x1;
	s7 =	sadd.s32 s31, s30  }
.LBB2_1:
0xe: {  	[tilespmem:$0x1700] =	vst v0  }
0xf: {  	[tilespmem:$0x1710] =	vst v0  }
0x10: {  	[tilespmem:$0x1720] =	vst v0  }
0x11: {  	[tilespmem:$0x1730] =	vst v0  }
0x12: {  	[tilespmem:$0x1740] =	vst v0  }
0x13: {  	[tilespmem:$0x1750] =	vst v0  }
0x14: {  	[tilespmem:$0x1760] =	vst v0  }
0x15: {  	[tilespmem:$0x1770] =	vst v0  }
0x16: {  	[tilespmem:$0x1780] =	vst v0  }
0x17: {  	[tilespmem:$0x1790] =	vst v0  }
0x18: {  	[tilespmem:$0x17A0] =	vst v0  }
0x19: {  	[tilespmem:$0x17B0] =	vst v0  }
0x1a: {  	[tilespmem:$0x17C0] =	vst v0  }
0x1b: {  	[tilespmem:$0x17D0] =	vst v0  }
0x1c: {  	[tilespmem:$0x17E0] =	vst v0  }
0x1d: {  	[tilespmem:$0x17F0] =	vst v0  }
0x1e: {  	[tilespmem:$0x1800] =	vst v0  }
0x1f: {  	[tilespmem:$0x1810] =	vst v0  }
0x20: {  	[tilespmem:$0x1820] =	vst v0  }
0x21: {  	[tilespmem:$0x1830] =	vst v0  }
0x22: {  	[tilespmem:$0x1840] =	vst v0  }
0x23: {  	[tilespmem:$0x1850] =	vst v0  }
0x24: {  	[tilespmem:$0x1860] =	vst v0  }
0x25: {  	[tilespmem:$0x1870] =	vst v0  }
0x26: {  	[tilespmem:$0x1880] =	vst v0  }
0x27: {  	[tilespmem:$0x1890] =	vst v0  }
0x28: {  	[tilespmem:$0x18A0] =	vst v0  }
0x29: {  	[tilespmem:$0x18B0] =	vst v0  }
0x2a: {  	[tilespmem:$0x18C0] =	vst v0  }
0x2b: {  	[tilespmem:$0x18D0] =	vst v0  }
0x2c: {  	[tilespmem:$0x18E0] =	vst v0  }
0x2d: {  	[tilespmem:$0x18F0] =	vst v0  }
0x2e: {  	[tilespmem:$0x1900] =	vst v0  }
0x2f: {  	[tilespmem:$0x1910] =	vst v0  }
0x30: {  	[tilespmem:$0x1920] =	vst v0  }
0x31: {  	[tilespmem:$0x1930] =	vst v0  }
0x32: {  	[tilespmem:$0x1940] =	vst v0  }
0x33: {  	[tilespmem:$0x1950] =	vst v0  }
0x34: {  	[tilespmem:$0x1960] =	vst v0  }
0x35: {  	[tilespmem:$0x1970] =	vst v0  }
0x36: {  	[tilespmem:$0x1680] =	vst v1  }
0x37: {  	[tilespmem:$0x1690] =	vst v1  }
0x38: {  	[tilespmem:$0x16A0] =	vst v1  }
0x39: {  	[tilespmem:$0x16B0] =	vst v1  }
0x3a: {  	[tilespmem:$0x16C0] =	vst v1  }
0x3b: {  	[tilespmem:$0x16D0] =	vst v1  }
0x3c: {  	[tilespmem:$0x16E0] =	vst v1  }
0x3d: {  	[tilespmem:$0x16F0] =	vst v1  }
0x3e: {  	[spmem:s4] =	stream.linear.scatter [tilespmem:s8], [sflag:$0x1], $0x280, $0x38;
	[tilespmem:$0x1980] =	vst v63  }
0x3f: {  	_ =	swait.ge [sflag:s9], $0x280  }
0x40: {  	[sflag:s9] =	ssyncset.done $0x0  }
0x41: {  	[sflag:s9] =	ssyncadd.s32 $0xFFFFFD80  }
0x42: {  	[tilespmem:s10], [sflag:$0x1] =	stream.linear.gather [hbm4b:s5+s3], $0x1400, $0x38;
	[tilespmem:$0x1980] =	vst v63  }
0x43: {  	_ =	swait.ge [sflag:s9], $0x1400  }
0x44: {  	[sflag:s9] =	ssyncset.done $0x0  }
0x45: {  	[sflag:s9] =	ssyncadd.s32 $0xFFFFEC00  }
0x46: {  	s16 =	simm.s32 $0x280;
	[bflag:$0x0] =	sbarrier.arrive $0xFFFF  }
0x47: {  	[spmem:s1] =	stream.indirect.scatter.add.f32 [tilespmem:s12], [sflag:$0x1], $0x1, s16, s11, $0xb8;
	[tilespmem:$0x1980] =	vst v63  }
0x48: {  	s16 =	simm.s32 $0x200;
	_ =	swait.ge [sflag:s9], $0x80  }
.LBB2_2:
0x49: {  	s17 =	sshra.s32 s16, $0x2;
	[sflag:s9] =	ssyncset.done $0x0;
	p0 =	sne.s32 s16, $0x4E00  }
.Ltmp0:
0x4a: {  	s17 =	sadd.s32 $0x280, s17;
	[sflag:s9] =	ssyncadd.s32 $0xFFFFFF80;
	(pc) =	sbr.rel @p0 .LBB2_2-.Ltmp0, $3  }
0x4b: {  	[spmem:s1] =	stream.indirect.scatter.add.f32 [tilespmem:s12], [sflag:$0x1], $0x1, s17, s11, $0xb8;
	[tilespmem:$0x1980] =	vst v63  }
0x4c: {  	s16 =	sadd.s32 $0x200, s16;
	_ =	sdelay $0x1  }
0x4d: {  	_ =	swait.ge [sflag:s9], $0x80  }
0x4e: {  	[sflag:s9] =	ssyncset.done $0x0;
	s15 =	sadd.s32 $0x1, s15  }
0x4f: {  	[sflag:s9] =	ssyncadd.s32 $0xFFFFFF80;
	p0 =	sne.s32 s15, s6  }
.Ltmp1:
0x50: {  	[bflag:$0x0] =	sbarrier.arrive $0xFFFF;
	(pc) =	sbr.rel @p0 .LBB2_1-.Ltmp1, $4  }
0x51: {  	[hbm:s7], [sflag:s13] =	dma.local [spmem:s14], $0x50  }
0x52: {  	_ =	swait.ge [sflag:s9], $0x50  }
0x53: {  	[sflag:s9] =	ssyncset.done $0x0  }
0x54: {  	[sflag:s9] =	ssyncadd.s32 $0xFFFFFFB0  }
0x55: {  	_ =	sfence.sel $0x180000  }
0x56: {  	[bflag:$0x0] =	sbarrier.arrive $0xFFFF  }
0x57: {  	p0 =	sne.s32 s2, $0x0;
	_ =	strace $0x90000047  }
0x58: {  	s0 =	sadd.s32 @!p0 $0x100000, s0;
	[bflag:$0x2] =	sbarrier.arrive $0xFFFF  }
0x59: {  	[sflag:s0] =	ssyncadd.tile.s32 @!p0 $0x1;
	_ =	shalt  }
.Lfunc_end2:
_tile_overlayer_lowered:
.L_overlay_start_2:
0x5a: {  	(tag) =	ssettag $0x2  }
0x5b: {  	s0 =	rddreg [dreg:$0x0];
	s2 =	stileid.u32  }
0x5c: {  	s1 =	rddreg [dreg:$0x1];
	p0 =	sne.s32 s2, $0x0  }
0x5d: {  	s3 =	rddreg [dreg:$0x2];
	[bflag:$0x3] =	sbarrier.arrive $0xFFFF;
	s2 =	simm.s32 @!p0 $0x1C01  }
0x5e: {  	[timem:s3], [sflag:s2] =	dma.local @!p0 [hbm:s0], s1  }
0x5f: {  	s0 =	simm.s32 @!p0 $0x1  }
0x60: {  	_ =	swait.ge @!p0 [sflag:s0], s1  }
0x61: {  	s1 =	ssub.s32 @!p0 $0x0, s1;
	[sflag:s0] =	ssyncset.done @!p0 $0x0  }
0x62: {  	[sflag:s0] =	ssyncadd.s32 @!p0 s1  }
0x63: {  	[bflag:$0x3] =	sbarrier.arrive $0xFFFF  }
0x64: {  	_ =	shalt  }

</sc_bundles>
